<compile_context>
chip_gen: v7x
topology: tpu7x:2x2x1
jax: 0.10.2.dev20260603
libtpu: 0.0.44.dev20260713+nightly
codegen_flags: <defaults>
</compile_context>

<pallas_src>
import functools

import jax
import jax.numpy as jnp
from jax import lax
from jax.experimental import pallas as pl
from jax.experimental.pallas import tpu as pltpu
from jax.experimental.pallas import tpu_sc as plsc

D = 768
E = 64
DFF = 768
CAP_FACTOR = 1.25
THRESH = 0.2
LOSS_COEF = 0.01
TB = 256
TK = 64


def _routing_a(x_ref, wg_ref, u_ref,
               idx1_ref, p1_ref, keep1_ref, g1_ref,
               idx2_ref, g2_ref, keep2r_ref, cntf_ref, gsum_ref,
               C: int):
    j = pl.program_id(0)

    @pl.when(j == 0)
    def _():
        cntf_ref[...] = jnp.zeros_like(cntf_ref)
        gsum_ref[...] = jnp.zeros_like(gsum_ref)

    x = x_ref[...]
    logits = jax.lax.dot_general(x, wg_ref[...], (((1,), (0,)), ((), ())),
                                 preferred_element_type=jnp.float32)
    m = jnp.max(logits, axis=-1, keepdims=True)
    ex = jnp.exp(logits - m)
    raw = ex / jnp.sum(ex, axis=-1, keepdims=True)

    lane = jax.lax.broadcasted_iota(jnp.int32, (TB, E), 1)
    g1v = jnp.max(raw, axis=-1, keepdims=True)
    i1 = jnp.min(jnp.where(raw == g1v, lane, E), axis=-1, keepdims=True)
    mask1 = (lane == i1).astype(jnp.float32)
    wo1 = raw * (1.0 - mask1)
    g2v = jnp.max(wo1, axis=-1, keepdims=True)
    i2 = jnp.min(jnp.where(wo1 == g2v, lane, E), axis=-1, keepdims=True)

    denom = g1v + g2v + 1e-9
    g1 = g1v / denom
    g2 = g2v / denom
    keep2r = (u_ref[...] < jnp.clip(g2 / THRESH, 0.0, 1.0)).astype(jnp.float32)

    row = jax.lax.broadcasted_iota(jnp.int32, (TB, TB), 0)
    col = jax.lax.broadcasted_iota(jnp.int32, (TB, TB), 1)
    lstrict = (col < row).astype(jnp.float32)
    pos1 = jax.lax.dot_general(lstrict, mask1, (((1,), (0,)), ((), ())),
                               preferred_element_type=jnp.float32) + cntf_ref[...]
    cntf_ref[...] += jnp.sum(mask1, axis=0, keepdims=True)
    gsum_ref[...] += jnp.sum(raw, axis=0, keepdims=True)
    m1c = mask1 * (pos1 < C).astype(jnp.float32)
    keep1 = jnp.sum(m1c, axis=-1, keepdims=True)
    p1 = jnp.sum(pos1 * m1c, axis=-1, keepdims=True).astype(jnp.int32)

    idx1_ref[...] = i1
    idx2_ref[...] = i2
    p1_ref[...] = p1
    keep1_ref[...] = keep1
    g1_ref[...] = g1
    g2_ref[...] = g2
    keep2r_ref[...] = keep2r


def _routing_b(idx2_ref, keep2r_ref, cntf_ref, p2_ref, keep2_ref, cnt2c_ref,
               cnt2_ref, C: int):
    j = pl.program_id(0)

    @pl.when(j == 0)
    def _():
        cnt2_ref[...] = jnp.zeros_like(cnt2_ref)
        cnt2c_ref[...] = jnp.zeros_like(cnt2c_ref)

    lane = jax.lax.broadcasted_iota(jnp.int32, (TB, E), 1)
    mask2 = (lane == idx2_ref[...]).astype(jnp.float32) * keep2r_ref[...]
    cnt1 = jnp.minimum(cntf_ref[...], float(C))
    row = jax.lax.broadcasted_iota(jnp.int32, (TB, TB), 0)
    col = jax.lax.broadcasted_iota(jnp.int32, (TB, TB), 1)
    lstrict = (col < row).astype(jnp.float32)
    pos2 = (jax.lax.dot_general(lstrict, mask2, (((1,), (0,)), ((), ())),
                                preferred_element_type=jnp.float32)
            + cnt2_ref[...] + cnt1)
    cnt2_ref[...] += jnp.sum(mask2, axis=0, keepdims=True)
    m2c = mask2 * (pos2 < C).astype(jnp.float32)
    cnt2c_ref[...] += jnp.sum(m2c, axis=0, keepdims=True)
    keep2_ref[...] = jnp.sum(m2c, axis=-1, keepdims=True)
    p2_ref[...] = jnp.sum(pos2 * m2c, axis=-1, keepdims=True).astype(jnp.int32)


def _expert_ffn(xd_ref, wslot_ref, w1_ref, b1_ref, w2_ref, b2_ref, odw_ref):
    e = pl.program_id(0)

    @pl.when(e < E)
    def _():
        h = jax.lax.dot_general(xd_ref[...].astype(jnp.bfloat16),
                                w1_ref[0].astype(jnp.bfloat16),
                                (((1,), (0,)), ((), ())),
                                preferred_element_type=jnp.float32)
        h = jnp.maximum(h + b1_ref[0], 0.0).astype(jnp.bfloat16)
        o = jax.lax.dot_general(h, w2_ref[0].astype(jnp.bfloat16),
                                (((1,), (0,)), ((), ())),
                                preferred_element_type=jnp.float32) + b2_ref[0]
        odw_ref[...] = o * wslot_ref[0]

    @pl.when(e == E)
    def _():
        odw_ref[...] = jnp.zeros_like(odw_ref)


def _make_sc_gather(n_rows, table_rows):
    nw = 32
    per_w = n_rows // nw
    chunk = 64
    nch = per_w // chunk
    mesh = plsc.VectorSubcoreMesh(core_axis_name="c", subcore_axis_name="s")

    @functools.partial(
        pl.kernel, mesh=mesh,
        out_type=jax.ShapeDtypeStruct((n_rows, D), jnp.float32),
        scratch_types=[
            pltpu.VMEM((per_w,), jnp.int32),
            pltpu.VMEM((chunk, D), jnp.float32),
            pltpu.VMEM((chunk, D), jnp.float32),
            pltpu.SemaphoreType.DMA,
            pltpu.SemaphoreType.DMA,
        ],
    )
    def gather(table_hbm, idx_hbm, out_hbm, idx_v, rb0, rb1, sem0, sem1):
        wid = lax.axis_index("s") * 2 + lax.axis_index("c")
        base = wid * per_w
        pltpu.sync_copy(idx_hbm.at[pl.ds(base, per_w)], idx_v)
        bufs = (rb0, rb1)
        sems = (sem0, sem1)

        def fire(j):
            return pltpu.async_copy(
                table_hbm.at[idx_v.at[pl.ds(j * chunk, chunk)]],
                bufs[j % 2], sems[j % 2])

        handles = [fire(0)]
        for j in range(nch):
            handles[j].wait()
            if j + 1 < nch:
                handles.append(fire(j + 1))
            pltpu.sync_copy(bufs[j % 2],
                            out_hbm.at[pl.ds(base + j * chunk, chunk)])

    return gather


def _add_halves(a_ref, b_ref, o_ref):
    o_ref[...] = a_ref[...] + b_ref[...]


def kernel(hidden_states, w_gate, W1, b1, W2, b2):
    orig_shape = hidden_states.shape
    x = hidden_states.reshape(-1, hidden_states.shape[-1])
    T = x.shape[0]
    C = int(2 * CAP_FACTOR * T / E)
    nb = T // TB

    u = jax.random.uniform(jax.random.key(1), (T,), dtype=jnp.float32)
    u2 = u.reshape(T, 1)

    f32 = jnp.float32
    i32 = jnp.int32
    outs_a = (
        jax.ShapeDtypeStruct((T, 1), i32),
        jax.ShapeDtypeStruct((T, 1), i32),
        jax.ShapeDtypeStruct((T, 1), f32),
        jax.ShapeDtypeStruct((T, 1), f32),
        jax.ShapeDtypeStruct((T, 1), i32),
        jax.ShapeDtypeStruct((T, 1), f32),
        jax.ShapeDtypeStruct((T, 1), f32),
        jax.ShapeDtypeStruct((1, E), f32),
        jax.ShapeDtypeStruct((1, E), f32),
    )
    tb_spec = pl.BlockSpec((TB, 1), lambda j: (j, 0))
    acc_spec = pl.BlockSpec((1, E), lambda j: (0, 0))
    idx1, p1, keep1, g1, idx2, g2, keep2r, cntf, gsum = pl.pallas_call(
        lambda *refs: _routing_a(*refs, C=C),
        grid=(nb,),
        in_specs=[
            pl.BlockSpec((TB, D), lambda j: (j, 0)),
            pl.BlockSpec((D, E), lambda j: (0, 0)),
            tb_spec,
        ],
        out_specs=(tb_spec,) * 7 + (acc_spec, acc_spec),
        out_shape=outs_a,
        compiler_params=pltpu.CompilerParams(
            dimension_semantics=("arbitrary",)),
    )(x, w_gate, u2)

    p2, keep2, cnt2c = pl.pallas_call(
        lambda *refs: _routing_b(*refs, C=C),
        grid=(nb,),
        in_specs=[tb_spec, tb_spec, acc_spec],
        out_specs=(tb_spec, tb_spec, acc_spec),
        out_shape=(jax.ShapeDtypeStruct((T, 1), i32),
                   jax.ShapeDtypeStruct((T, 1), f32),
                   jax.ShapeDtypeStruct((1, E), f32)),
        scratch_shapes=[pltpu.VMEM((1, E), f32)],
        compiler_params=pltpu.CompilerParams(
            dimension_semantics=("arbitrary",)),
    )(idx2, keep2r, cntf)

    tid = jnp.arange(T, dtype=i32)
    i1 = idx1[:, 0]
    i2 = idx2[:, 0]
    p1f = p1[:, 0]
    p2f = p2[:, 0]
    e1s = jnp.where(keep1[:, 0] > 0, i1, E)
    e2s = jnp.where(keep2[:, 0] > 0, i2, E)
    assign = jnp.full((E, C), -1, i32)
    assign = assign.at[e1s, p1f].set(tid, mode="drop")
    assign = assign.at[e2s, p2f].set(tid, mode="drop")
    wslot = jnp.zeros((E, C), f32)
    wslot = wslot.at[e1s, p1f].set(g1[:, 0], mode="drop")
    wslot = wslot.at[e2s, p2f].set(g2[:, 0], mode="drop")
    af = assign.reshape(E * C)
    spread = (jnp.arange(E * C, dtype=i32) * 13) % T
    assign_flat = jnp.where(af >= 0, af, spread)
    xd = _make_sc_gather(E * C, T)(x, assign_flat)

    zrow = E * C
    odw = pl.pallas_call(
        _expert_ffn,
        grid=(E + 1,),
        in_specs=[
            pl.BlockSpec((C, D), lambda e: (e - e // E, 0)),
            pl.BlockSpec((1, C, 1), lambda e: (e - e // E, 0, 0)),
            pl.BlockSpec((1, D, DFF), lambda e: (e - e // E, 0, 0)),
            pl.BlockSpec((1, 1, DFF), lambda e: (e - e // E, 0, 0)),
            pl.BlockSpec((1, DFF, D), lambda e: (e - e // E, 0, 0)),
            pl.BlockSpec((1, 1, D), lambda e: (e - e // E, 0, 0)),
        ],
        out_specs=pl.BlockSpec((C, D), lambda e: (e, 0)),
        out_shape=jax.ShapeDtypeStruct(((E + 1) * C, D), f32),
        compiler_params=pltpu.CompilerParams(
            dimension_semantics=("arbitrary",)),
    )(xd, wslot.reshape(E, C, 1),
      W1, b1.reshape(E, 1, DFF),
      W2, b2.reshape(E, 1, D))

    zspread = zrow + (tid % C)
    loc1 = jnp.where(keep1[:, 0] > 0, i1 * C + p1f, zspread)
    loc2 = jnp.where(keep2[:, 0] > 0, i2 * C + p2f, zspread)
    locs = jnp.concatenate([loc1, loc2])
    y12 = _make_sc_gather(2 * T, (E + 1) * C)(odw, locs)
    yb = T // TB
    y = pl.pallas_call(
        _add_halves,
        grid=(yb,),
        in_specs=[
            pl.BlockSpec((TB, D), lambda j: (j, 0)),
            pl.BlockSpec((TB, D), lambda j: (j + yb, 0)),
        ],
        out_specs=pl.BlockSpec((TB, D), lambda j: (j, 0)),
        out_shape=jax.ShapeDtypeStruct((T, D), f32),
    )(y12, y12)

    density = cntf[0] / T
    density_proxy = gsum[0] / T
    loss = jnp.mean(density * density_proxy) * (E * E) * LOSS_COEF
    return y.reshape(orig_shape), loss

# --- scband reference (transcript-rebuilt; emitter-appended) ---
"""Pipeline reference for scband-mo-e-66752381715016 (READ-ONLY COPY).

The authoritative reference and input builder live on the scoring server;
editing this copy changes nothing except your own understanding.
"""

import jax, jax.numpy as jnp
import numpy as np

B, S, D = 4, 2048, 768
E = 64
DFF = 768
CAP_FACTOR = 1.25
THRESH = 0.2
LOSS_COEF = 0.01


def setup_inputs(seed: int = 0) -> dict:
    key = jax.random.key(seed)
    ks = jax.random.split(key, 6)
    hidden_states = jax.random.normal(ks[0], (B, S, D), dtype=jnp.float32)
    w_gate = jax.random.normal(ks[1], (D, E), dtype=jnp.float32) * 0.02
    W1 = jax.random.normal(ks[2], (E, D, DFF), dtype=jnp.float32) * 0.02
    b1 = jnp.zeros((E, DFF), dtype=jnp.float32)
    W2 = jax.random.normal(ks[3], (E, DFF, D), dtype=jnp.float32) * 0.02
    b2 = jnp.zeros((E, D), dtype=jnp.float32)
    return {"hidden_states": hidden_states, "w_gate": w_gate, "W1": W1, "b1": b1, "W2": W2, "b2": b2}


def _moe(hidden_states, w_gate, W1, b1, W2, b2):
    x = hidden_states.reshape(-1, hidden_states.shape[-1])
    T, d = x.shape
    C = int(2 * CAP_FACTOR * T / E)
    logits = x @ w_gate
    raw_gates = jax.nn.softmax(logits, axis=-1)
    # top-1 expert
    idx1 = jnp.argmax(raw_gates, axis=-1)
    mask1_full = jax.nn.one_hot(idx1, E, dtype=raw_gates.dtype)
    gate1 = jnp.sum(raw_gates * mask1_full, axis=-1)
    # top-2 expert (excluding top-1)
    gates_wo1 = raw_gates * (1.0 - mask1_full)
    idx2 = jnp.argmax(gates_wo1, axis=-1)
    mask2_full = jax.nn.one_hot(idx2, E, dtype=raw_gates.dtype)
    gate2 = jnp.sum(gates_wo1 * mask2_full, axis=-1)
    denom = gate1 + gate2 + 1e-9
    g1 = gate1 / denom
    g2 = gate2 / denom
    # second_policy = 'random': keep 2nd expert with prob gate2/threshold (t2t style)
    u = jax.random.uniform(jax.random.key(1), (T,), dtype=raw_gates.dtype)
    keep2_rand = (u < jnp.clip(g2 / THRESH, 0.0, 1.0)).astype(raw_gates.dtype)
    mask2 = mask2_full * keep2_rand[:, None]
    # capacity-constrained positions (scatter-based dispatch)
    pos1 = jnp.cumsum(mask1_full, axis=0) - mask1_full
    mask1 = mask1_full * (pos1 < C).astype(raw_gates.dtype)
    keep1 = jnp.sum(mask1, axis=-1)
    p1 = jnp.sum(pos1 * mask1, axis=-1).astype(jnp.int32)
    count1 = jnp.sum(mask1, axis=0)
    pos2 = jnp.cumsum(mask2, axis=0) - mask2 + count1[None, :]
    mask2 = mask2 * (pos2 < C).astype(raw_gates.dtype)
    keep2 = jnp.sum(mask2, axis=-1)
    p2 = jnp.sum(pos2 * mask2, axis=-1).astype(jnp.int32)
    p1 = jnp.clip(p1, 0, C - 1)
    p2 = jnp.clip(p2, 0, C - 1)
    # scatter tokens into per-expert buffers [E, C, d]
    disp = jnp.zeros((E, C, d), dtype=x.dtype)
    disp = disp.at[idx1, p1].add(x * keep1[:, None])
    disp = disp.at[idx2, p2].add(x * keep2[:, None])
    # expert FFN
    h = jax.nn.relu(jnp.einsum('ecd,edf->ecf', disp, W1) + b1[:, None, :])
    eo = jnp.einsum('ecf,efd->ecd', h, W2) + b2[:, None, :]
    # gather back and combine with gates
    y = (g1 * keep1)[:, None] * eo[idx1, p1] + (g2 * keep2)[:, None] * eo[idx2, p2]
    # load-balancing aux loss
    density = jnp.mean(mask1_full, axis=0)
    density_proxy = jnp.mean(raw_gates, axis=0)
    loss = jnp.mean(density * density_proxy) * (E * E) * LOSS_COEF
    return y.reshape(hidden_states.shape), loss


def reference(hidden_states, w_gate, W1, b1, W2, b2):
    out, loss = _moe(hidden_states, w_gate, W1, b1, W2, b2)
    # torch.nn.Dropout is identity in eval mode
    return out, loss

if __name__ == "__main__":
    import jax
    _d = setup_inputs()
    print(jax.jit(kernel)(*tuple(_d.values())))

</pallas_src>

<mosaic_0001>
#map = affine_map<(d0, d1) -> (0, 0)>
#map1 = affine_map<(d0, d1) -> (0)>
module attributes {stable_mosaic.version = 14 : i64} {
  func.func @gather(%arg0: i32, %arg1: i32, %arg2: memref<8192x768xf32, #tpu.memory_space<hbm>>, %arg3: memref<20480xi32, #tpu.memory_space<hbm>>, %arg4: memref<20480x768xf32, #tpu.memory_space<hbm>>, %arg5: memref<640xi32, #tpu.memory_space<vmem>>, %arg6: memref<64x768xf32, #tpu.memory_space<vmem>>, %arg7: memref<64x768xf32, #tpu.memory_space<vmem>>, %arg8: memref<!tpu.dma_semaphore, #tpu.memory_space<semaphore_mem>>, %arg9: memref<!tpu.dma_semaphore, #tpu.memory_space<semaphore_mem>>) attributes {dimension_semantics = [#tpu.dimension_semantics<core_parallel>, #tpu.dimension_semantics<subcore_parallel>], iteration_bounds = array<i64: 2, 16>, scalar_prefetch = 0 : i64, scratch_operands = 5 : i64, tpu.core_type = #tpu.core_type<sc_vector_subcore>, window_params = [{transform_indices = #map}, {transform_indices = #map1}, {transform_indices = #map}]} {
    %mul3A = arith.constant 2 : i32
    %mul3A_0 = arith.muli %arg1, %mul3A : i32
    %add3A = arith.addi %mul3A_0, %arg0 : i32
    %mul3A_1 = arith.constant 640 : i32
    %mul3A_2 = arith.muli %add3A, %mul3A_1 : i32
    "tpu.region"() ({
      %run_scoped3A = tpu.sem_alloc : memref<!tpu.dma_semaphore, #tpu.memory_space<semaphore_mem>>
      %dma_start3A_121 = tpu.memref_slice %arg3[%mul3A_2] : memref<20480xi32, #tpu.memory_space<hbm>> -> memref<640xi32, #tpu.memory_space<hbm>>
      %dma_start3A_122 = tpu.memref_slice %arg3[%mul3A_2] : memref<20480xi32, #tpu.memory_space<hbm>> -> memref<640xi32, #tpu.memory_space<hbm>>
      tpu.enqueue_dma source(%dma_start3A_122 : memref<640xi32, #tpu.memory_space<hbm>>) target(%arg5 : memref<640xi32, #tpu.memory_space<vmem>>) target_semaphore(%run_scoped3A : memref<!tpu.dma_semaphore, #tpu.memory_space<semaphore_mem>>)
      %dma_wait3A_123 = tpu.memref_slice %arg3[%mul3A_2] : memref<20480xi32, #tpu.memory_space<hbm>> -> memref<640xi32, #tpu.memory_space<hbm>>
      %dma_wait3A_124 = tpu.memref_slice %arg3[%mul3A_2] : memref<20480xi32, #tpu.memory_space<hbm>> -> memref<640xi32, #tpu.memory_space<hbm>>
      tpu.wait_dma2 semaphore(%run_scoped3A : memref<!tpu.dma_semaphore, #tpu.memory_space<semaphore_mem>>) src(%dma_wait3A_124 : memref<640xi32, #tpu.memory_space<hbm>>) dst(%arg5 : memref<640xi32, #tpu.memory_space<vmem>>)
      tpu.yield
    }) : () -> ()
    %dma_start3A = arith.constant 0 : i32
    %dma_start3A_3 = tpu.memref_slice %arg5[%dma_start3A] : memref<640xi32, #tpu.memory_space<vmem>> -> memref<64xi32, #tpu.memory_space<vmem>>
    %dma_start3A_4 = arith.constant 0 : i32
    %dma_start3A_5 = arith.constant 0 : i32
    %dma_start3A_6 = tpu.memref_slice %arg2[%dma_start3A_4, %dma_start3A_5] : memref<8192x768xf32, #tpu.memory_space<hbm>> -> memref<8192x768xf32, #tpu.memory_space<hbm>>
    tpu.enqueue_indirect_dma source(%dma_start3A_6 : memref<8192x768xf32, #tpu.memory_space<hbm>>) target(%arg6 : memref<64x768xf32, #tpu.memory_space<vmem>>) offsets(%dma_start3A_3 : memref<64xi32, #tpu.memory_space<vmem>>) semaphore(%arg8 : memref<!tpu.dma_semaphore, #tpu.memory_space<semaphore_mem>>)
    %dma_wait3A = arith.constant 0 : i32
    %dma_wait3A_7 = tpu.memref_slice %arg5[%dma_wait3A] : memref<640xi32, #tpu.memory_space<vmem>> -> memref<64xi32, #tpu.memory_space<vmem>>
    %dma_wait3A_8 = arith.constant 0 : i32
    %dma_wait3A_9 = arith.constant 0 : i32
    %dma_wait3A_10 = tpu.memref_slice %arg2[%dma_wait3A_8, %dma_wait3A_9] : memref<8192x768xf32, #tpu.memory_space<hbm>> -> memref<8192x768xf32, #tpu.memory_space<hbm>>
    tpu.wait_indirect_dma semaphore(%arg8 : memref<!tpu.dma_semaphore, #tpu.memory_space<semaphore_mem>>) src(%dma_wait3A_10 : memref<8192x768xf32, #tpu.memory_space<hbm>>) dst(%arg6 : memref<64x768xf32, #tpu.memory_space<vmem>>)
    %dma_start3A_11 = arith.constant 64 : i32
    %dma_start3A_12 = tpu.memref_slice %arg5[%dma_start3A_11] : memref<640xi32, #tpu.memory_space<vmem>> -> memref<64xi32, #tpu.memory_space<vmem>>
    %dma_start3A_13 = arith.constant 0 : i32
    %dma_start3A_14 = arith.constant 0 : i32
    %dma_start3A_15 = tpu.memref_slice %arg2[%dma_start3A_13, %dma_start3A_14] : memref<8192x768xf32, #tpu.memory_space<hbm>> -> memref<8192x768xf32, #tpu.memory_space<hbm>>
    tpu.enqueue_indirect_dma source(%dma_start3A_15 : memref<8192x768xf32, #tpu.memory_space<hbm>>) target(%arg7 : memref<64x768xf32, #tpu.memory_space<vmem>>) offsets(%dma_start3A_12 : memref<64xi32, #tpu.memory_space<vmem>>) semaphore(%arg9 : memref<!tpu.dma_semaphore, #tpu.memory_space<semaphore_mem>>)
    %add3A_16 = arith.constant 0 : i32
    %add3A_17 = arith.addi %mul3A_2, %add3A_16 : i32
    "tpu.region"() ({
      %run_scoped3A = tpu.sem_alloc : memref<!tpu.dma_semaphore, #tpu.memory_space<semaphore_mem>>
      %dma_start3A_121 = arith.constant 0 : i32
      %dma_start3A_122 = tpu.memref_slice %arg4[%add3A_17, %dma_start3A_121] : memref<20480x768xf32, #tpu.memory_space<hbm>> -> memref<64x768xf32, #tpu.memory_space<hbm>>
      %dma_start3A_123 = arith.constant 0 : i32
      %dma_start3A_124 = tpu.memref_slice %arg4[%add3A_17, %dma_start3A_123] : memref<20480x768xf32, #tpu.memory_space<hbm>> -> memref<64x768xf32, #tpu.memory_space<hbm>>
      tpu.enqueue_dma source(%arg6 : memref<64x768xf32, #tpu.memory_space<vmem>>) target(%dma_start3A_124 : memref<64x768xf32, #tpu.memory_space<hbm>>) target_semaphore(%run_scoped3A : memref<!tpu.dma_semaphore, #tpu.memory_space<semaphore_mem>>)
      %dma_wait3A_125 = arith.constant 0 : i32
      %dma_wait3A_126 = tpu.memref_slice %arg4[%add3A_17, %dma_wait3A_125] : memref<20480x768xf32, #tpu.memory_space<hbm>> -> memref<64x768xf32, #tpu.memory_space<hbm>>
      %dma_wait3A_127 = arith.constant 0 : i32
      %dma_wait3A_128 = tpu.memref_slice %arg4[%add3A_17, %dma_wait3A_127] : memref<20480x768xf32, #tpu.memory_space<hbm>> -> memref<64x768xf32, #tpu.memory_space<hbm>>
      tpu.wait_dma2 semaphore(%run_scoped3A : memref<!tpu.dma_semaphore, #tpu.memory_space<semaphore_mem>>) src(%arg6 : memref<64x768xf32, #tpu.memory_space<vmem>>) dst(%dma_wait3A_128 : memref<64x768xf32, #tpu.memory_space<hbm>>)
      tpu.yield
    }) : () -> ()
    %dma_wait3A_18 = arith.constant 64 : i32
    %dma_wait3A_19 = tpu.memref_slice %arg5[%dma_wait3A_18] : memref<640xi32, #tpu.memory_space<vmem>> -> memref<64xi32, #tpu.memory_space<vmem>>
    %dma_wait3A_20 = arith.constant 0 : i32
    %dma_wait3A_21 = arith.constant 0 : i32
    %dma_wait3A_22 = tpu.memref_slice %arg2[%dma_wait3A_20, %dma_wait3A_21] : memref<8192x768xf32, #tpu.memory_space<hbm>> -> memref<8192x768xf32, #tpu.memory_space<hbm>>
    tpu.wait_indirect_dma semaphore(%arg9 : memref<!tpu.dma_semaphore, #tpu.memory_space<semaphore_mem>>) src(%dma_wait3A_22 : memref<8192x768xf32, #tpu.memory_space<hbm>>) dst(%arg7 : memref<64x768xf32, #tpu.memory_space<vmem>>)
    %dma_start3A_23 = arith.constant 128 : i32
    %dma_start3A_24 = tpu.memref_slice %arg5[%dma_start3A_23] : memref<640xi32, #tpu.memory_space<vmem>> -> memref<64xi32, #tpu.memory_space<vmem>>
    %dma_start3A_25 = arith.constant 0 : i32
    %dma_start3A_26 = arith.constant 0 : i32
    %dma_start3A_27 = tpu.memref_slice %arg2[%dma_start3A_25, %dma_start3A_26] : memref<8192x768xf32, #tpu.memory_space<hbm>> -> memref<8192x768xf32, #tpu.memory_space<hbm>>
    tpu.enqueue_indirect_dma source(%dma_start3A_27 : memref<8192x768xf32, #tpu.memory_space<hbm>>) target(%arg6 : memref<64x768xf32, #tpu.memory_space<vmem>>) offsets(%dma_start3A_24 : memref<64xi32, #tpu.memory_space<vmem>>) semaphore(%arg8 : memref<!tpu.dma_semaphore, #tpu.memory_space<semaphore_mem>>)
    %add3A_28 = arith.constant 64 : i32
    %add3A_29 = arith.addi %mul3A_2, %add3A_28 : i32
    "tpu.region"() ({
      %run_scoped3A = tpu.sem_alloc : memref<!tpu.dma_semaphore, #tpu.memory_space<semaphore_mem>>
      %dma_start3A_121 = arith.constant 0 : i32
      %dma_start3A_122 = tpu.memref_slice %arg4[%add3A_29, %dma_start3A_121] : memref<20480x768xf32, #tpu.memory_space<hbm>> -> memref<64x768xf32, #tpu.memory_space<hbm>>
      %dma_start3A_123 = arith.constant 0 : i32
      %dma_start3A_124 = tpu.memref_slice %arg4[%add3A_29, %dma_start3A_123] : memref<20480x768xf32, #tpu.memory_space<hbm>> -> memref<64x768xf32, #tpu.memory_space<hbm>>
      tpu.enqueue_dma source(%arg7 : memref<64x768xf32, #tpu.memory_space<vmem>>) target(%dma_start3A_124 : memref<64x768xf32, #tpu.memory_space<hbm>>) target_semaphore(%run_scoped3A : memref<!tpu.dma_semaphore, #tpu.memory_space<semaphore_mem>>)
      %dma_wait3A_125 = arith.constant 0 : i32
      %dma_wait3A_126 = tpu.memref_slice %arg4[%add3A_29, %dma_wait3A_125] : memref<20480x768xf32, #tpu.memory_space<hbm>> -> memref<64x768xf32, #tpu.memory_space<hbm>>
      %dma_wait3A_127 = arith.constant 0 : i32
      %dma_wait3A_128 = tpu.memref_slice %arg4[%add3A_29, %dma_wait3A_127] : memref<20480x768xf32, #tpu.memory_space<hbm>> -> memref<64x768xf32, #tpu.memory_space<hbm>>
      tpu.wait_dma2 semaphore(%run_scoped3A : memref<!tpu.dma_semaphore, #tpu.memory_space<semaphore_mem>>) src(%arg7 : memref<64x768xf32, #tpu.memory_space<vmem>>) dst(%dma_wait3A_128 : memref<64x768xf32, #tpu.memory_space<hbm>>)
      tpu.yield
    }) : () -> ()
    %dma_wait3A_30 = arith.constant 128 : i32
    %dma_wait3A_31 = tpu.memref_slice %arg5[%dma_wait3A_30] : memref<640xi32, #tpu.memory_space<vmem>> -> memref<64xi32, #tpu.memory_space<vmem>>
    %dma_wait3A_32 = arith.constant 0 : i32
    %dma_wait3A_33 = arith.constant 0 : i32
    %dma_wait3A_34 = tpu.memref_slice %arg2[%dma_wait3A_32, %dma_wait3A_33] : memref<8192x768xf32, #tpu.memory_space<hbm>> -> memref<8192x768xf32, #tpu.memory_space<hbm>>
    tpu.wait_indirect_dma semaphore(%arg8 : memref<!tpu.dma_semaphore, #tpu.memory_space<semaphore_mem>>) src(%dma_wait3A_34 : memref<8192x768xf32, #tpu.memory_space<hbm>>) dst(%arg6 : memref<64x768xf32, #tpu.memory_space<vmem>>)
    %dma_start3A_35 = arith.constant 192 : i32
    %dma_start3A_36 = tpu.memref_slice %arg5[%dma_start3A_35] : memref<640xi32, #tpu.memory_space<vmem>> -> memref<64xi32, #tpu.memory_space<vmem>>
    %dma_start3A_37 = arith.constant 0 : i32
    %dma_start3A_38 = arith.constant 0 : i32
    %dma_start3A_39 = tpu.memref_slice %arg2[%dma_start3A_37, %dma_start3A_38] : memref<8192x768xf32, #tpu.memory_space<hbm>> -> memref<8192x768xf32, #tpu.memory_space<hbm>>
    tpu.enqueue_indirect_dma source(%dma_start3A_39 : memref<8192x768xf32, #tpu.memory_space<hbm>>) target(%arg7 : memref<64x768xf32, #tpu.memory_space<vmem>>) offsets(%dma_start3A_36 : memref<64xi32, #tpu.memory_space<vmem>>) semaphore(%arg9 : memref<!tpu.dma_semaphore, #tpu.memory_space<semaphore_mem>>)
    %add3A_40 = arith.constant 128 : i32
    %add3A_41 = arith.addi %mul3A_2, %add3A_40 : i32
    "tpu.region"() ({
      %run_scoped3A = tpu.sem_alloc : memref<!tpu.dma_semaphore, #tpu.memory_space<semaphore_mem>>
      %dma_start3A_121 = arith.constant 0 : i32
      %dma_start3A_122 = tpu.memref_slice %arg4[%add3A_41, %dma_start3A_121] : memref<20480x768xf32, #tpu.memory_space<hbm>> -> memref<64x768xf32, #tpu.memory_space<hbm>>
      %dma_start3A_123 = arith.constant 0 : i32
      %dma_start3A_124 = tpu.memref_slice %arg4[%add3A_41, %dma_start3A_123] : memref<20480x768xf32, #tpu.memory_space<hbm>> -> memref<64x768xf32, #tpu.memory_space<hbm>>
      tpu.enqueue_dma source(%arg6 : memref<64x768xf32, #tpu.memory_space<vmem>>) target(%dma_start3A_124 : memref<64x768xf32, #tpu.memory_space<hbm>>) target_semaphore(%run_scoped3A : memref<!tpu.dma_semaphore, #tpu.memory_space<semaphore_mem>>)
      %dma_wait3A_125 = arith.constant 0 : i32
      %dma_wait3A_126 = tpu.memref_slice %arg4[%add3A_41, %dma_wait3A_125] : memref<20480x768xf32, #tpu.memory_space<hbm>> -> memref<64x768xf32, #tpu.memory_space<hbm>>
      %dma_wait3A_127 = arith.constant 0 : i32
      %dma_wait3A_128 = tpu.memref_slice %arg4[%add3A_41, %dma_wait3A_127] : memref<20480x768xf32, #tpu.memory_space<hbm>> -> memref<64x768xf32, #tpu.memory_space<hbm>>
      tpu.wait_dma2 semaphore(%run_scoped3A : memref<!tpu.dma_semaphore, #tpu.memory_space<semaphore_mem>>) src(%arg6 : memref<64x768xf32, #tpu.memory_space<vmem>>) dst(%dma_wait3A_128 : memref<64x768xf32, #tpu.memory_space<hbm>>)
      tpu.yield
    }) : () -> ()
    %dma_wait3A_42 = arith.constant 192 : i32
    %dma_wait3A_43 = tpu.memref_slice %arg5[%dma_wait3A_42] : memref<640xi32, #tpu.memory_space<vmem>> -> memref<64xi32, #tpu.memory_space<vmem>>
    %dma_wait3A_44 = arith.constant 0 : i32
    %dma_wait3A_45 = arith.constant 0 : i32
    %dma_wait3A_46 = tpu.memref_slice %arg2[%dma_wait3A_44, %dma_wait3A_45] : memref<8192x768xf32, #tpu.memory_space<hbm>> -> memref<8192x768xf32, #tpu.memory_space<hbm>>
    tpu.wait_indirect_dma semaphore(%arg9 : memref<!tpu.dma_semaphore, #tpu.memory_space<semaphore_mem>>) src(%dma_wait3A_46 : memref<8192x768xf32, #tpu.memory_space<hbm>>) dst(%arg7 : memref<64x768xf32, #tpu.memory_space<vmem>>)
    %dma_start3A_47 = arith.constant 256 : i32
    %dma_start3A_48 = tpu.memref_slice %arg5[%dma_start3A_47] : memref<640xi32, #tpu.memory_space<vmem>> -> memref<64xi32, #tpu.memory_space<vmem>>
    %dma_start3A_49 = arith.constant 0 : i32
    %dma_start3A_50 = arith.constant 0 : i32
    %dma_start3A_51 = tpu.memref_slice %arg2[%dma_start3A_49, %dma_start3A_50] : memref<8192x768xf32, #tpu.memory_space<hbm>> -> memref<8192x768xf32, #tpu.memory_space<hbm>>
    tpu.enqueue_indirect_dma source(%dma_start3A_51 : memref<8192x768xf32, #tpu.memory_space<hbm>>) target(%arg6 : memref<64x768xf32, #tpu.memory_space<vmem>>) offsets(%dma_start3A_48 : memref<64xi32, #tpu.memory_space<vmem>>) semaphore(%arg8 : memref<!tpu.dma_semaphore, #tpu.memory_space<semaphore_mem>>)
    %add3A_52 = arith.constant 192 : i32
    %add3A_53 = arith.addi %mul3A_2, %add3A_52 : i32
    "tpu.region"() ({
      %run_scoped3A = tpu.sem_alloc : memref<!tpu.dma_semaphore, #tpu.memory_space<semaphore_mem>>
      %dma_start3A_121 = arith.constant 0 : i32
      %dma_start3A_122 = tpu.memref_slice %arg4[%add3A_53, %dma_start3A_121] : memref<20480x768xf32, #tpu.memory_space<hbm>> -> memref<64x768xf32, #tpu.memory_space<hbm>>
      %dma_start3A_123 = arith.constant 0 : i32
      %dma_start3A_124 = tpu.memref_slice %arg4[%add3A_53, %dma_start3A_123] : memref<20480x768xf32, #tpu.memory_space<hbm>> -> memref<64x768xf32, #tpu.memory_space<hbm>>
      tpu.enqueue_dma source(%arg7 : memref<64x768xf32, #tpu.memory_space<vmem>>) target(%dma_start3A_124 : memref<64x768xf32, #tpu.memory_space<hbm>>) target_semaphore(%run_scoped3A : memref<!tpu.dma_semaphore, #tpu.memory_space<semaphore_mem>>)
      %dma_wait3A_125 = arith.constant 0 : i32
      %dma_wait3A_126 = tpu.memref_slice %arg4[%add3A_53, %dma_wait3A_125] : memref<20480x768xf32, #tpu.memory_space<hbm>> -> memref<64x768xf32, #tpu.memory_space<hbm>>
      %dma_wait3A_127 = arith.constant 0 : i32
      %dma_wait3A_128 = tpu.memref_slice %arg4[%add3A_53, %dma_wait3A_127] : memref<20480x768xf32, #tpu.memory_space<hbm>> -> memref<64x768xf32, #tpu.memory_space<hbm>>
      tpu.wait_dma2 semaphore(%run_scoped3A : memref<!tpu.dma_semaphore, #tpu.memory_space<semaphore_mem>>) src(%arg7 : memref<64x768xf32, #tpu.memory_space<vmem>>) dst(%dma_wait3A_128 : memref<64x768xf32, #tpu.memory_space<hbm>>)
      tpu.yield
    }) : () -> ()
    %dma_wait3A_54 = arith.constant 256 : i32
    %dma_wait3A_55 = tpu.memref_slice %arg5[%dma_wait3A_54] : memref<640xi32, #tpu.memory_space<vmem>> -> memref<64xi32, #tpu.memory_space<vmem>>
    %dma_wait3A_56 = arith.constant 0 : i32
    %dma_wait3A_57 = arith.constant 0 : i32
    %dma_wait3A_58 = tpu.memref_slice %arg2[%dma_wait3A_56, %dma_wait3A_57] : memref<8192x768xf32, #tpu.memory_space<hbm>> -> memref<8192x768xf32, #tpu.memory_space<hbm>>
    tpu.wait_indirect_dma semaphore(%arg8 : memref<!tpu.dma_semaphore, #tpu.memory_space<semaphore_mem>>) src(%dma_wait3A_58 : memref<8192x768xf32, #tpu.memory_space<hbm>>) dst(%arg6 : memref<64x768xf32, #tpu.memory_space<vmem>>)
    %dma_start3A_59 = arith.constant 320 : i32
    %dma_start3A_60 = tpu.memref_slice %arg5[%dma_start3A_59] : memref<640xi32, #tpu.memory_space<vmem>> -> memref<64xi32, #tpu.memory_space<vmem>>
    %dma_start3A_61 = arith.constant 0 : i32
    %dma_start3A_62 = arith.constant 0 : i32
    %dma_start3A_63 = tpu.memref_slice %arg2[%dma_start3A_61, %dma_start3A_62] : memref<8192x768xf32, #tpu.memory_space<hbm>> -> memref<8192x768xf32, #tpu.memory_space<hbm>>
    tpu.enqueue_indirect_dma source(%dma_start3A_63 : memref<8192x768xf32, #tpu.memory_space<hbm>>) target(%arg7 : memref<64x768xf32, #tpu.memory_space<vmem>>) offsets(%dma_start3A_60 : memref<64xi32, #tpu.memory_space<vmem>>) semaphore(%arg9 : memref<!tpu.dma_semaphore, #tpu.memory_space<semaphore_mem>>)
    %add3A_64 = arith.constant 256 : i32
    %add3A_65 = arith.addi %mul3A_2, %add3A_64 : i32
    "tpu.region"() ({
      %run_scoped3A = tpu.sem_alloc : memref<!tpu.dma_semaphore, #tpu.memory_space<semaphore_mem>>
      %dma_start3A_121 = arith.constant 0 : i32
      %dma_start3A_122 = tpu.memref_slice %arg4[%add3A_65, %dma_start3A_121] : memref<20480x768xf32, #tpu.memory_space<hbm>> -> memref<64x768xf32, #tpu.memory_space<hbm>>
      %dma_start3A_123 = arith.constant 0 : i32
      %dma_start3A_124 = tpu.memref_slice %arg4[%add3A_65, %dma_start3A_123] : memref<20480x768xf32, #tpu.memory_space<hbm>> -> memref<64x768xf32, #tpu.memory_space<hbm>>
      tpu.enqueue_dma source(%arg6 : memref<64x768xf32, #tpu.memory_space<vmem>>) target(%dma_start3A_124 : memref<64x768xf32, #tpu.memory_space<hbm>>) target_semaphore(%run_scoped3A : memref<!tpu.dma_semaphore, #tpu.memory_space<semaphore_mem>>)
      %dma_wait3A_125 = arith.constant 0 : i32
      %dma_wait3A_126 = tpu.memref_slice %arg4[%add3A_65, %dma_wait3A_125] : memref<20480x768xf32, #tpu.memory_space<hbm>> -> memref<64x768xf32, #tpu.memory_space<hbm>>
      %dma_wait3A_127 = arith.constant 0 : i32
      %dma_wait3A_128 = tpu.memref_slice %arg4[%add3A_65, %dma_wait3A_127] : memref<20480x768xf32, #tpu.memory_space<hbm>> -> memref<64x768xf32, #tpu.memory_space<hbm>>
      tpu.wait_dma2 semaphore(%run_scoped3A : memref<!tpu.dma_semaphore, #tpu.memory_space<semaphore_mem>>) src(%arg6 : memref<64x768xf32, #tpu.memory_space<vmem>>) dst(%dma_wait3A_128 : memref<64x768xf32, #tpu.memory_space<hbm>>)
      tpu.yield
    }) : () -> ()
    %dma_wait3A_66 = arith.constant 320 : i32
    %dma_wait3A_67 = tpu.memref_slice %arg5[%dma_wait3A_66] : memref<640xi32, #tpu.memory_space<vmem>> -> memref<64xi32, #tpu.memory_space<vmem>>
    %dma_wait3A_68 = arith.constant 0 : i32
    %dma_wait3A_69 = arith.constant 0 : i32
    %dma_wait3A_70 = tpu.memref_slice %arg2[%dma_wait3A_68, %dma_wait3A_69] : memref<8192x768xf32, #tpu.memory_space<hbm>> -> memref<8192x768xf32, #tpu.memory_space<hbm>>
    tpu.wait_indirect_dma semaphore(%arg9 : memref<!tpu.dma_semaphore, #tpu.memory_space<semaphore_mem>>) src(%dma_wait3A_70 : memref<8192x768xf32, #tpu.memory_space<hbm>>) dst(%arg7 : memref<64x768xf32, #tpu.memory_space<vmem>>)
    %dma_start3A_71 = arith.constant 384 : i32
    %dma_start3A_72 = tpu.memref_slice %arg5[%dma_start3A_71] : memref<640xi32, #tpu.memory_space<vmem>> -> memref<64xi32, #tpu.memory_space<vmem>>
    %dma_start3A_73 = arith.constant 0 : i32
    %dma_start3A_74 = arith.constant 0 : i32
    %dma_start3A_75 = tpu.memref_slice %arg2[%dma_start3A_73, %dma_start3A_74] : memref<8192x768xf32, #tpu.memory_space<hbm>> -> memref<8192x768xf32, #tpu.memory_space<hbm>>
    tpu.enqueue_indirect_dma source(%dma_start3A_75 : memref<8192x768xf32, #tpu.memory_space<hbm>>) target(%arg6 : memref<64x768xf32, #tpu.memory_space<vmem>>) offsets(%dma_start3A_72 : memref<64xi32, #tpu.memory_space<vmem>>) semaphore(%arg8 : memref<!tpu.dma_semaphore, #tpu.memory_space<semaphore_mem>>)
    %add3A_76 = arith.constant 320 : i32
    %add3A_77 = arith.addi %mul3A_2, %add3A_76 : i32
    "tpu.region"() ({
      %run_scoped3A = tpu.sem_alloc : memref<!tpu.dma_semaphore, #tpu.memory_space<semaphore_mem>>
      %dma_start3A_121 = arith.constant 0 : i32
      %dma_start3A_122 = tpu.memref_slice %arg4[%add3A_77, %dma_start3A_121] : memref<20480x768xf32, #tpu.memory_space<hbm>> -> memref<64x768xf32, #tpu.memory_space<hbm>>
      %dma_start3A_123 = arith.constant 0 : i32
      %dma_start3A_124 = tpu.memref_slice %arg4[%add3A_77, %dma_start3A_123] : memref<20480x768xf32, #tpu.memory_space<hbm>> -> memref<64x768xf32, #tpu.memory_space<hbm>>
      tpu.enqueue_dma source(%arg7 : memref<64x768xf32, #tpu.memory_space<vmem>>) target(%dma_start3A_124 : memref<64x768xf32, #tpu.memory_space<hbm>>) target_semaphore(%run_scoped3A : memref<!tpu.dma_semaphore, #tpu.memory_space<semaphore_mem>>)
      %dma_wait3A_125 = arith.constant 0 : i32
      %dma_wait3A_126 = tpu.memref_slice %arg4[%add3A_77, %dma_wait3A_125] : memref<20480x768xf32, #tpu.memory_space<hbm>> -> memref<64x768xf32, #tpu.memory_space<hbm>>
      %dma_wait3A_127 = arith.constant 0 : i32
      %dma_wait3A_128 = tpu.memref_slice %arg4[%add3A_77, %dma_wait3A_127] : memref<20480x768xf32, #tpu.memory_space<hbm>> -> memref<64x768xf32, #tpu.memory_space<hbm>>
      tpu.wait_dma2 semaphore(%run_scoped3A : memref<!tpu.dma_semaphore, #tpu.memory_space<semaphore_mem>>) src(%arg7 : memref<64x768xf32, #tpu.memory_space<vmem>>) dst(%dma_wait3A_128 : memref<64x768xf32, #tpu.memory_space<hbm>>)
      tpu.yield
    }) : () -> ()
    %dma_wait3A_78 = arith.constant 384 : i32
    %dma_wait3A_79 = tpu.memref_slice %arg5[%dma_wait3A_78] : memref<640xi32, #tpu.memory_space<vmem>> -> memref<64xi32, #tpu.memory_space<vmem>>
    %dma_wait3A_80 = arith.constant 0 : i32
    %dma_wait3A_81 = arith.constant 0 : i32
    %dma_wait3A_82 = tpu.memref_slice %arg2[%dma_wait3A_80, %dma_wait3A_81] : memref<8192x768xf32, #tpu.memory_space<hbm>> -> memref<8192x768xf32, #tpu.memory_space<hbm>>
    tpu.wait_indirect_dma semaphore(%arg8 : memref<!tpu.dma_semaphore, #tpu.memory_space<semaphore_mem>>) src(%dma_wait3A_82 : memref<8192x768xf32, #tpu.memory_space<hbm>>) dst(%arg6 : memref<64x768xf32, #tpu.memory_space<vmem>>)
    %dma_start3A_83 = arith.constant 448 : i32
    %dma_start3A_84 = tpu.memref_slice %arg5[%dma_start3A_83] : memref<640xi32, #tpu.memory_space<vmem>> -> memref<64xi32, #tpu.memory_space<vmem>>
    %dma_start3A_85 = arith.constant 0 : i32
    %dma_start3A_86 = arith.constant 0 : i32
    %dma_start3A_87 = tpu.memref_slice %arg2[%dma_start3A_85, %dma_start3A_86] : memref<8192x768xf32, #tpu.memory_space<hbm>> -> memref<8192x768xf32, #tpu.memory_space<hbm>>
    tpu.enqueue_indirect_dma source(%dma_start3A_87 : memref<8192x768xf32, #tpu.memory_space<hbm>>) target(%arg7 : memref<64x768xf32, #tpu.memory_space<vmem>>) offsets(%dma_start3A_84 : memref<64xi32, #tpu.memory_space<vmem>>) semaphore(%arg9 : memref<!tpu.dma_semaphore, #tpu.memory_space<semaphore_mem>>)
    %add3A_88 = arith.constant 384 : i32
    %add3A_89 = arith.addi %mul3A_2, %add3A_88 : i32
    "tpu.region"() ({
      %run_scoped3A = tpu.sem_alloc : memref<!tpu.dma_semaphore, #tpu.memory_space<semaphore_mem>>
      %dma_start3A_121 = arith.constant 0 : i32
      %dma_start3A_122 = tpu.memref_slice %arg4[%add3A_89, %dma_start3A_121] : memref<20480x768xf32, #tpu.memory_space<hbm>> -> memref<64x768xf32, #tpu.memory_space<hbm>>
      %dma_start3A_123 = arith.constant 0 : i32
      %dma_start3A_124 = tpu.memref_slice %arg4[%add3A_89, %dma_start3A_123] : memref<20480x768xf32, #tpu.memory_space<hbm>> -> memref<64x768xf32, #tpu.memory_space<hbm>>
      tpu.enqueue_dma source(%arg6 : memref<64x768xf32, #tpu.memory_space<vmem>>) target(%dma_start3A_124 : memref<64x768xf32, #tpu.memory_space<hbm>>) target_semaphore(%run_scoped3A : memref<!tpu.dma_semaphore, #tpu.memory_space<semaphore_mem>>)
      %dma_wait3A_125 = arith.constant 0 : i32
      %dma_wait3A_126 = tpu.memref_slice %arg4[%add3A_89, %dma_wait3A_125] : memref<20480x768xf32, #tpu.memory_space<hbm>> -> memref<64x768xf32, #tpu.memory_space<hbm>>
      %dma_wait3A_127 = arith.constant 0 : i32
      %dma_wait3A_128 = tpu.memref_slice %arg4[%add3A_89, %dma_wait3A_127] : memref<20480x768xf32, #tpu.memory_space<hbm>> -> memref<64x768xf32, #tpu.memory_space<hbm>>
      tpu.wait_dma2 semaphore(%run_scoped3A : memref<!tpu.dma_semaphore, #tpu.memory_space<semaphore_mem>>) src(%arg6 : memref<64x768xf32, #tpu.memory_space<vmem>>) dst(%dma_wait3A_128 : memref<64x768xf32, #tpu.memory_space<hbm>>)
      tpu.yield
    }) : () -> ()
    %dma_wait3A_90 = arith.constant 448 : i32
    %dma_wait3A_91 = tpu.memref_slice %arg5[%dma_wait3A_90] : memref<640xi32, #tpu.memory_space<vmem>> -> memref<64xi32, #tpu.memory_space<vmem>>
    %dma_wait3A_92 = arith.constant 0 : i32
    %dma_wait3A_93 = arith.constant 0 : i32
    %dma_wait3A_94 = tpu.memref_slice %arg2[%dma_wait3A_92, %dma_wait3A_93] : memref<8192x768xf32, #tpu.memory_space<hbm>> -> memref<8192x768xf32, #tpu.memory_space<hbm>>
    tpu.wait_indirect_dma semaphore(%arg9 : memref<!tpu.dma_semaphore, #tpu.memory_space<semaphore_mem>>) src(%dma_wait3A_94 : memref<8192x768xf32, #tpu.memory_space<hbm>>) dst(%arg7 : memref<64x768xf32, #tpu.memory_space<vmem>>)
    %dma_start3A_95 = arith.constant 512 : i32
    %dma_start3A_96 = tpu.memref_slice %arg5[%dma_start3A_95] : memref<640xi32, #tpu.memory_space<vmem>> -> memref<64xi32, #tpu.memory_space<vmem>>
    %dma_start3A_97 = arith.constant 0 : i32
    %dma_start3A_98 = arith.constant 0 : i32
    %dma_start3A_99 = tpu.memref_slice %arg2[%dma_start3A_97, %dma_start3A_98] : memref<8192x768xf32, #tpu.memory_space<hbm>> -> memref<8192x768xf32, #tpu.memory_space<hbm>>
    tpu.enqueue_indirect_dma source(%dma_start3A_99 : memref<8192x768xf32, #tpu.memory_space<hbm>>) target(%arg6 : memref<64x768xf32, #tpu.memory_space<vmem>>) offsets(%dma_start3A_96 : memref<64xi32, #tpu.memory_space<vmem>>) semaphore(%arg8 : memref<!tpu.dma_semaphore, #tpu.memory_space<semaphore_mem>>)
    %add3A_100 = arith.constant 448 : i32
    %add3A_101 = arith.addi %mul3A_2, %add3A_100 : i32
    "tpu.region"() ({
      %run_scoped3A = tpu.sem_alloc : memref<!tpu.dma_semaphore, #tpu.memory_space<semaphore_mem>>
      %dma_start3A_121 = arith.constant 0 : i32
      %dma_start3A_122 = tpu.memref_slice %arg4[%add3A_101, %dma_start3A_121] : memref<20480x768xf32, #tpu.memory_space<hbm>> -> memref<64x768xf32, #tpu.memory_space<hbm>>
      %dma_start3A_123 = arith.constant 0 : i32
      %dma_start3A_124 = tpu.memref_slice %arg4[%add3A_101, %dma_start3A_123] : memref<20480x768xf32, #tpu.memory_space<hbm>> -> memref<64x768xf32, #tpu.memory_space<hbm>>
      tpu.enqueue_dma source(%arg7 : memref<64x768xf32, #tpu.memory_space<vmem>>) target(%dma_start3A_124 : memref<64x768xf32, #tpu.memory_space<hbm>>) target_semaphore(%run_scoped3A : memref<!tpu.dma_semaphore, #tpu.memory_space<semaphore_mem>>)
      %dma_wait3A_125 = arith.constant 0 : i32
      %dma_wait3A_126 = tpu.memref_slice %arg4[%add3A_101, %dma_wait3A_125] : memref<20480x768xf32, #tpu.memory_space<hbm>> -> memref<64x768xf32, #tpu.memory_space<hbm>>
      %dma_wait3A_127 = arith.constant 0 : i32
      %dma_wait3A_128 = tpu.memref_slice %arg4[%add3A_101, %dma_wait3A_127] : memref<20480x768xf32, #tpu.memory_space<hbm>> -> memref<64x768xf32, #tpu.memory_space<hbm>>
      tpu.wait_dma2 semaphore(%run_scoped3A : memref<!tpu.dma_semaphore, #tpu.memory_space<semaphore_mem>>) src(%arg7 : memref<64x768xf32, #tpu.memory_space<vmem>>) dst(%dma_wait3A_128 : memref<64x768xf32, #tpu.memory_space<hbm>>)
      tpu.yield
    }) : () -> ()
    %dma_wait3A_102 = arith.constant 512 : i32
    %dma_wait3A_103 = tpu.memref_slice %arg5[%dma_wait3A_102] : memref<640xi32, #tpu.memory_space<vmem>> -> memref<64xi32, #tpu.memory_space<vmem>>
    %dma_wait3A_104 = arith.constant 0 : i32
    %dma_wait3A_105 = arith.constant 0 : i32
    %dma_wait3A_106 = tpu.memref_slice %arg2[%dma_wait3A_104, %dma_wait3A_105] : memref<8192x768xf32, #tpu.memory_space<hbm>> -> memref<8192x768xf32, #tpu.memory_space<hbm>>
    tpu.wait_indirect_dma semaphore(%arg8 : memref<!tpu.dma_semaphore, #tpu.memory_space<semaphore_mem>>) src(%dma_wait3A_106 : memref<8192x768xf32, #tpu.memory_space<hbm>>) dst(%arg6 : memref<64x768xf32, #tpu.memory_space<vmem>>)
    %dma_start3A_107 = arith.constant 576 : i32
    %dma_start3A_108 = tpu.memref_slice %arg5[%dma_start3A_107] : memref<640xi32, #tpu.memory_space<vmem>> -> memref<64xi32, #tpu.memory_space<vmem>>
    %dma_start3A_109 = arith.constant 0 : i32
    %dma_start3A_110 = arith.constant 0 : i32
    %dma_start3A_111 = tpu.memref_slice %arg2[%dma_start3A_109, %dma_start3A_110] : memref<8192x768xf32, #tpu.memory_space<hbm>> -> memref<8192x768xf32, #tpu.memory_space<hbm>>
    tpu.enqueue_indirect_dma source(%dma_start3A_111 : memref<8192x768xf32, #tpu.memory_space<hbm>>) target(%arg7 : memref<64x768xf32, #tpu.memory_space<vmem>>) offsets(%dma_start3A_108 : memref<64xi32, #tpu.memory_space<vmem>>) semaphore(%arg9 : memref<!tpu.dma_semaphore, #tpu.memory_space<semaphore_mem>>)
    %add3A_112 = arith.constant 512 : i32
    %add3A_113 = arith.addi %mul3A_2, %add3A_112 : i32
    "tpu.region"() ({
      %run_scoped3A = tpu.sem_alloc : memref<!tpu.dma_semaphore, #tpu.memory_space<semaphore_mem>>
      %dma_start3A_121 = arith.constant 0 : i32
      %dma_start3A_122 = tpu.memref_slice %arg4[%add3A_113, %dma_start3A_121] : memref<20480x768xf32, #tpu.memory_space<hbm>> -> memref<64x768xf32, #tpu.memory_space<hbm>>
      %dma_start3A_123 = arith.constant 0 : i32
      %dma_start3A_124 = tpu.memref_slice %arg4[%add3A_113, %dma_start3A_123] : memref<20480x768xf32, #tpu.memory_space<hbm>> -> memref<64x768xf32, #tpu.memory_space<hbm>>
      tpu.enqueue_dma source(%arg6 : memref<64x768xf32, #tpu.memory_space<vmem>>) target(%dma_start3A_124 : memref<64x768xf32, #tpu.memory_space<hbm>>) target_semaphore(%run_scoped3A : memref<!tpu.dma_semaphore, #tpu.memory_space<semaphore_mem>>)
      %dma_wait3A_125 = arith.constant 0 : i32
      %dma_wait3A_126 = tpu.memref_slice %arg4[%add3A_113, %dma_wait3A_125] : memref<20480x768xf32, #tpu.memory_space<hbm>> -> memref<64x768xf32, #tpu.memory_space<hbm>>
      %dma_wait3A_127 = arith.constant 0 : i32
      %dma_wait3A_128 = tpu.memref_slice %arg4[%add3A_113, %dma_wait3A_127] : memref<20480x768xf32, #tpu.memory_space<hbm>> -> memref<64x768xf32, #tpu.memory_space<hbm>>
      tpu.wait_dma2 semaphore(%run_scoped3A : memref<!tpu.dma_semaphore, #tpu.memory_space<semaphore_mem>>) src(%arg6 : memref<64x768xf32, #tpu.memory_space<vmem>>) dst(%dma_wait3A_128 : memref<64x768xf32, #tpu.memory_space<hbm>>)
      tpu.yield
    }) : () -> ()
    %dma_wait3A_114 = arith.constant 576 : i32
    %dma_wait3A_115 = tpu.memref_slice %arg5[%dma_wait3A_114] : memref<640xi32, #tpu.memory_space<vmem>> -> memref<64xi32, #tpu.memory_space<vmem>>
    %dma_wait3A_116 = arith.constant 0 : i32
    %dma_wait3A_117 = arith.constant 0 : i32
    %dma_wait3A_118 = tpu.memref_slice %arg2[%dma_wait3A_116, %dma_wait3A_117] : memref<8192x768xf32, #tpu.memory_space<hbm>> -> memref<8192x768xf32, #tpu.memory_space<hbm>>
    tpu.wait_indirect_dma semaphore(%arg9 : memref<!tpu.dma_semaphore, #tpu.memory_space<semaphore_mem>>) src(%dma_wait3A_118 : memref<8192x768xf32, #tpu.memory_space<hbm>>) dst(%arg7 : memref<64x768xf32, #tpu.memory_space<vmem>>)
    %add3A_119 = arith.constant 576 : i32
    %add3A_120 = arith.addi %mul3A_2, %add3A_119 : i32
    "tpu.region"() ({
      %run_scoped3A = tpu.sem_alloc : memref<!tpu.dma_semaphore, #tpu.memory_space<semaphore_mem>>
      %dma_start3A_121 = arith.constant 0 : i32
      %dma_start3A_122 = tpu.memref_slice %arg4[%add3A_120, %dma_start3A_121] : memref<20480x768xf32, #tpu.memory_space<hbm>> -> memref<64x768xf32, #tpu.memory_space<hbm>>
      %dma_start3A_123 = arith.constant 0 : i32
      %dma_start3A_124 = tpu.memref_slice %arg4[%add3A_120, %dma_start3A_123] : memref<20480x768xf32, #tpu.memory_space<hbm>> -> memref<64x768xf32, #tpu.memory_space<hbm>>
      tpu.enqueue_dma source(%arg7 : memref<64x768xf32, #tpu.memory_space<vmem>>) target(%dma_start3A_124 : memref<64x768xf32, #tpu.memory_space<hbm>>) target_semaphore(%run_scoped3A : memref<!tpu.dma_semaphore, #tpu.memory_space<semaphore_mem>>)
      %dma_wait3A_125 = arith.constant 0 : i32
      %dma_wait3A_126 = tpu.memref_slice %arg4[%add3A_120, %dma_wait3A_125] : memref<20480x768xf32, #tpu.memory_space<hbm>> -> memref<64x768xf32, #tpu.memory_space<hbm>>
      %dma_wait3A_127 = arith.constant 0 : i32
      %dma_wait3A_128 = tpu.memref_slice %arg4[%add3A_120, %dma_wait3A_127] : memref<20480x768xf32, #tpu.memory_space<hbm>> -> memref<64x768xf32, #tpu.memory_space<hbm>>
      tpu.wait_dma2 semaphore(%run_scoped3A : memref<!tpu.dma_semaphore, #tpu.memory_space<semaphore_mem>>) src(%arg7 : memref<64x768xf32, #tpu.memory_space<vmem>>) dst(%dma_wait3A_128 : memref<64x768xf32, #tpu.memory_space<hbm>>)
      tpu.yield
    }) : () -> ()
    return
  }
}

#map = affine_map<(d0, d1) -> (0, 0)>
#map1 = affine_map<(d0, d1) -> (0)>
module attributes {stable_mosaic.version = 14 : i64} {
  func.func @gather(%arg0: i32, %arg1: i32, %arg2: memref<20800x768xf32, #tpu.memory_space<hbm>>, %arg3: memref<16384xi32, #tpu.memory_space<hbm>>, %arg4: memref<16384x768xf32, #tpu.memory_space<hbm>>, %arg5: memref<512xi32, #tpu.memory_space<vmem>>, %arg6: memref<64x768xf32, #tpu.memory_space<vmem>>, %arg7: memref<64x768xf32, #tpu.memory_space<vmem>>, %arg8: memref<!tpu.dma_semaphore, #tpu.memory_space<semaphore_mem>>, %arg9: memref<!tpu.dma_semaphore, #tpu.memory_space<semaphore_mem>>) attributes {dimension_semantics = [#tpu.dimension_semantics<core_parallel>, #tpu.dimension_semantics<subcore_parallel>], iteration_bounds = array<i64: 2, 16>, scalar_prefetch = 0 : i64, scratch_operands = 5 : i64, tpu.core_type = #tpu.core_type<sc_vector_subcore>, window_params = [{transform_indices = #map}, {transform_indices = #map1}, {transform_indices = #map}]} {
    %mul3A = arith.constant 2 : i32
    %mul3A_0 = arith.muli %arg1, %mul3A : i32
    %add3A = arith.addi %mul3A_0, %arg0 : i32
    %mul3A_1 = arith.constant 512 : i32
    %mul3A_2 = arith.muli %add3A, %mul3A_1 : i32
    "tpu.region"() ({
      %run_scoped3A = tpu.sem_alloc : memref<!tpu.dma_semaphore, #tpu.memory_space<semaphore_mem>>
      %dma_start3A_97 = tpu.memref_slice %arg3[%mul3A_2] : memref<16384xi32, #tpu.memory_space<hbm>> -> memref<512xi32, #tpu.memory_space<hbm>>
      %dma_start3A_98 = tpu.memref_slice %arg3[%mul3A_2] : memref<16384xi32, #tpu.memory_space<hbm>> -> memref<512xi32, #tpu.memory_space<hbm>>
      tpu.enqueue_dma source(%dma_start3A_98 : memref<512xi32, #tpu.memory_space<hbm>>) target(%arg5 : memref<512xi32, #tpu.memory_space<vmem>>) target_semaphore(%run_scoped3A : memref<!tpu.dma_semaphore, #tpu.memory_space<semaphore_mem>>)
      %dma_wait3A_99 = tpu.memref_slice %arg3[%mul3A_2] : memref<16384xi32, #tpu.memory_space<hbm>> -> memref<512xi32, #tpu.memory_space<hbm>>
      %dma_wait3A_100 = tpu.memref_slice %arg3[%mul3A_2] : memref<16384xi32, #tpu.memory_space<hbm>> -> memref<512xi32, #tpu.memory_space<hbm>>
      tpu.wait_dma2 semaphore(%run_scoped3A : memref<!tpu.dma_semaphore, #tpu.memory_space<semaphore_mem>>) src(%dma_wait3A_100 : memref<512xi32, #tpu.memory_space<hbm>>) dst(%arg5 : memref<512xi32, #tpu.memory_space<vmem>>)
      tpu.yield
    }) : () -> ()
    %dma_start3A = arith.constant 0 : i32
    %dma_start3A_3 = tpu.memref_slice %arg5[%dma_start3A] : memref<512xi32, #tpu.memory_space<vmem>> -> memref<64xi32, #tpu.memory_space<vmem>>
    %dma_start3A_4 = arith.constant 0 : i32
    %dma_start3A_5 = arith.constant 0 : i32
    %dma_start3A_6 = tpu.memref_slice %arg2[%dma_start3A_4, %dma_start3A_5] : memref<20800x768xf32, #tpu.memory_space<hbm>> -> memref<20800x768xf32, #tpu.memory_space<hbm>>
    tpu.enqueue_indirect_dma source(%dma_start3A_6 : memref<20800x768xf32, #tpu.memory_space<hbm>>) target(%arg6 : memref<64x768xf32, #tpu.memory_space<vmem>>) offsets(%dma_start3A_3 : memref<64xi32, #tpu.memory_space<vmem>>) semaphore(%arg8 : memref<!tpu.dma_semaphore, #tpu.memory_space<semaphore_mem>>)
    %dma_wait3A = arith.constant 0 : i32
    %dma_wait3A_7 = tpu.memref_slice %arg5[%dma_wait3A] : memref<512xi32, #tpu.memory_space<vmem>> -> memref<64xi32, #tpu.memory_space<vmem>>
    %dma_wait3A_8 = arith.constant 0 : i32
    %dma_wait3A_9 = arith.constant 0 : i32
    %dma_wait3A_10 = tpu.memref_slice %arg2[%dma_wait3A_8, %dma_wait3A_9] : memref<20800x768xf32, #tpu.memory_space<hbm>> -> memref<20800x768xf32, #tpu.memory_space<hbm>>
    tpu.wait_indirect_dma semaphore(%arg8 : memref<!tpu.dma_semaphore, #tpu.memory_space<semaphore_mem>>) src(%dma_wait3A_10 : memref<20800x768xf32, #tpu.memory_space<hbm>>) dst(%arg6 : memref<64x768xf32, #tpu.memory_space<vmem>>)
    %dma_start3A_11 = arith.constant 64 : i32
    %dma_start3A_12 = tpu.memref_slice %arg5[%dma_start3A_11] : memref<512xi32, #tpu.memory_space<vmem>> -> memref<64xi32, #tpu.memory_space<vmem>>
    %dma_start3A_13 = arith.constant 0 : i32
    %dma_start3A_14 = arith.constant 0 : i32
    %dma_start3A_15 = tpu.memref_slice %arg2[%dma_start3A_13, %dma_start3A_14] : memref<20800x768xf32, #tpu.memory_space<hbm>> -> memref<20800x768xf32, #tpu.memory_space<hbm>>
    tpu.enqueue_indirect_dma source(%dma_start3A_15 : memref<20800x768xf32, #tpu.memory_space<hbm>>) target(%arg7 : memref<64x768xf32, #tpu.memory_space<vmem>>) offsets(%dma_start3A_12 : memref<64xi32, #tpu.memory_space<vmem>>) semaphore(%arg9 : memref<!tpu.dma_semaphore, #tpu.memory_space<semaphore_mem>>)
    %add3A_16 = arith.constant 0 : i32
    %add3A_17 = arith.addi %mul3A_2, %add3A_16 : i32
    "tpu.region"() ({
      %run_scoped3A = tpu.sem_alloc : memref<!tpu.dma_semaphore, #tpu.memory_space<semaphore_mem>>
      %dma_start3A_97 = arith.constant 0 : i32
      %dma_start3A_98 = tpu.memref_slice %arg4[%add3A_17, %dma_start3A_97] : memref<16384x768xf32, #tpu.memory_space<hbm>> -> memref<64x768xf32, #tpu.memory_space<hbm>>
      %dma_start3A_99 = arith.constant 0 : i32
      %dma_start3A_100 = tpu.memref_slice %arg4[%add3A_17, %dma_start3A_99] : memref<16384x768xf32, #tpu.memory_space<hbm>> -> memref<64x768xf32, #tpu.memory_space<hbm>>
      tpu.enqueue_dma source(%arg6 : memref<64x768xf32, #tpu.memory_space<vmem>>) target(%dma_start3A_100 : memref<64x768xf32, #tpu.memory_space<hbm>>) target_semaphore(%run_scoped3A : memref<!tpu.dma_semaphore, #tpu.memory_space<semaphore_mem>>)
      %dma_wait3A_101 = arith.constant 0 : i32
      %dma_wait3A_102 = tpu.memref_slice %arg4[%add3A_17, %dma_wait3A_101] : memref<16384x768xf32, #tpu.memory_space<hbm>> -> memref<64x768xf32, #tpu.memory_space<hbm>>
      %dma_wait3A_103 = arith.constant 0 : i32
      %dma_wait3A_104 = tpu.memref_slice %arg4[%add3A_17, %dma_wait3A_103] : memref<16384x768xf32, #tpu.memory_space<hbm>> -> memref<64x768xf32, #tpu.memory_space<hbm>>
      tpu.wait_dma2 semaphore(%run_scoped3A : memref<!tpu.dma_semaphore, #tpu.memory_space<semaphore_mem>>) src(%arg6 : memref<64x768xf32, #tpu.memory_space<vmem>>) dst(%dma_wait3A_104 : memref<64x768xf32, #tpu.memory_space<hbm>>)
      tpu.yield
    }) : () -> ()
    %dma_wait3A_18 = arith.constant 64 : i32
    %dma_wait3A_19 = tpu.memref_slice %arg5[%dma_wait3A_18] : memref<512xi32, #tpu.memory_space<vmem>> -> memref<64xi32, #tpu.memory_space<vmem>>
    %dma_wait3A_20 = arith.constant 0 : i32
    %dma_wait3A_21 = arith.constant 0 : i32
    %dma_wait3A_22 = tpu.memref_slice %arg2[%dma_wait3A_20, %dma_wait3A_21] : memref<20800x768xf32, #tpu.memory_space<hbm>> -> memref<20800x768xf32, #tpu.memory_space<hbm>>
    tpu.wait_indirect_dma semaphore(%arg9 : memref<!tpu.dma_semaphore, #tpu.memory_space<semaphore_mem>>) src(%dma_wait3A_22 : memref<20800x768xf32, #tpu.memory_space<hbm>>) dst(%arg7 : memref<64x768xf32, #tpu.memory_space<vmem>>)
    %dma_start3A_23 = arith.constant 128 : i32
    %dma_start3A_24 = tpu.memref_slice %arg5[%dma_start3A_23] : memref<512xi32, #tpu.memory_space<vmem>> -> memref<64xi32, #tpu.memory_space<vmem>>
    %dma_start3A_25 = arith.constant 0 : i32
    %dma_start3A_26 = arith.constant 0 : i32
    %dma_start3A_27 = tpu.memref_slice %arg2[%dma_start3A_25, %dma_start3A_26] : memref<20800x768xf32, #tpu.memory_space<hbm>> -> memref<20800x768xf32, #tpu.memory_space<hbm>>
    tpu.enqueue_indirect_dma source(%dma_start3A_27 : memref<20800x768xf32, #tpu.memory_space<hbm>>) target(%arg6 : memref<64x768xf32, #tpu.memory_space<vmem>>) offsets(%dma_start3A_24 : memref<64xi32, #tpu.memory_space<vmem>>) semaphore(%arg8 : memref<!tpu.dma_semaphore, #tpu.memory_space<semaphore_mem>>)
    %add3A_28 = arith.constant 64 : i32
    %add3A_29 = arith.addi %mul3A_2, %add3A_28 : i32
    "tpu.region"() ({
      %run_scoped3A = tpu.sem_alloc : memref<!tpu.dma_semaphore, #tpu.memory_space<semaphore_mem>>
      %dma_start3A_97 = arith.constant 0 : i32
      %dma_start3A_98 = tpu.memref_slice %arg4[%add3A_29, %dma_start3A_97] : memref<16384x768xf32, #tpu.memory_space<hbm>> -> memref<64x768xf32, #tpu.memory_space<hbm>>
      %dma_start3A_99 = arith.constant 0 : i32
      %dma_start3A_100 = tpu.memref_slice %arg4[%add3A_29, %dma_start3A_99] : memref<16384x768xf32, #tpu.memory_space<hbm>> -> memref<64x768xf32, #tpu.memory_space<hbm>>
      tpu.enqueue_dma source(%arg7 : memref<64x768xf32, #tpu.memory_space<vmem>>) target(%dma_start3A_100 : memref<64x768xf32, #tpu.memory_space<hbm>>) target_semaphore(%run_scoped3A : memref<!tpu.dma_semaphore, #tpu.memory_space<semaphore_mem>>)
      %dma_wait3A_101 = arith.constant 0 : i32
      %dma_wait3A_102 = tpu.memref_slice %arg4[%add3A_29, %dma_wait3A_101] : memref<16384x768xf32, #tpu.memory_space<hbm>> -> memref<64x768xf32, #tpu.memory_space<hbm>>
      %dma_wait3A_103 = arith.constant 0 : i32
      %dma_wait3A_104 = tpu.memref_slice %arg4[%add3A_29, %dma_wait3A_103] : memref<16384x768xf32, #tpu.memory_space<hbm>> -> memref<64x768xf32, #tpu.memory_space<hbm>>
      tpu.wait_dma2 semaphore(%run_scoped3A : memref<!tpu.dma_semaphore, #tpu.memory_space<semaphore_mem>>) src(%arg7 : memref<64x768xf32, #tpu.memory_space<vmem>>) dst(%dma_wait3A_104 : memref<64x768xf32, #tpu.memory_space<hbm>>)
      tpu.yield
    }) : () -> ()
    %dma_wait3A_30 = arith.constant 128 : i32
    %dma_wait3A_31 = tpu.memref_slice %arg5[%dma_wait3A_30] : memref<512xi32, #tpu.memory_space<vmem>> -> memref<64xi32, #tpu.memory_space<vmem>>
    %dma_wait3A_32 = arith.constant 0 : i32
    %dma_wait3A_33 = arith.constant 0 : i32
    %dma_wait3A_34 = tpu.memref_slice %arg2[%dma_wait3A_32, %dma_wait3A_33] : memref<20800x768xf32, #tpu.memory_space<hbm>> -> memref<20800x768xf32, #tpu.memory_space<hbm>>
    tpu.wait_indirect_dma semaphore(%arg8 : memref<!tpu.dma_semaphore, #tpu.memory_space<semaphore_mem>>) src(%dma_wait3A_34 : memref<20800x768xf32, #tpu.memory_space<hbm>>) dst(%arg6 : memref<64x768xf32, #tpu.memory_space<vmem>>)
    %dma_start3A_35 = arith.constant 192 : i32
    %dma_start3A_36 = tpu.memref_slice %arg5[%dma_start3A_35] : memref<512xi32, #tpu.memory_space<vmem>> -> memref<64xi32, #tpu.memory_space<vmem>>
    %dma_start3A_37 = arith.constant 0 : i32
    %dma_start3A_38 = arith.constant 0 : i32
    %dma_start3A_39 = tpu.memref_slice %arg2[%dma_start3A_37, %dma_start3A_38] : memref<20800x768xf32, #tpu.memory_space<hbm>> -> memref<20800x768xf32, #tpu.memory_space<hbm>>
    tpu.enqueue_indirect_dma source(%dma_start3A_39 : memref<20800x768xf32, #tpu.memory_space<hbm>>) target(%arg7 : memref<64x768xf32, #tpu.memory_space<vmem>>) offsets(%dma_start3A_36 : memref<64xi32, #tpu.memory_space<vmem>>) semaphore(%arg9 : memref<!tpu.dma_semaphore, #tpu.memory_space<semaphore_mem>>)
    %add3A_40 = arith.constant 128 : i32
    %add3A_41 = arith.addi %mul3A_2, %add3A_40 : i32
    "tpu.region"() ({
      %run_scoped3A = tpu.sem_alloc : memref<!tpu.dma_semaphore, #tpu.memory_space<semaphore_mem>>
      %dma_start3A_97 = arith.constant 0 : i32
      %dma_start3A_98 = tpu.memref_slice %arg4[%add3A_41, %dma_start3A_97] : memref<16384x768xf32, #tpu.memory_space<hbm>> -> memref<64x768xf32, #tpu.memory_space<hbm>>
      %dma_start3A_99 = arith.constant 0 : i32
      %dma_start3A_100 = tpu.memref_slice %arg4[%add3A_41, %dma_start3A_99] : memref<16384x768xf32, #tpu.memory_space<hbm>> -> memref<64x768xf32, #tpu.memory_space<hbm>>
      tpu.enqueue_dma source(%arg6 : memref<64x768xf32, #tpu.memory_space<vmem>>) target(%dma_start3A_100 : memref<64x768xf32, #tpu.memory_space<hbm>>) target_semaphore(%run_scoped3A : memref<!tpu.dma_semaphore, #tpu.memory_space<semaphore_mem>>)
      %dma_wait3A_101 = arith.constant 0 : i32
      %dma_wait3A_102 = tpu.memref_slice %arg4[%add3A_41, %dma_wait3A_101] : memref<16384x768xf32, #tpu.memory_space<hbm>> -> memref<64x768xf32, #tpu.memory_space<hbm>>
      %dma_wait3A_103 = arith.constant 0 : i32
      %dma_wait3A_104 = tpu.memref_slice %arg4[%add3A_41, %dma_wait3A_103] : memref<16384x768xf32, #tpu.memory_space<hbm>> -> memref<64x768xf32, #tpu.memory_space<hbm>>
      tpu.wait_dma2 semaphore(%run_scoped3A : memref<!tpu.dma_semaphore, #tpu.memory_space<semaphore_mem>>) src(%arg6 : memref<64x768xf32, #tpu.memory_space<vmem>>) dst(%dma_wait3A_104 : memref<64x768xf32, #tpu.memory_space<hbm>>)
      tpu.yield
    }) : () -> ()
    %dma_wait3A_42 = arith.constant 192 : i32
    %dma_wait3A_43 = tpu.memref_slice %arg5[%dma_wait3A_42] : memref<512xi32, #tpu.memory_space<vmem>> -> memref<64xi32, #tpu.memory_space<vmem>>
    %dma_wait3A_44 = arith.constant 0 : i32
    %dma_wait3A_45 = arith.constant 0 : i32
    %dma_wait3A_46 = tpu.memref_slice %arg2[%dma_wait3A_44, %dma_wait3A_45] : memref<20800x768xf32, #tpu.memory_space<hbm>> -> memref<20800x768xf32, #tpu.memory_space<hbm>>
    tpu.wait_indirect_dma semaphore(%arg9 : memref<!tpu.dma_semaphore, #tpu.memory_space<semaphore_mem>>) src(%dma_wait3A_46 : memref<20800x768xf32, #tpu.memory_space<hbm>>) dst(%arg7 : memref<64x768xf32, #tpu.memory_space<vmem>>)
    %dma_start3A_47 = arith.constant 256 : i32
    %dma_start3A_48 = tpu.memref_slice %arg5[%dma_start3A_47] : memref<512xi32, #tpu.memory_space<vmem>> -> memref<64xi32, #tpu.memory_space<vmem>>
    %dma_start3A_49 = arith.constant 0 : i32
    %dma_start3A_50 = arith.constant 0 : i32
    %dma_start3A_51 = tpu.memref_slice %arg2[%dma_start3A_49, %dma_start3A_50] : memref<20800x768xf32, #tpu.memory_space<hbm>> -> memref<20800x768xf32, #tpu.memory_space<hbm>>
    tpu.enqueue_indirect_dma source(%dma_start3A_51 : memref<20800x768xf32, #tpu.memory_space<hbm>>) target(%arg6 : memref<64x768xf32, #tpu.memory_space<vmem>>) offsets(%dma_start3A_48 : memref<64xi32, #tpu.memory_space<vmem>>) semaphore(%arg8 : memref<!tpu.dma_semaphore, #tpu.memory_space<semaphore_mem>>)
    %add3A_52 = arith.constant 192 : i32
    %add3A_53 = arith.addi %mul3A_2, %add3A_52 : i32
    "tpu.region"() ({
      %run_scoped3A = tpu.sem_alloc : memref<!tpu.dma_semaphore, #tpu.memory_space<semaphore_mem>>
      %dma_start3A_97 = arith.constant 0 : i32
      %dma_start3A_98 = tpu.memref_slice %arg4[%add3A_53, %dma_start3A_97] : memref<16384x768xf32, #tpu.memory_space<hbm>> -> memref<64x768xf32, #tpu.memory_space<hbm>>
      %dma_start3A_99 = arith.constant 0 : i32
      %dma_start3A_100 = tpu.memref_slice %arg4[%add3A_53, %dma_start3A_99] : memref<16384x768xf32, #tpu.memory_space<hbm>> -> memref<64x768xf32, #tpu.memory_space<hbm>>
      tpu.enqueue_dma source(%arg7 : memref<64x768xf32, #tpu.memory_space<vmem>>) target(%dma_start3A_100 : memref<64x768xf32, #tpu.memory_space<hbm>>) target_semaphore(%run_scoped3A : memref<!tpu.dma_semaphore, #tpu.memory_space<semaphore_mem>>)
      %dma_wait3A_101 = arith.constant 0 : i32
      %dma_wait3A_102 = tpu.memref_slice %arg4[%add3A_53, %dma_wait3A_101] : memref<16384x768xf32, #tpu.memory_space<hbm>> -> memref<64x768xf32, #tpu.memory_space<hbm>>
      %dma_wait3A_103 = arith.constant 0 : i32
      %dma_wait3A_104 = tpu.memref_slice %arg4[%add3A_53, %dma_wait3A_103] : memref<16384x768xf32, #tpu.memory_space<hbm>> -> memref<64x768xf32, #tpu.memory_space<hbm>>
      tpu.wait_dma2 semaphore(%run_scoped3A : memref<!tpu.dma_semaphore, #tpu.memory_space<semaphore_mem>>) src(%arg7 : memref<64x768xf32, #tpu.memory_space<vmem>>) dst(%dma_wait3A_104 : memref<64x768xf32, #tpu.memory_space<hbm>>)
      tpu.yield
    }) : () -> ()
    %dma_wait3A_54 = arith.constant 256 : i32
    %dma_wait3A_55 = tpu.memref_slice %arg5[%dma_wait3A_54] : memref<512xi32, #tpu.memory_space<vmem>> -> memref<64xi32, #tpu.memory_space<vmem>>
    %dma_wait3A_56 = arith.constant 0 : i32
    %dma_wait3A_57 = arith.constant 0 : i32
    %dma_wait3A_58 = tpu.memref_slice %arg2[%dma_wait3A_56, %dma_wait3A_57] : memref<20800x768xf32, #tpu.memory_space<hbm>> -> memref<20800x768xf32, #tpu.memory_space<hbm>>
    tpu.wait_indirect_dma semaphore(%arg8 : memref<!tpu.dma_semaphore, #tpu.memory_space<semaphore_mem>>) src(%dma_wait3A_58 : memref<20800x768xf32, #tpu.memory_space<hbm>>) dst(%arg6 : memref<64x768xf32, #tpu.memory_space<vmem>>)
    %dma_start3A_59 = arith.constant 320 : i32
    %dma_start3A_60 = tpu.memref_slice %arg5[%dma_start3A_59] : memref<512xi32, #tpu.memory_space<vmem>> -> memref<64xi32, #tpu.memory_space<vmem>>
    %dma_start3A_61 = arith.constant 0 : i32
    %dma_start3A_62 = arith.constant 0 : i32
    %dma_start3A_63 = tpu.memref_slice %arg2[%dma_start3A_61, %dma_start3A_62] : memref<20800x768xf32, #tpu.memory_space<hbm>> -> memref<20800x768xf32, #tpu.memory_space<hbm>>
    tpu.enqueue_indirect_dma source(%dma_start3A_63 : memref<20800x768xf32, #tpu.memory_space<hbm>>) target(%arg7 : memref<64x768xf32, #tpu.memory_space<vmem>>) offsets(%dma_start3A_60 : memref<64xi32, #tpu.memory_space<vmem>>) semaphore(%arg9 : memref<!tpu.dma_semaphore, #tpu.memory_space<semaphore_mem>>)
    %add3A_64 = arith.constant 256 : i32
    %add3A_65 = arith.addi %mul3A_2, %add3A_64 : i32
    "tpu.region"() ({
      %run_scoped3A = tpu.sem_alloc : memref<!tpu.dma_semaphore, #tpu.memory_space<semaphore_mem>>
      %dma_start3A_97 = arith.constant 0 : i32
      %dma_start3A_98 = tpu.memref_slice %arg4[%add3A_65, %dma_start3A_97] : memref<16384x768xf32, #tpu.memory_space<hbm>> -> memref<64x768xf32, #tpu.memory_space<hbm>>
      %dma_start3A_99 = arith.constant 0 : i32
      %dma_start3A_100 = tpu.memref_slice %arg4[%add3A_65, %dma_start3A_99] : memref<16384x768xf32, #tpu.memory_space<hbm>> -> memref<64x768xf32, #tpu.memory_space<hbm>>
      tpu.enqueue_dma source(%arg6 : memref<64x768xf32, #tpu.memory_space<vmem>>) target(%dma_start3A_100 : memref<64x768xf32, #tpu.memory_space<hbm>>) target_semaphore(%run_scoped3A : memref<!tpu.dma_semaphore, #tpu.memory_space<semaphore_mem>>)
      %dma_wait3A_101 = arith.constant 0 : i32
      %dma_wait3A_102 = tpu.memref_slice %arg4[%add3A_65, %dma_wait3A_101] : memref<16384x768xf32, #tpu.memory_space<hbm>> -> memref<64x768xf32, #tpu.memory_space<hbm>>
      %dma_wait3A_103 = arith.constant 0 : i32
      %dma_wait3A_104 = tpu.memref_slice %arg4[%add3A_65, %dma_wait3A_103] : memref<16384x768xf32, #tpu.memory_space<hbm>> -> memref<64x768xf32, #tpu.memory_space<hbm>>
      tpu.wait_dma2 semaphore(%run_scoped3A : memref<!tpu.dma_semaphore, #tpu.memory_space<semaphore_mem>>) src(%arg6 : memref<64x768xf32, #tpu.memory_space<vmem>>) dst(%dma_wait3A_104 : memref<64x768xf32, #tpu.memory_space<hbm>>)
      tpu.yield
    }) : () -> ()
    %dma_wait3A_66 = arith.constant 320 : i32
    %dma_wait3A_67 = tpu.memref_slice %arg5[%dma_wait3A_66] : memref<512xi32, #tpu.memory_space<vmem>> -> memref<64xi32, #tpu.memory_space<vmem>>
    %dma_wait3A_68 = arith.constant 0 : i32
    %dma_wait3A_69 = arith.constant 0 : i32
    %dma_wait3A_70 = tpu.memref_slice %arg2[%dma_wait3A_68, %dma_wait3A_69] : memref<20800x768xf32, #tpu.memory_space<hbm>> -> memref<20800x768xf32, #tpu.memory_space<hbm>>
    tpu.wait_indirect_dma semaphore(%arg9 : memref<!tpu.dma_semaphore, #tpu.memory_space<semaphore_mem>>) src(%dma_wait3A_70 : memref<20800x768xf32, #tpu.memory_space<hbm>>) dst(%arg7 : memref<64x768xf32, #tpu.memory_space<vmem>>)
    %dma_start3A_71 = arith.constant 384 : i32
    %dma_start3A_72 = tpu.memref_slice %arg5[%dma_start3A_71] : memref<512xi32, #tpu.memory_space<vmem>> -> memref<64xi32, #tpu.memory_space<vmem>>
    %dma_start3A_73 = arith.constant 0 : i32
    %dma_start3A_74 = arith.constant 0 : i32
    %dma_start3A_75 = tpu.memref_slice %arg2[%dma_start3A_73, %dma_start3A_74] : memref<20800x768xf32, #tpu.memory_space<hbm>> -> memref<20800x768xf32, #tpu.memory_space<hbm>>
    tpu.enqueue_indirect_dma source(%dma_start3A_75 : memref<20800x768xf32, #tpu.memory_space<hbm>>) target(%arg6 : memref<64x768xf32, #tpu.memory_space<vmem>>) offsets(%dma_start3A_72 : memref<64xi32, #tpu.memory_space<vmem>>) semaphore(%arg8 : memref<!tpu.dma_semaphore, #tpu.memory_space<semaphore_mem>>)
    %add3A_76 = arith.constant 320 : i32
    %add3A_77 = arith.addi %mul3A_2, %add3A_76 : i32
    "tpu.region"() ({
      %run_scoped3A = tpu.sem_alloc : memref<!tpu.dma_semaphore, #tpu.memory_space<semaphore_mem>>
      %dma_start3A_97 = arith.constant 0 : i32
      %dma_start3A_98 = tpu.memref_slice %arg4[%add3A_77, %dma_start3A_97] : memref<16384x768xf32, #tpu.memory_space<hbm>> -> memref<64x768xf32, #tpu.memory_space<hbm>>
      %dma_start3A_99 = arith.constant 0 : i32
      %dma_start3A_100 = tpu.memref_slice %arg4[%add3A_77, %dma_start3A_99] : memref<16384x768xf32, #tpu.memory_space<hbm>> -> memref<64x768xf32, #tpu.memory_space<hbm>>
      tpu.enqueue_dma source(%arg7 : memref<64x768xf32, #tpu.memory_space<vmem>>) target(%dma_start3A_100 : memref<64x768xf32, #tpu.memory_space<hbm>>) target_semaphore(%run_scoped3A : memref<!tpu.dma_semaphore, #tpu.memory_space<semaphore_mem>>)
      %dma_wait3A_101 = arith.constant 0 : i32
      %dma_wait3A_102 = tpu.memref_slice %arg4[%add3A_77, %dma_wait3A_101] : memref<16384x768xf32, #tpu.memory_space<hbm>> -> memref<64x768xf32, #tpu.memory_space<hbm>>
      %dma_wait3A_103 = arith.constant 0 : i32
      %dma_wait3A_104 = tpu.memref_slice %arg4[%add3A_77, %dma_wait3A_103] : memref<16384x768xf32, #tpu.memory_space<hbm>> -> memref<64x768xf32, #tpu.memory_space<hbm>>
      tpu.wait_dma2 semaphore(%run_scoped3A : memref<!tpu.dma_semaphore, #tpu.memory_space<semaphore_mem>>) src(%arg7 : memref<64x768xf32, #tpu.memory_space<vmem>>) dst(%dma_wait3A_104 : memref<64x768xf32, #tpu.memory_space<hbm>>)
      tpu.yield
    }) : () -> ()
    %dma_wait3A_78 = arith.constant 384 : i32
    %dma_wait3A_79 = tpu.memref_slice %arg5[%dma_wait3A_78] : memref<512xi32, #tpu.memory_space<vmem>> -> memref<64xi32, #tpu.memory_space<vmem>>
    %dma_wait3A_80 = arith.constant 0 : i32
    %dma_wait3A_81 = arith.constant 0 : i32
    %dma_wait3A_82 = tpu.memref_slice %arg2[%dma_wait3A_80, %dma_wait3A_81] : memref<20800x768xf32, #tpu.memory_space<hbm>> -> memref<20800x768xf32, #tpu.memory_space<hbm>>
    tpu.wait_indirect_dma semaphore(%arg8 : memref<!tpu.dma_semaphore, #tpu.memory_space<semaphore_mem>>) src(%dma_wait3A_82 : memref<20800x768xf32, #tpu.memory_space<hbm>>) dst(%arg6 : memref<64x768xf32, #tpu.memory_space<vmem>>)
    %dma_start3A_83 = arith.constant 448 : i32
    %dma_start3A_84 = tpu.memref_slice %arg5[%dma_start3A_83] : memref<512xi32, #tpu.memory_space<vmem>> -> memref<64xi32, #tpu.memory_space<vmem>>
    %dma_start3A_85 = arith.constant 0 : i32
    %dma_start3A_86 = arith.constant 0 : i32
    %dma_start3A_87 = tpu.memref_slice %arg2[%dma_start3A_85, %dma_start3A_86] : memref<20800x768xf32, #tpu.memory_space<hbm>> -> memref<20800x768xf32, #tpu.memory_space<hbm>>
    tpu.enqueue_indirect_dma source(%dma_start3A_87 : memref<20800x768xf32, #tpu.memory_space<hbm>>) target(%arg7 : memref<64x768xf32, #tpu.memory_space<vmem>>) offsets(%dma_start3A_84 : memref<64xi32, #tpu.memory_space<vmem>>) semaphore(%arg9 : memref<!tpu.dma_semaphore, #tpu.memory_space<semaphore_mem>>)
    %add3A_88 = arith.constant 384 : i32
    %add3A_89 = arith.addi %mul3A_2, %add3A_88 : i32
    "tpu.region"() ({
      %run_scoped3A = tpu.sem_alloc : memref<!tpu.dma_semaphore, #tpu.memory_space<semaphore_mem>>
      %dma_start3A_97 = arith.constant 0 : i32
      %dma_start3A_98 = tpu.memref_slice %arg4[%add3A_89, %dma_start3A_97] : memref<16384x768xf32, #tpu.memory_space<hbm>> -> memref<64x768xf32, #tpu.memory_space<hbm>>
      %dma_start3A_99 = arith.constant 0 : i32
      %dma_start3A_100 = tpu.memref_slice %arg4[%add3A_89, %dma_start3A_99] : memref<16384x768xf32, #tpu.memory_space<hbm>> -> memref<64x768xf32, #tpu.memory_space<hbm>>
      tpu.enqueue_dma source(%arg6 : memref<64x768xf32, #tpu.memory_space<vmem>>) target(%dma_start3A_100 : memref<64x768xf32, #tpu.memory_space<hbm>>) target_semaphore(%run_scoped3A : memref<!tpu.dma_semaphore, #tpu.memory_space<semaphore_mem>>)
      %dma_wait3A_101 = arith.constant 0 : i32
      %dma_wait3A_102 = tpu.memref_slice %arg4[%add3A_89, %dma_wait3A_101] : memref<16384x768xf32, #tpu.memory_space<hbm>> -> memref<64x768xf32, #tpu.memory_space<hbm>>
      %dma_wait3A_103 = arith.constant 0 : i32
      %dma_wait3A_104 = tpu.memref_slice %arg4[%add3A_89, %dma_wait3A_103] : memref<16384x768xf32, #tpu.memory_space<hbm>> -> memref<64x768xf32, #tpu.memory_space<hbm>>
      tpu.wait_dma2 semaphore(%run_scoped3A : memref<!tpu.dma_semaphore, #tpu.memory_space<semaphore_mem>>) src(%arg6 : memref<64x768xf32, #tpu.memory_space<vmem>>) dst(%dma_wait3A_104 : memref<64x768xf32, #tpu.memory_space<hbm>>)
      tpu.yield
    }) : () -> ()
    %dma_wait3A_90 = arith.constant 448 : i32
    %dma_wait3A_91 = tpu.memref_slice %arg5[%dma_wait3A_90] : memref<512xi32, #tpu.memory_space<vmem>> -> memref<64xi32, #tpu.memory_space<vmem>>
    %dma_wait3A_92 = arith.constant 0 : i32
    %dma_wait3A_93 = arith.constant 0 : i32
    %dma_wait3A_94 = tpu.memref_slice %arg2[%dma_wait3A_92, %dma_wait3A_93] : memref<20800x768xf32, #tpu.memory_space<hbm>> -> memref<20800x768xf32, #tpu.memory_space<hbm>>
    tpu.wait_indirect_dma semaphore(%arg9 : memref<!tpu.dma_semaphore, #tpu.memory_space<semaphore_mem>>) src(%dma_wait3A_94 : memref<20800x768xf32, #tpu.memory_space<hbm>>) dst(%arg7 : memref<64x768xf32, #tpu.memory_space<vmem>>)
    %add3A_95 = arith.constant 448 : i32
    %add3A_96 = arith.addi %mul3A_2, %add3A_95 : i32
    "tpu.region"() ({
      %run_scoped3A = tpu.sem_alloc : memref<!tpu.dma_semaphore, #tpu.memory_space<semaphore_mem>>
      %dma_start3A_97 = arith.constant 0 : i32
      %dma_start3A_98 = tpu.memref_slice %arg4[%add3A_96, %dma_start3A_97] : memref<16384x768xf32, #tpu.memory_space<hbm>> -> memref<64x768xf32, #tpu.memory_space<hbm>>
      %dma_start3A_99 = arith.constant 0 : i32
      %dma_start3A_100 = tpu.memref_slice %arg4[%add3A_96, %dma_start3A_99] : memref<16384x768xf32, #tpu.memory_space<hbm>> -> memref<64x768xf32, #tpu.memory_space<hbm>>
      tpu.enqueue_dma source(%arg7 : memref<64x768xf32, #tpu.memory_space<vmem>>) target(%dma_start3A_100 : memref<64x768xf32, #tpu.memory_space<hbm>>) target_semaphore(%run_scoped3A : memref<!tpu.dma_semaphore, #tpu.memory_space<semaphore_mem>>)
      %dma_wait3A_101 = arith.constant 0 : i32
      %dma_wait3A_102 = tpu.memref_slice %arg4[%add3A_96, %dma_wait3A_101] : memref<16384x768xf32, #tpu.memory_space<hbm>> -> memref<64x768xf32, #tpu.memory_space<hbm>>
      %dma_wait3A_103 = arith.constant 0 : i32
      %dma_wait3A_104 = tpu.memref_slice %arg4[%add3A_96, %dma_wait3A_103] : memref<16384x768xf32, #tpu.memory_space<hbm>> -> memref<64x768xf32, #tpu.memory_space<hbm>>
      tpu.wait_dma2 semaphore(%run_scoped3A : memref<!tpu.dma_semaphore, #tpu.memory_space<semaphore_mem>>) src(%arg7 : memref<64x768xf32, #tpu.memory_space<vmem>>) dst(%dma_wait3A_104 : memref<64x768xf32, #tpu.memory_space<hbm>>)
      tpu.yield
    }) : () -> ()
    return
  }
}

module attributes {stable_mosaic.version = 14 : i64} {
  func.func @_lambda_(%arg0: i32, %arg1: memref<256x768xf32, #tpu.memory_space<vmem>>, %arg2: memref<768x64xf32, #tpu.memory_space<vmem>>, %arg3: memref<256x1xf32, #tpu.memory_space<vmem>>, %arg4: memref<256x1xi32, #tpu.memory_space<vmem>>, %arg5: memref<256x1xi32, #tpu.memory_space<vmem>>, %arg6: memref<256x1xf32, #tpu.memory_space<vmem>>, %arg7: memref<256x1xf32, #tpu.memory_space<vmem>>, %arg8: memref<256x1xi32, #tpu.memory_space<vmem>>, %arg9: memref<256x1xf32, #tpu.memory_space<vmem>>, %arg10: memref<256x1xf32, #tpu.memory_space<vmem>>, %arg11: memref<1x64xf32, #tpu.memory_space<vmem>>, %arg12: memref<1x64xf32, #tpu.memory_space<vmem>>) attributes {dimension_semantics = [#tpu.dimension_semantics<arbitrary>], iteration_bounds = array<i64: 32>, scalar_prefetch = 0 : i64, scratch_operands = 0 : i64, tpu.core_type = #tpu.core_type<tc>, window_params = [{transform_indices = @transform_0, window_bounds = array<i64: 256, 768>}, {pipeline_mode = #tpu.pipeline_mode<synchronous>, transform_indices = @transform_1, window_bounds = array<i64: 768, 64>}, {transform_indices = @transform_2, window_bounds = array<i64: 256, 1>}, {transform_indices = @transform_3, window_bounds = array<i64: 256, 1>}, {transform_indices = @transform_4, window_bounds = array<i64: 256, 1>}, {transform_indices = @transform_5, window_bounds = array<i64: 256, 1>}, {transform_indices = @transform_6, window_bounds = array<i64: 256, 1>}, {transform_indices = @transform_7, window_bounds = array<i64: 256, 1>}, {transform_indices = @transform_8, window_bounds = array<i64: 256, 1>}, {transform_indices = @transform_9, window_bounds = array<i64: 256, 1>}, {pipeline_mode = #tpu.pipeline_mode<synchronous>, transform_indices = @transform_10, window_bounds = array<i64: 1, 64>}, {pipeline_mode = #tpu.pipeline_mode<synchronous>, transform_indices = @transform_11, window_bounds = array<i64: 1, 64>}]} {
    %eq3A = arith.constant 0 : i32
    %eq3A_0 = arith.cmpi eq, %arg0, %eq3A : i32
    %convert_element_type3A = arith.extui %eq3A_0 : i1 to i32
    %cond3A = arith.constant 0 : i32
    %cond3A_1 = arith.cmpi ne, %convert_element_type3A, %cond3A : i32
    scf.if %cond3A_1 {
      %broadcast_in_dim3A_122 = arith.constant 0.000000e+00 : f32
      %broadcast_in_dim3A_123 = vector.broadcast %broadcast_in_dim3A_122 : f32 to vector<1x64xf32>
      %swap3A_124 = arith.constant 0 : index
      %swap3A_125 = arith.constant 0 : index
      %swap3A_126 = vector.load %arg11[%swap3A_124, %swap3A_125] : memref<1x64xf32, #tpu.memory_space<vmem>>, vector<1x64xf32>
      tpu.vector_store %arg11[%swap3A_124, %swap3A_125], %broadcast_in_dim3A_123 {strides = array<i32>} : memref<1x64xf32, #tpu.memory_space<vmem>>, vector<1x64xf32>,
      %broadcast_in_dim3A_127 = arith.constant 0.000000e+00 : f32
      %broadcast_in_dim3A_128 = vector.broadcast %broadcast_in_dim3A_127 : f32 to vector<1x64xf32>
      %swap3A_129 = arith.constant 0 : index
      %swap3A_130 = arith.constant 0 : index
      %swap3A_131 = vector.load %arg12[%swap3A_129, %swap3A_130] : memref<1x64xf32, #tpu.memory_space<vmem>>, vector<1x64xf32>
      tpu.vector_store %arg12[%swap3A_129, %swap3A_130], %broadcast_in_dim3A_128 {strides = array<i32>} : memref<1x64xf32, #tpu.memory_space<vmem>>, vector<1x64xf32>,
    } else {
    }
    %get3A = arith.constant 0 : index
    %get3A_2 = arith.constant 0 : index
    %get3A_3 = vector.load %arg1[%get3A, %get3A_2] : memref<256x768xf32, #tpu.memory_space<vmem>>, vector<256x768xf32>
    %get3A_4 = arith.constant 0 : index
    %get3A_5 = arith.constant 0 : index
    %get3A_6 = vector.load %arg2[%get3A_4, %get3A_5] : memref<768x64xf32, #tpu.memory_space<vmem>>, vector<768x64xf32>
    %dot_general3A = arith.constant dense<0.000000e+00> : vector<256x64xf32>
    %dot_general3A_7 = tpu.matmul %get3A_3, %get3A_6, %dot_general3A {dimension_numbers = #tpu.dot_dimension_numbers<[1], [0], [0], [1], [0, 0, 1, 1], [], []>, transpose_lhs_hint = false} : vector<256x768xf32>, vector<768x64xf32>, vector<256x64xf32> -> vector<256x64xf32>
    %reduce_max3A = arith.constant dense<0xFF800000> : vector<256xf32>
    %reduce_max3A_8 = vector.multi_reduction <maximumf>, %dot_general3A_7, %reduce_max3A [1] : vector<256x64xf32> to vector<256xf32>
    %broadcast_in_dim3A = vector.shape_cast %reduce_max3A_8 : vector<256xf32> to vector<256x1xf32>
    %sub3A = vector.broadcast %broadcast_in_dim3A : vector<256x1xf32> to vector<256x64xf32>
    %sub3A_9 = arith.subf %dot_general3A_7, %sub3A : vector<256x64xf32>
    %exp3A = math.exp %sub3A_9 : vector<256x64xf32>
    %reduce_sum3A = arith.constant dense<0.000000e+00> : vector<256xf32>
    %reduce_sum3A_10 = vector.multi_reduction <add>, %exp3A, %reduce_sum3A [1] : vector<256x64xf32> to vector<256xf32>
    %broadcast_in_dim3A_11 = vector.shape_cast %reduce_sum3A_10 : vector<256xf32> to vector<256x1xf32>
    %div3A = vector.broadcast %broadcast_in_dim3A_11 : vector<256x1xf32> to vector<256x64xf32>
    %div3A_12 = arith.divf %exp3A, %div3A : vector<256x64xf32>
    %iota3A = tpu.iota {dimensions = array<i32: 1>} : vector<256x64xi32>
    %reduce_max3A_13 = arith.constant dense<0xFF800000> : vector<256xf32>
    %reduce_max3A_14 = vector.multi_reduction <maximumf>, %div3A_12, %reduce_max3A_13 [1] : vector<256x64xf32> to vector<256xf32>
    %broadcast_in_dim3A_15 = vector.shape_cast %reduce_max3A_14 : vector<256xf32> to vector<256x1xf32>
    %eq3A_16 = vector.broadcast %broadcast_in_dim3A_15 : vector<256x1xf32> to vector<256x64xf32>
    %eq3A_17 = arith.cmpf oeq, %div3A_12, %eq3A_16 : vector<256x64xf32>
    %jit3A = arith.constant 64 : i32
    %broadcast_in_dim3A_18 = vector.broadcast %jit3A : i32 to vector<256x64xi32>
    %select_n3A = arith.select %eq3A_17, %iota3A, %broadcast_in_dim3A_18 : vector<256x64xi1>, vector<256x64xi32>
    %reduce_min3A = arith.constant dense<2147483647> : vector<256xi32>
    %reduce_min3A_19 = vector.multi_reduction <minsi>, %select_n3A, %reduce_min3A [1] : vector<256x64xi32> to vector<256xi32>
    %broadcast_in_dim3A_20 = vector.shape_cast %reduce_min3A_19 : vector<256xi32> to vector<256x1xi32>
    %eq3A_21 = vector.broadcast %broadcast_in_dim3A_20 : vector<256x1xi32> to vector<256x64xi32>
    %eq3A_22 = arith.cmpi eq, %iota3A, %eq3A_21 : vector<256x64xi32>
    %convert_element_type3A_23 = arith.extui %eq3A_22 : vector<256x64xi1> to vector<256x64xi32>
    %convert_element_type3A_24 = arith.sitofp %convert_element_type3A_23 : vector<256x64xi32> to vector<256x64xf32>
    %sub3A_25 = arith.constant 1.000000e+00 : f32
    %sub3A_26 = vector.broadcast %sub3A_25 : f32 to vector<256x64xf32>
    %sub3A_27 = arith.subf %sub3A_26, %convert_element_type3A_24 : vector<256x64xf32>
    %mul3A = arith.mulf %div3A_12, %sub3A_27 : vector<256x64xf32>
    %reduce_max3A_28 = arith.constant dense<0xFF800000> : vector<256xf32>
    %reduce_max3A_29 = vector.multi_reduction <maximumf>, %mul3A, %reduce_max3A_28 [1] : vector<256x64xf32> to vector<256xf32>
    %broadcast_in_dim3A_30 = vector.shape_cast %reduce_max3A_29 : vector<256xf32> to vector<256x1xf32>
    %eq3A_31 = vector.broadcast %broadcast_in_dim3A_30 : vector<256x1xf32> to vector<256x64xf32>
    %eq3A_32 = arith.cmpf oeq, %mul3A, %eq3A_31 : vector<256x64xf32>
    %jit3A_33 = arith.constant 64 : i32
    %broadcast_in_dim3A_34 = vector.broadcast %jit3A_33 : i32 to vector<256x64xi32>
    %select_n3A_35 = arith.select %eq3A_32, %iota3A, %broadcast_in_dim3A_34 : vector<256x64xi1>, vector<256x64xi32>
    %reduce_min3A_36 = arith.constant dense<2147483647> : vector<256xi32>
    %reduce_min3A_37 = vector.multi_reduction <minsi>, %select_n3A_35, %reduce_min3A_36 [1] : vector<256x64xi32> to vector<256xi32>
    %broadcast_in_dim3A_38 = vector.shape_cast %reduce_min3A_37 : vector<256xi32> to vector<256x1xi32>
    %add3A = arith.addf %broadcast_in_dim3A_15, %broadcast_in_dim3A_30 : vector<256x1xf32>
    %add3A_39 = arith.constant 9.99999971E-10 : f32
    %add3A_40 = vector.broadcast %add3A_39 : f32 to vector<256x1xf32>
    %add3A_41 = arith.addf %add3A, %add3A_40 : vector<256x1xf32>
    %div3A_42 = arith.divf %broadcast_in_dim3A_15, %add3A_41 : vector<256x1xf32>
    %div3A_43 = arith.divf %broadcast_in_dim3A_30, %add3A_41 : vector<256x1xf32>
    %get3A_44 = arith.constant 0 : index
    %get3A_45 = arith.constant 0 : index
    %get3A_46 = vector.load %arg3[%get3A_44, %get3A_45] : memref<256x1xf32, #tpu.memory_space<vmem>>, vector<256x1xf32>
    %div3A_47 = arith.constant 2.000000e-01 : f32
    %div3A_48 = vector.broadcast %div3A_47 : f32 to vector<256x1xf32>
    %div3A_49 = arith.divf %div3A_43, %div3A_48 : vector<256x1xf32>
    %jit3A_50 = arith.constant 0.000000e+00 : f32
    %jit3A_51 = arith.constant 1.000000e+00 : f32
    %max3A = vector.broadcast %jit3A_50 : f32 to vector<256x1xf32>
    %max3A_52 = arith.maximumf %max3A, %div3A_49 : vector<256x1xf32>
    %min3A = vector.broadcast %jit3A_51 : f32 to vector<256x1xf32>
    %min3A_53 = arith.minimumf %min3A, %max3A_52 : vector<256x1xf32>
    %lt3A = arith.cmpf olt, %get3A_46, %min3A_53 : vector<256x1xf32>
    %convert_element_type3A_54 = arith.extui %lt3A : vector<256x1xi1> to vector<256x1xi32>
    %convert_element_type3A_55 = arith.sitofp %convert_element_type3A_54 : vector<256x1xi32> to vector<256x1xf32>
    %iota3A_56 = tpu.iota {dimensions = array<i32: 0>} : vector<256x256xi32>
    %iota3A_57 = tpu.iota {dimensions = array<i32: 1>} : vector<256x256xi32>
    %lt3A_58 = arith.cmpi slt, %iota3A_57, %iota3A_56 : vector<256x256xi32>
    %convert_element_type3A_59 = arith.extui %lt3A_58 : vector<256x256xi1> to vector<256x256xi32>
    %convert_element_type3A_60 = arith.sitofp %convert_element_type3A_59 : vector<256x256xi32> to vector<256x256xf32>
    %dot_general3A_61 = arith.constant dense<0.000000e+00> : vector<256x64xf32>
    %dot_general3A_62 = tpu.matmul %convert_element_type3A_60, %convert_element_type3A_24, %dot_general3A_61 {dimension_numbers = #tpu.dot_dimension_numbers<[1], [0], [0], [1], [0, 0, 1, 1], [], []>, transpose_lhs_hint = false} : vector<256x256xf32>, vector<256x64xf32>, vector<256x64xf32> -> vector<256x64xf32>
    %get3A_63 = arith.constant 0 : index
    %get3A_64 = arith.constant 0 : index
    %get3A_65 = vector.load %arg11[%get3A_63, %get3A_64] : memref<1x64xf32, #tpu.memory_space<vmem>>, vector<1x64xf32>
    %add3A_66 = vector.broadcast %get3A_65 : vector<1x64xf32> to vector<256x64xf32>
    %add3A_67 = arith.addf %dot_general3A_62, %add3A_66 : vector<256x64xf32>
    %get3A_68 = arith.constant 0 : index
    %get3A_69 = arith.constant 0 : index
    %get3A_70 = vector.load %arg11[%get3A_68, %get3A_69] : memref<1x64xf32, #tpu.memory_space<vmem>>, vector<1x64xf32>
    %reduce_sum3A_71 = arith.constant dense<0.000000e+00> : vector<64xf32>
    %reduce_sum3A_72 = vector.multi_reduction <add>, %convert_element_type3A_24, %reduce_sum3A_71 [0] : vector<256x64xf32> to vector<64xf32>
    %broadcast_in_dim3A_73 = vector.shape_cast %reduce_sum3A_72 : vector<64xf32> to vector<1x64xf32>
    %add3A_74 = arith.addf %get3A_70, %broadcast_in_dim3A_73 : vector<1x64xf32>
    %swap3A = arith.constant 0 : index
    %swap3A_75 = arith.constant 0 : index
    %swap3A_76 = vector.load %arg11[%swap3A, %swap3A_75] : memref<1x64xf32, #tpu.memory_space<vmem>>, vector<1x64xf32>
    tpu.vector_store %arg11[%swap3A, %swap3A_75], %add3A_74 {strides = array<i32>} : memref<1x64xf32, #tpu.memory_space<vmem>>, vector<1x64xf32>,
    %get3A_77 = arith.constant 0 : index
    %get3A_78 = arith.constant 0 : index
    %get3A_79 = vector.load %arg12[%get3A_77, %get3A_78] : memref<1x64xf32, #tpu.memory_space<vmem>>, vector<1x64xf32>
    %reduce_sum3A_80 = arith.constant dense<0.000000e+00> : vector<64xf32>
    %reduce_sum3A_81 = vector.multi_reduction <add>, %div3A_12, %reduce_sum3A_80 [0] : vector<256x64xf32> to vector<64xf32>
    %broadcast_in_dim3A_82 = vector.shape_cast %reduce_sum3A_81 : vector<64xf32> to vector<1x64xf32>
    %add3A_83 = arith.addf %get3A_79, %broadcast_in_dim3A_82 : vector<1x64xf32>
    %swap3A_84 = arith.constant 0 : index
    %swap3A_85 = arith.constant 0 : index
    %swap3A_86 = vector.load %arg12[%swap3A_84, %swap3A_85] : memref<1x64xf32, #tpu.memory_space<vmem>>, vector<1x64xf32>
    tpu.vector_store %arg12[%swap3A_84, %swap3A_85], %add3A_83 {strides = array<i32>} : memref<1x64xf32, #tpu.memory_space<vmem>>, vector<1x64xf32>,
    %lt3A_87 = arith.constant 3.200000e+02 : f32
    %lt3A_88 = vector.broadcast %lt3A_87 : f32 to vector<256x64xf32>
    %lt3A_89 = arith.cmpf olt, %add3A_67, %lt3A_88 : vector<256x64xf32>
    %convert_element_type3A_90 = arith.extui %lt3A_89 : vector<256x64xi1> to vector<256x64xi32>
    %convert_element_type3A_91 = arith.sitofp %convert_element_type3A_90 : vector<256x64xi32> to vector<256x64xf32>
    %mul3A_92 = arith.mulf %convert_element_type3A_24, %convert_element_type3A_91 : vector<256x64xf32>
    %reduce_sum3A_93 = arith.constant dense<0.000000e+00> : vector<256xf32>
    %reduce_sum3A_94 = vector.multi_reduction <add>, %mul3A_92, %reduce_sum3A_93 [1] : vector<256x64xf32> to vector<256xf32>
    %broadcast_in_dim3A_95 = vector.shape_cast %reduce_sum3A_94 : vector<256xf32> to vector<256x1xf32>
    %mul3A_96 = arith.mulf %add3A_67, %mul3A_92 : vector<256x64xf32>
    %reduce_sum3A_97 = arith.constant dense<0.000000e+00> : vector<256xf32>
    %reduce_sum3A_98 = vector.multi_reduction <add>, %mul3A_96, %reduce_sum3A_97 [1] : vector<256x64xf32> to vector<256xf32>
    %broadcast_in_dim3A_99 = vector.shape_cast %reduce_sum3A_98 : vector<256xf32> to vector<256x1xf32>
    %convert_element_type3A_100 = arith.fptosi %broadcast_in_dim3A_99 : vector<256x1xf32> to vector<256x1xi32>
    %swap3A_101 = arith.constant 0 : index
    %swap3A_102 = arith.constant 0 : index
    %swap3A_103 = vector.load %arg4[%swap3A_101, %swap3A_102] : memref<256x1xi32, #tpu.memory_space<vmem>>, vector<256x1xi32>
    tpu.vector_store %arg4[%swap3A_101, %swap3A_102], %broadcast_in_dim3A_20 {strides = array<i32>} : memref<256x1xi32, #tpu.memory_space<vmem>>, vector<256x1xi32>,
    %swap3A_104 = arith.constant 0 : index
    %swap3A_105 = arith.constant 0 : index
    %swap3A_106 = vector.load %arg8[%swap3A_104, %swap3A_105] : memref<256x1xi32, #tpu.memory_space<vmem>>, vector<256x1xi32>
    tpu.vector_store %arg8[%swap3A_104, %swap3A_105], %broadcast_in_dim3A_38 {strides = array<i32>} : memref<256x1xi32, #tpu.memory_space<vmem>>, vector<256x1xi32>,
    %swap3A_107 = arith.constant 0 : index
    %swap3A_108 = arith.constant 0 : index
    %swap3A_109 = vector.load %arg5[%swap3A_107, %swap3A_108] : memref<256x1xi32, #tpu.memory_space<vmem>>, vector<256x1xi32>
    tpu.vector_store %arg5[%swap3A_107, %swap3A_108], %convert_element_type3A_100 {strides = array<i32>} : memref<256x1xi32, #tpu.memory_space<vmem>>, vector<256x1xi32>,
    %swap3A_110 = arith.constant 0 : index
    %swap3A_111 = arith.constant 0 : index
    %swap3A_112 = vector.load %arg6[%swap3A_110, %swap3A_111] : memref<256x1xf32, #tpu.memory_space<vmem>>, vector<256x1xf32>
    tpu.vector_store %arg6[%swap3A_110, %swap3A_111], %broadcast_in_dim3A_95 {strides = array<i32>} : memref<256x1xf32, #tpu.memory_space<vmem>>, vector<256x1xf32>,
    %swap3A_113 = arith.constant 0 : index
    %swap3A_114 = arith.constant 0 : index
    %swap3A_115 = vector.load %arg7[%swap3A_113, %swap3A_114] : memref<256x1xf32, #tpu.memory_space<vmem>>, vector<256x1xf32>
    tpu.vector_store %arg7[%swap3A_113, %swap3A_114], %div3A_42 {strides = array<i32>} : memref<256x1xf32, #tpu.memory_space<vmem>>, vector<256x1xf32>,
    %swap3A_116 = arith.constant 0 : index
    %swap3A_117 = arith.constant 0 : index
    %swap3A_118 = vector.load %arg9[%swap3A_116, %swap3A_117] : memref<256x1xf32, #tpu.memory_space<vmem>>, vector<256x1xf32>
    tpu.vector_store %arg9[%swap3A_116, %swap3A_117], %div3A_43 {strides = array<i32>} : memref<256x1xf32, #tpu.memory_space<vmem>>, vector<256x1xf32>,
    %swap3A_119 = arith.constant 0 : index
    %swap3A_120 = arith.constant 0 : index
    %swap3A_121 = vector.load %arg10[%swap3A_119, %swap3A_120] : memref<256x1xf32, #tpu.memory_space<vmem>>, vector<256x1xf32>
    tpu.vector_store %arg10[%swap3A_119, %swap3A_120], %convert_element_type3A_55 {strides = array<i32>} : memref<256x1xf32, #tpu.memory_space<vmem>>, vector<256x1xf32>,
    return
  }
  func.func @transform_0(%arg0: i32) -> (i32, i32) {
    %c0_i32 = arith.constant 0 : i32
    %c0_i32_0 = arith.constant 0 : i32
    return %arg0, %c0_i32 : i32, i32
  }
  func.func @transform_1(%arg0: i32) -> (i32, i32) {
    %c0_i32 = arith.constant 0 : i32
    %c0_i32_0 = arith.constant 0 : i32
    %c0_i32_1 = arith.constant 0 : i32
    return %c0_i32, %c0_i32_0 : i32, i32
  }
  func.func @transform_2(%arg0: i32) -> (i32, i32) {
    %c0_i32 = arith.constant 0 : i32
    %c0_i32_0 = arith.constant 0 : i32
    return %arg0, %c0_i32 : i32, i32
  }
  func.func @transform_3(%arg0: i32) -> (i32, i32) {
    %c0_i32 = arith.constant 0 : i32
    %c0_i32_0 = arith.constant 0 : i32
    return %arg0, %c0_i32 : i32, i32
  }
  func.func @transform_4(%arg0: i32) -> (i32, i32) {
    %c0_i32 = arith.constant 0 : i32
    %c0_i32_0 = arith.constant 0 : i32
    return %arg0, %c0_i32 : i32, i32
  }
  func.func @transform_5(%arg0: i32) -> (i32, i32) {
    %c0_i32 = arith.constant 0 : i32
    %c0_i32_0 = arith.constant 0 : i32
    return %arg0, %c0_i32 : i32, i32
  }
  func.func @transform_6(%arg0: i32) -> (i32, i32) {
    %c0_i32 = arith.constant 0 : i32
    %c0_i32_0 = arith.constant 0 : i32
    return %arg0, %c0_i32 : i32, i32
  }
  func.func @transform_7(%arg0: i32) -> (i32, i32) {
    %c0_i32 = arith.constant 0 : i32
    %c0_i32_0 = arith.constant 0 : i32
    return %arg0, %c0_i32 : i32, i32
  }
  func.func @transform_8(%arg0: i32) -> (i32, i32) {
    %c0_i32 = arith.constant 0 : i32
    %c0_i32_0 = arith.constant 0 : i32
    return %arg0, %c0_i32 : i32, i32
  }
  func.func @transform_9(%arg0: i32) -> (i32, i32) {
    %c0_i32 = arith.constant 0 : i32
    %c0_i32_0 = arith.constant 0 : i32
    return %arg0, %c0_i32 : i32, i32
  }
  func.func @transform_10(%arg0: i32) -> (i32, i32) {
    %c0_i32 = arith.constant 0 : i32
    %c0_i32_0 = arith.constant 0 : i32
    %c0_i32_1 = arith.constant 0 : i32
    return %c0_i32, %c0_i32_0 : i32, i32
  }
  func.func @transform_11(%arg0: i32) -> (i32, i32) {
    %c0_i32 = arith.constant 0 : i32
    %c0_i32_0 = arith.constant 0 : i32
    %c0_i32_1 = arith.constant 0 : i32
    return %c0_i32, %c0_i32_0 : i32, i32
  }
}

module attributes {stable_mosaic.version = 14 : i64} {
  func.func @_lambda_(%arg0: i32, %arg1: memref<256x1xi32, #tpu.memory_space<vmem>>, %arg2: memref<256x1xf32, #tpu.memory_space<vmem>>, %arg3: memref<1x64xf32, #tpu.memory_space<vmem>>, %arg4: memref<256x1xi32, #tpu.memory_space<vmem>>, %arg5: memref<256x1xf32, #tpu.memory_space<vmem>>, %arg6: memref<1x64xf32, #tpu.memory_space<vmem>>, %arg7: memref<1x64xf32, #tpu.memory_space<vmem>>) attributes {dimension_semantics = [#tpu.dimension_semantics<arbitrary>], iteration_bounds = array<i64: 32>, scalar_prefetch = 0 : i64, scratch_operands = 1 : i64, tpu.core_type = #tpu.core_type<tc>, window_params = [{transform_indices = @transform_0, window_bounds = array<i64: 256, 1>}, {transform_indices = @transform_1, window_bounds = array<i64: 256, 1>}, {pipeline_mode = #tpu.pipeline_mode<synchronous>, transform_indices = @transform_2, window_bounds = array<i64: 1, 64>}, {transform_indices = @transform_3, window_bounds = array<i64: 256, 1>}, {transform_indices = @transform_4, window_bounds = array<i64: 256, 1>}, {pipeline_mode = #tpu.pipeline_mode<synchronous>, transform_indices = @transform_5, window_bounds = array<i64: 1, 64>}]} {
    %eq3A = arith.constant 0 : i32
    %eq3A_0 = arith.cmpi eq, %arg0, %eq3A : i32
    %convert_element_type3A = arith.extui %eq3A_0 : i1 to i32
    %cond3A = arith.constant 0 : i32
    %cond3A_1 = arith.cmpi ne, %convert_element_type3A, %cond3A : i32
    scf.if %cond3A_1 {
      %broadcast_in_dim3A_65 = arith.constant 0.000000e+00 : f32
      %broadcast_in_dim3A_66 = vector.broadcast %broadcast_in_dim3A_65 : f32 to vector<1x64xf32>
      %swap3A_67 = arith.constant 0 : index
      %swap3A_68 = arith.constant 0 : index
      %swap3A_69 = vector.load %arg7[%swap3A_67, %swap3A_68] : memref<1x64xf32, #tpu.memory_space<vmem>>, vector<1x64xf32>
      tpu.vector_store %arg7[%swap3A_67, %swap3A_68], %broadcast_in_dim3A_66 {strides = array<i32>} : memref<1x64xf32, #tpu.memory_space<vmem>>, vector<1x64xf32>,
      %broadcast_in_dim3A_70 = arith.constant 0.000000e+00 : f32
      %broadcast_in_dim3A_71 = vector.broadcast %broadcast_in_dim3A_70 : f32 to vector<1x64xf32>
      %swap3A_72 = arith.constant 0 : index
      %swap3A_73 = arith.constant 0 : index
      %swap3A_74 = vector.load %arg6[%swap3A_72, %swap3A_73] : memref<1x64xf32, #tpu.memory_space<vmem>>, vector<1x64xf32>
      tpu.vector_store %arg6[%swap3A_72, %swap3A_73], %broadcast_in_dim3A_71 {strides = array<i32>} : memref<1x64xf32, #tpu.memory_space<vmem>>, vector<1x64xf32>,
    } else {
    }
    %iota3A = tpu.iota {dimensions = array<i32: 1>} : vector<256x64xi32>
    %get3A = arith.constant 0 : index
    %get3A_2 = arith.constant 0 : index
    %get3A_3 = vector.load %arg1[%get3A, %get3A_2] : memref<256x1xi32, #tpu.memory_space<vmem>>, vector<256x1xi32>
    %eq3A_4 = vector.broadcast %get3A_3 : vector<256x1xi32> to vector<256x64xi32>
    %eq3A_5 = arith.cmpi eq, %iota3A, %eq3A_4 : vector<256x64xi32>
    %convert_element_type3A_6 = arith.extui %eq3A_5 : vector<256x64xi1> to vector<256x64xi32>
    %convert_element_type3A_7 = arith.sitofp %convert_element_type3A_6 : vector<256x64xi32> to vector<256x64xf32>
    %get3A_8 = arith.constant 0 : index
    %get3A_9 = arith.constant 0 : index
    %get3A_10 = vector.load %arg2[%get3A_8, %get3A_9] : memref<256x1xf32, #tpu.memory_space<vmem>>, vector<256x1xf32>
    %mul3A = vector.broadcast %get3A_10 : vector<256x1xf32> to vector<256x64xf32>
    %mul3A_11 = arith.mulf %convert_element_type3A_7, %mul3A : vector<256x64xf32>
    %get3A_12 = arith.constant 0 : index
    %get3A_13 = arith.constant 0 : index
    %get3A_14 = vector.load %arg3[%get3A_12, %get3A_13] : memref<1x64xf32, #tpu.memory_space<vmem>>, vector<1x64xf32>
    %min3A = arith.constant 3.200000e+02 : f32
    %min3A_15 = vector.broadcast %min3A : f32 to vector<1x64xf32>
    %min3A_16 = arith.minimumf %get3A_14, %min3A_15 : vector<1x64xf32>
    %iota3A_17 = tpu.iota {dimensions = array<i32: 0>} : vector<256x256xi32>
    %iota3A_18 = tpu.iota {dimensions = array<i32: 1>} : vector<256x256xi32>
    %lt3A = arith.cmpi slt, %iota3A_18, %iota3A_17 : vector<256x256xi32>
    %convert_element_type3A_19 = arith.extui %lt3A : vector<256x256xi1> to vector<256x256xi32>
    %convert_element_type3A_20 = arith.sitofp %convert_element_type3A_19 : vector<256x256xi32> to vector<256x256xf32>
    %dot_general3A = arith.constant dense<0.000000e+00> : vector<256x64xf32>
    %dot_general3A_21 = tpu.matmul %convert_element_type3A_20, %mul3A_11, %dot_general3A {dimension_numbers = #tpu.dot_dimension_numbers<[1], [0], [0], [1], [0, 0, 1, 1], [], []>, transpose_lhs_hint = false} : vector<256x256xf32>, vector<256x64xf32>, vector<256x64xf32> -> vector<256x64xf32>
    %get3A_22 = arith.constant 0 : index
    %get3A_23 = arith.constant 0 : index
    %get3A_24 = vector.load %arg7[%get3A_22, %get3A_23] : memref<1x64xf32, #tpu.memory_space<vmem>>, vector<1x64xf32>
    %add3A = vector.broadcast %get3A_24 : vector<1x64xf32> to vector<256x64xf32>
    %add3A_25 = arith.addf %dot_general3A_21, %add3A : vector<256x64xf32>
    %add3A_26 = vector.broadcast %min3A_16 : vector<1x64xf32> to vector<256x64xf32>
    %add3A_27 = arith.addf %add3A_25, %add3A_26 : vector<256x64xf32>
    %get3A_28 = arith.constant 0 : index
    %get3A_29 = arith.constant 0 : index
    %get3A_30 = vector.load %arg7[%get3A_28, %get3A_29] : memref<1x64xf32, #tpu.memory_space<vmem>>, vector<1x64xf32>
    %reduce_sum3A = arith.constant dense<0.000000e+00> : vector<64xf32>
    %reduce_sum3A_31 = vector.multi_reduction <add>, %mul3A_11, %reduce_sum3A [0] : vector<256x64xf32> to vector<64xf32>
    %broadcast_in_dim3A = vector.shape_cast %reduce_sum3A_31 : vector<64xf32> to vector<1x64xf32>
    %add3A_32 = arith.addf %get3A_30, %broadcast_in_dim3A : vector<1x64xf32>
    %swap3A = arith.constant 0 : index
    %swap3A_33 = arith.constant 0 : index
    %swap3A_34 = vector.load %arg7[%swap3A, %swap3A_33] : memref<1x64xf32, #tpu.memory_space<vmem>>, vector<1x64xf32>
    tpu.vector_store %arg7[%swap3A, %swap3A_33], %add3A_32 {strides = array<i32>} : memref<1x64xf32, #tpu.memory_space<vmem>>, vector<1x64xf32>,
    %lt3A_35 = arith.constant 3.200000e+02 : f32
    %lt3A_36 = vector.broadcast %lt3A_35 : f32 to vector<256x64xf32>
    %lt3A_37 = arith.cmpf olt, %add3A_27, %lt3A_36 : vector<256x64xf32>
    %convert_element_type3A_38 = arith.extui %lt3A_37 : vector<256x64xi1> to vector<256x64xi32>
    %convert_element_type3A_39 = arith.sitofp %convert_element_type3A_38 : vector<256x64xi32> to vector<256x64xf32>
    %mul3A_40 = arith.mulf %mul3A_11, %convert_element_type3A_39 : vector<256x64xf32>
    %get3A_41 = arith.constant 0 : index
    %get3A_42 = arith.constant 0 : index
    %get3A_43 = vector.load %arg6[%get3A_41, %get3A_42] : memref<1x64xf32, #tpu.memory_space<vmem>>, vector<1x64xf32>
    %reduce_sum3A_44 = arith.constant dense<0.000000e+00> : vector<64xf32>
    %reduce_sum3A_45 = vector.multi_reduction <add>, %mul3A_40, %reduce_sum3A_44 [0] : vector<256x64xf32> to vector<64xf32>
    %broadcast_in_dim3A_46 = vector.shape_cast %reduce_sum3A_45 : vector<64xf32> to vector<1x64xf32>
    %add3A_47 = arith.addf %get3A_43, %broadcast_in_dim3A_46 : vector<1x64xf32>
    %swap3A_48 = arith.constant 0 : index
    %swap3A_49 = arith.constant 0 : index
    %swap3A_50 = vector.load %arg6[%swap3A_48, %swap3A_49] : memref<1x64xf32, #tpu.memory_space<vmem>>, vector<1x64xf32>
    tpu.vector_store %arg6[%swap3A_48, %swap3A_49], %add3A_47 {strides = array<i32>} : memref<1x64xf32, #tpu.memory_space<vmem>>, vector<1x64xf32>,
    %reduce_sum3A_51 = arith.constant dense<0.000000e+00> : vector<256xf32>
    %reduce_sum3A_52 = vector.multi_reduction <add>, %mul3A_40, %reduce_sum3A_51 [1] : vector<256x64xf32> to vector<256xf32>
    %broadcast_in_dim3A_53 = vector.shape_cast %reduce_sum3A_52 : vector<256xf32> to vector<256x1xf32>
    %swap3A_54 = arith.constant 0 : index
    %swap3A_55 = arith.constant 0 : index
    %swap3A_56 = vector.load %arg5[%swap3A_54, %swap3A_55] : memref<256x1xf32, #tpu.memory_space<vmem>>, vector<256x1xf32>
    tpu.vector_store %arg5[%swap3A_54, %swap3A_55], %broadcast_in_dim3A_53 {strides = array<i32>} : memref<256x1xf32, #tpu.memory_space<vmem>>, vector<256x1xf32>,
    %mul3A_57 = arith.mulf %add3A_27, %mul3A_40 : vector<256x64xf32>
    %reduce_sum3A_58 = arith.constant dense<0.000000e+00> : vector<256xf32>
    %reduce_sum3A_59 = vector.multi_reduction <add>, %mul3A_57, %reduce_sum3A_58 [1] : vector<256x64xf32> to vector<256xf32>
    %broadcast_in_dim3A_60 = vector.shape_cast %reduce_sum3A_59 : vector<256xf32> to vector<256x1xf32>
    %convert_element_type3A_61 = arith.fptosi %broadcast_in_dim3A_60 : vector<256x1xf32> to vector<256x1xi32>
    %swap3A_62 = arith.constant 0 : index
    %swap3A_63 = arith.constant 0 : index
    %swap3A_64 = vector.load %arg4[%swap3A_62, %swap3A_63] : memref<256x1xi32, #tpu.memory_space<vmem>>, vector<256x1xi32>
    tpu.vector_store %arg4[%swap3A_62, %swap3A_63], %convert_element_type3A_61 {strides = array<i32>} : memref<256x1xi32, #tpu.memory_space<vmem>>, vector<256x1xi32>,
    return
  }
  func.func @transform_0(%arg0: i32) -> (i32, i32) {
    %c0_i32 = arith.constant 0 : i32
    %c0_i32_0 = arith.constant 0 : i32
    return %arg0, %c0_i32 : i32, i32
  }
  func.func @transform_1(%arg0: i32) -> (i32, i32) {
    %c0_i32 = arith.constant 0 : i32
    %c0_i32_0 = arith.constant 0 : i32
    return %arg0, %c0_i32 : i32, i32
  }
  func.func @transform_2(%arg0: i32) -> (i32, i32) {
    %c0_i32 = arith.constant 0 : i32
    %c0_i32_0 = arith.constant 0 : i32
    %c0_i32_1 = arith.constant 0 : i32
    return %c0_i32, %c0_i32_0 : i32, i32
  }
  func.func @transform_3(%arg0: i32) -> (i32, i32) {
    %c0_i32 = arith.constant 0 : i32
    %c0_i32_0 = arith.constant 0 : i32
    return %arg0, %c0_i32 : i32, i32
  }
  func.func @transform_4(%arg0: i32) -> (i32, i32) {
    %c0_i32 = arith.constant 0 : i32
    %c0_i32_0 = arith.constant 0 : i32
    return %arg0, %c0_i32 : i32, i32
  }
  func.func @transform_5(%arg0: i32) -> (i32, i32) {
    %c0_i32 = arith.constant 0 : i32
    %c0_i32_0 = arith.constant 0 : i32
    %c0_i32_1 = arith.constant 0 : i32
    return %c0_i32, %c0_i32_0 : i32, i32
  }
}

module attributes {stable_mosaic.version = 14 : i64} {
  func.func @_expert_ffn(%arg0: i32, %arg1: memref<320x768xf32, #tpu.memory_space<vmem>>, %arg2: memref<1x320x1xf32, #tpu.memory_space<vmem>>, %arg3: memref<1x768x768xf32, #tpu.memory_space<vmem>>, %arg4: memref<1x1x768xf32, #tpu.memory_space<vmem>>, %arg5: memref<1x768x768xf32, #tpu.memory_space<vmem>>, %arg6: memref<1x1x768xf32, #tpu.memory_space<vmem>>, %arg7: memref<320x768xf32, #tpu.memory_space<vmem>>) attributes {dimension_semantics = [#tpu.dimension_semantics<arbitrary>], iteration_bounds = array<i64: 65>, scalar_prefetch = 0 : i64, scratch_operands = 0 : i64, tpu.core_type = #tpu.core_type<tc>, window_params = [{transform_indices = @transform_0, window_bounds = array<i64: 320, 768>}, {transform_indices = @transform_1, window_bounds = array<i64: 1, 320, 1>}, {transform_indices = @transform_2, window_bounds = array<i64: 1, 768, 768>}, {transform_indices = @transform_3, window_bounds = array<i64: 1, 1, 768>}, {transform_indices = @transform_4, window_bounds = array<i64: 1, 768, 768>}, {transform_indices = @transform_5, window_bounds = array<i64: 1, 1, 768>}, {transform_indices = @transform_6, window_bounds = array<i64: 320, 768>}]} {
    %lt3A = arith.constant 64 : i32
    %lt3A_0 = arith.cmpi slt, %arg0, %lt3A : i32
    %convert_element_type3A = arith.extui %lt3A_0 : i1 to i32
    %cond3A = arith.constant 0 : i32
    %cond3A_1 = arith.cmpi ne, %convert_element_type3A, %cond3A : i32
    scf.if %cond3A_1 {
      %get3A = arith.constant 0 : index
      %get3A_6 = arith.constant 0 : index
      %get3A_7 = vector.load %arg1[%get3A, %get3A_6] : memref<320x768xf32, #tpu.memory_space<vmem>>, vector<320x768xf32>
      %convert_element_type3A_8 = arith.truncf %get3A_7 : vector<320x768xf32> to vector<320x768xbf16>
      %get3A_9 = arith.constant 0 : index
      %get3A_10 = arith.constant 0 : index
      %get3A_11 = arith.constant 0 : index
      %get3A_12 = vector.load %arg3[%get3A_9, %get3A_10, %get3A_11] : memref<1x768x768xf32, #tpu.memory_space<vmem>>, vector<1x768x768xf32>
      %get3A_13 = vector.shape_cast %get3A_12 : vector<1x768x768xf32> to vector<768x768xf32>
      %convert_element_type3A_14 = arith.truncf %get3A_13 : vector<768x768xf32> to vector<768x768xbf16>
      %dot_general3A = arith.constant dense<0.000000e+00> : vector<320x768xf32>
      %dot_general3A_15 = tpu.matmul %convert_element_type3A_8, %convert_element_type3A_14, %dot_general3A {dimension_numbers = #tpu.dot_dimension_numbers<[1], [0], [0], [1], [0, 0, 1, 1], [], []>, transpose_lhs_hint = false} : vector<320x768xbf16>, vector<768x768xbf16>, vector<320x768xf32> -> vector<320x768xf32>
      %get3A_16 = arith.constant 0 : index
      %get3A_17 = arith.constant 0 : index
      %get3A_18 = arith.constant 0 : index
      %get3A_19 = vector.load %arg4[%get3A_16, %get3A_17, %get3A_18] : memref<1x1x768xf32, #tpu.memory_space<vmem>>, vector<1x1x768xf32>
      %get3A_20 = vector.shape_cast %get3A_19 : vector<1x1x768xf32> to vector<1x768xf32>
      %add3A = vector.broadcast %get3A_20 : vector<1x768xf32> to vector<320x768xf32>
      %add3A_21 = arith.addf %dot_general3A_15, %add3A : vector<320x768xf32>
      %max3A = arith.constant 0.000000e+00 : f32
      %max3A_22 = vector.broadcast %max3A : f32 to vector<320x768xf32>
      %max3A_23 = arith.maximumf %add3A_21, %max3A_22 : vector<320x768xf32>
      %convert_element_type3A_24 = arith.truncf %max3A_23 : vector<320x768xf32> to vector<320x768xbf16>
      %get3A_25 = arith.constant 0 : index
      %get3A_26 = arith.constant 0 : index
      %get3A_27 = arith.constant 0 : index
      %get3A_28 = vector.load %arg5[%get3A_25, %get3A_26, %get3A_27] : memref<1x768x768xf32, #tpu.memory_space<vmem>>, vector<1x768x768xf32>
      %get3A_29 = vector.shape_cast %get3A_28 : vector<1x768x768xf32> to vector<768x768xf32>
      %convert_element_type3A_30 = arith.truncf %get3A_29 : vector<768x768xf32> to vector<768x768xbf16>
      %dot_general3A_31 = arith.constant dense<0.000000e+00> : vector<320x768xf32>
      %dot_general3A_32 = tpu.matmul %convert_element_type3A_24, %convert_element_type3A_30, %dot_general3A_31 {dimension_numbers = #tpu.dot_dimension_numbers<[1], [0], [0], [1], [0, 0, 1, 1], [], []>, transpose_lhs_hint = false} : vector<320x768xbf16>, vector<768x768xbf16>, vector<320x768xf32> -> vector<320x768xf32>
      %get3A_33 = arith.constant 0 : index
      %get3A_34 = arith.constant 0 : index
      %get3A_35 = arith.constant 0 : index
      %get3A_36 = vector.load %arg6[%get3A_33, %get3A_34, %get3A_35] : memref<1x1x768xf32, #tpu.memory_space<vmem>>, vector<1x1x768xf32>
      %get3A_37 = vector.shape_cast %get3A_36 : vector<1x1x768xf32> to vector<1x768xf32>
      %add3A_38 = vector.broadcast %get3A_37 : vector<1x768xf32> to vector<320x768xf32>
      %add3A_39 = arith.addf %dot_general3A_32, %add3A_38 : vector<320x768xf32>
      %get3A_40 = arith.constant 0 : index
      %get3A_41 = arith.constant 0 : index
      %get3A_42 = arith.constant 0 : index
      %get3A_43 = vector.load %arg2[%get3A_40, %get3A_41, %get3A_42] : memref<1x320x1xf32, #tpu.memory_space<vmem>>, vector<1x320x1xf32>
      %get3A_44 = vector.shape_cast %get3A_43 : vector<1x320x1xf32> to vector<320x1xf32>
      %mul3A = vector.broadcast %get3A_44 : vector<320x1xf32> to vector<320x768xf32>
      %mul3A_45 = arith.mulf %add3A_39, %mul3A : vector<320x768xf32>
      %swap3A = arith.constant 0 : index
      %swap3A_46 = arith.constant 0 : index
      %swap3A_47 = vector.load %arg7[%swap3A, %swap3A_46] : memref<320x768xf32, #tpu.memory_space<vmem>>, vector<320x768xf32>
      tpu.vector_store %arg7[%swap3A, %swap3A_46], %mul3A_45 {strides = array<i32>} : memref<320x768xf32, #tpu.memory_space<vmem>>, vector<320x768xf32>,
    } else {
    }
    %eq3A = arith.constant 64 : i32
    %eq3A_2 = arith.cmpi eq, %arg0, %eq3A : i32
    %convert_element_type3A_3 = arith.extui %eq3A_2 : i1 to i32
    %cond3A_4 = arith.constant 0 : i32
    %cond3A_5 = arith.cmpi ne, %convert_element_type3A_3, %cond3A_4 : i32
    scf.if %cond3A_5 {
      %broadcast_in_dim3A = arith.constant 0.000000e+00 : f32
      %broadcast_in_dim3A_6 = vector.broadcast %broadcast_in_dim3A : f32 to vector<320x768xf32>
      %swap3A = arith.constant 0 : index
      %swap3A_7 = arith.constant 0 : index
      %swap3A_8 = vector.load %arg7[%swap3A, %swap3A_7] : memref<320x768xf32, #tpu.memory_space<vmem>>, vector<320x768xf32>
      tpu.vector_store %arg7[%swap3A, %swap3A_7], %broadcast_in_dim3A_6 {strides = array<i32>} : memref<320x768xf32, #tpu.memory_space<vmem>>, vector<320x768xf32>,
    } else {
    }
    return
  }
  func.func @transform_0(%arg0: i32) -> (i32, i32) {
    %jit3A = arith.constant 64 : i32
    %div3A = arith.divsi %arg0, %jit3A : i32
    %sign3A = arith.constant 0 : i32
    %sign3A_0 = arith.cmpi sgt, %arg0, %sign3A : i32
    %sign3A_1 = arith.extui %sign3A_0 : i1 to i32
    %sign3A_2 = arith.constant 0 : i32
    %sign3A_3 = arith.cmpi slt, %arg0, %sign3A_2 : i32
    %sign3A_4 = arith.extui %sign3A_3 : i1 to i32
    %sign3A_5 = arith.subi %sign3A_1, %sign3A_4 : i32
    %sign3A_6 = arith.constant 0 : i32
    %sign3A_7 = arith.cmpi sgt, %jit3A, %sign3A_6 : i32
    %sign3A_8 = arith.extui %sign3A_7 : i1 to i32
    %sign3A_9 = arith.constant 0 : i32
    %sign3A_10 = arith.cmpi slt, %jit3A, %sign3A_9 : i32
    %sign3A_11 = arith.extui %sign3A_10 : i1 to i32
    %sign3A_12 = arith.subi %sign3A_8, %sign3A_11 : i32
    %ne3A = arith.cmpi ne, %sign3A_5, %sign3A_12 : i32
    %rem3A = arith.remsi %arg0, %jit3A : i32
    %ne3A_13 = arith.constant 0 : i32
    %ne3A_14 = arith.cmpi ne, %rem3A, %ne3A_13 : i32
    %and3A = arith.andi %ne3A, %ne3A_14 : i1
    %sub3A = arith.constant 1 : i32
    %sub3A_15 = arith.subi %div3A, %sub3A : i32
    %select_n3A = arith.select %and3A, %sub3A_15, %div3A : i32
    %sub3A_16 = arith.subi %arg0, %select_n3A : i32
    %c0_i32 = arith.constant 0 : i32
    %c0_i32_17 = arith.constant 0 : i32
    return %sub3A_16, %c0_i32 : i32, i32
  }
  func.func @transform_1(%arg0: i32) -> (i32, i32, i32) {
    %jit3A = arith.constant 64 : i32
    %div3A = arith.divsi %arg0, %jit3A : i32
    %sign3A = arith.constant 0 : i32
    %sign3A_0 = arith.cmpi sgt, %arg0, %sign3A : i32
    %sign3A_1 = arith.extui %sign3A_0 : i1 to i32
    %sign3A_2 = arith.constant 0 : i32
    %sign3A_3 = arith.cmpi slt, %arg0, %sign3A_2 : i32
    %sign3A_4 = arith.extui %sign3A_3 : i1 to i32
    %sign3A_5 = arith.subi %sign3A_1, %sign3A_4 : i32
    %sign3A_6 = arith.constant 0 : i32
    %sign3A_7 = arith.cmpi sgt, %jit3A, %sign3A_6 : i32
    %sign3A_8 = arith.extui %sign3A_7 : i1 to i32
    %sign3A_9 = arith.constant 0 : i32
    %sign3A_10 = arith.cmpi slt, %jit3A, %sign3A_9 : i32
    %sign3A_11 = arith.extui %sign3A_10 : i1 to i32
    %sign3A_12 = arith.subi %sign3A_8, %sign3A_11 : i32
    %ne3A = arith.cmpi ne, %sign3A_5, %sign3A_12 : i32
    %rem3A = arith.remsi %arg0, %jit3A : i32
    %ne3A_13 = arith.constant 0 : i32
    %ne3A_14 = arith.cmpi ne, %rem3A, %ne3A_13 : i32
    %and3A = arith.andi %ne3A, %ne3A_14 : i1
    %sub3A = arith.constant 1 : i32
    %sub3A_15 = arith.subi %div3A, %sub3A : i32
    %select_n3A = arith.select %and3A, %sub3A_15, %div3A : i32
    %sub3A_16 = arith.subi %arg0, %select_n3A : i32
    %c0_i32 = arith.constant 0 : i32
    %c0_i32_17 = arith.constant 0 : i32
    %c0_i32_18 = arith.constant 0 : i32
    return %sub3A_16, %c0_i32, %c0_i32_17 : i32, i32, i32
  }
  func.func @transform_2(%arg0: i32) -> (i32, i32, i32) {
    %jit3A = arith.constant 64 : i32
    %div3A = arith.divsi %arg0, %jit3A : i32
    %sign3A = arith.constant 0 : i32
    %sign3A_0 = arith.cmpi sgt, %arg0, %sign3A : i32
    %sign3A_1 = arith.extui %sign3A_0 : i1 to i32
    %sign3A_2 = arith.constant 0 : i32
    %sign3A_3 = arith.cmpi slt, %arg0, %sign3A_2 : i32
    %sign3A_4 = arith.extui %sign3A_3 : i1 to i32
    %sign3A_5 = arith.subi %sign3A_1, %sign3A_4 : i32
    %sign3A_6 = arith.constant 0 : i32
    %sign3A_7 = arith.cmpi sgt, %jit3A, %sign3A_6 : i32
    %sign3A_8 = arith.extui %sign3A_7 : i1 to i32
    %sign3A_9 = arith.constant 0 : i32
    %sign3A_10 = arith.cmpi slt, %jit3A, %sign3A_9 : i32
    %sign3A_11 = arith.extui %sign3A_10 : i1 to i32
    %sign3A_12 = arith.subi %sign3A_8, %sign3A_11 : i32
    %ne3A = arith.cmpi ne, %sign3A_5, %sign3A_12 : i32
    %rem3A = arith.remsi %arg0, %jit3A : i32
    %ne3A_13 = arith.constant 0 : i32
    %ne3A_14 = arith.cmpi ne, %rem3A, %ne3A_13 : i32
    %and3A = arith.andi %ne3A, %ne3A_14 : i1
    %sub3A = arith.constant 1 : i32
    %sub3A_15 = arith.subi %div3A, %sub3A : i32
    %select_n3A = arith.select %and3A, %sub3A_15, %div3A : i32
    %sub3A_16 = arith.subi %arg0, %select_n3A : i32
    %c0_i32 = arith.constant 0 : i32
    %c0_i32_17 = arith.constant 0 : i32
    %c0_i32_18 = arith.constant 0 : i32
    return %sub3A_16, %c0_i32, %c0_i32_17 : i32, i32, i32
  }
  func.func @transform_3(%arg0: i32) -> (i32, i32, i32) {
    %jit3A = arith.constant 64 : i32
    %div3A = arith.divsi %arg0, %jit3A : i32
    %sign3A = arith.constant 0 : i32
    %sign3A_0 = arith.cmpi sgt, %arg0, %sign3A : i32
    %sign3A_1 = arith.extui %sign3A_0 : i1 to i32
    %sign3A_2 = arith.constant 0 : i32
    %sign3A_3 = arith.cmpi slt, %arg0, %sign3A_2 : i32
    %sign3A_4 = arith.extui %sign3A_3 : i1 to i32
    %sign3A_5 = arith.subi %sign3A_1, %sign3A_4 : i32
    %sign3A_6 = arith.constant 0 : i32
    %sign3A_7 = arith.cmpi sgt, %jit3A, %sign3A_6 : i32
    %sign3A_8 = arith.extui %sign3A_7 : i1 to i32
    %sign3A_9 = arith.constant 0 : i32
    %sign3A_10 = arith.cmpi slt, %jit3A, %sign3A_9 : i32
    %sign3A_11 = arith.extui %sign3A_10 : i1 to i32
    %sign3A_12 = arith.subi %sign3A_8, %sign3A_11 : i32
    %ne3A = arith.cmpi ne, %sign3A_5, %sign3A_12 : i32
    %rem3A = arith.remsi %arg0, %jit3A : i32
    %ne3A_13 = arith.constant 0 : i32
    %ne3A_14 = arith.cmpi ne, %rem3A, %ne3A_13 : i32
    %and3A = arith.andi %ne3A, %ne3A_14 : i1
    %sub3A = arith.constant 1 : i32
    %sub3A_15 = arith.subi %div3A, %sub3A : i32
    %select_n3A = arith.select %and3A, %sub3A_15, %div3A : i32
    %sub3A_16 = arith.subi %arg0, %select_n3A : i32
    %c0_i32 = arith.constant 0 : i32
    %c0_i32_17 = arith.constant 0 : i32
    %c0_i32_18 = arith.constant 0 : i32
    return %sub3A_16, %c0_i32, %c0_i32_17 : i32, i32, i32
  }
  func.func @transform_4(%arg0: i32) -> (i32, i32, i32) {
    %jit3A = arith.constant 64 : i32
    %div3A = arith.divsi %arg0, %jit3A : i32
    %sign3A = arith.constant 0 : i32
    %sign3A_0 = arith.cmpi sgt, %arg0, %sign3A : i32
    %sign3A_1 = arith.extui %sign3A_0 : i1 to i32
    %sign3A_2 = arith.constant 0 : i32
    %sign3A_3 = arith.cmpi slt, %arg0, %sign3A_2 : i32
    %sign3A_4 = arith.extui %sign3A_3 : i1 to i32
    %sign3A_5 = arith.subi %sign3A_1, %sign3A_4 : i32
    %sign3A_6 = arith.constant 0 : i32
    %sign3A_7 = arith.cmpi sgt, %jit3A, %sign3A_6 : i32
    %sign3A_8 = arith.extui %sign3A_7 : i1 to i32
    %sign3A_9 = arith.constant 0 : i32
    %sign3A_10 = arith.cmpi slt, %jit3A, %sign3A_9 : i32
    %sign3A_11 = arith.extui %sign3A_10 : i1 to i32
    %sign3A_12 = arith.subi %sign3A_8, %sign3A_11 : i32
    %ne3A = arith.cmpi ne, %sign3A_5, %sign3A_12 : i32
    %rem3A = arith.remsi %arg0, %jit3A : i32
    %ne3A_13 = arith.constant 0 : i32
    %ne3A_14 = arith.cmpi ne, %rem3A, %ne3A_13 : i32
    %and3A = arith.andi %ne3A, %ne3A_14 : i1
    %sub3A = arith.constant 1 : i32
    %sub3A_15 = arith.subi %div3A, %sub3A : i32
    %select_n3A = arith.select %and3A, %sub3A_15, %div3A : i32
    %sub3A_16 = arith.subi %arg0, %select_n3A : i32
    %c0_i32 = arith.constant 0 : i32
    %c0_i32_17 = arith.constant 0 : i32
    %c0_i32_18 = arith.constant 0 : i32
    return %sub3A_16, %c0_i32, %c0_i32_17 : i32, i32, i32
  }
  func.func @transform_5(%arg0: i32) -> (i32, i32, i32) {
    %jit3A = arith.constant 64 : i32
    %div3A = arith.divsi %arg0, %jit3A : i32
    %sign3A = arith.constant 0 : i32
    %sign3A_0 = arith.cmpi sgt, %arg0, %sign3A : i32
    %sign3A_1 = arith.extui %sign3A_0 : i1 to i32
    %sign3A_2 = arith.constant 0 : i32
    %sign3A_3 = arith.cmpi slt, %arg0, %sign3A_2 : i32
    %sign3A_4 = arith.extui %sign3A_3 : i1 to i32
    %sign3A_5 = arith.subi %sign3A_1, %sign3A_4 : i32
    %sign3A_6 = arith.constant 0 : i32
    %sign3A_7 = arith.cmpi sgt, %jit3A, %sign3A_6 : i32
    %sign3A_8 = arith.extui %sign3A_7 : i1 to i32
    %sign3A_9 = arith.constant 0 : i32
    %sign3A_10 = arith.cmpi slt, %jit3A, %sign3A_9 : i32
    %sign3A_11 = arith.extui %sign3A_10 : i1 to i32
    %sign3A_12 = arith.subi %sign3A_8, %sign3A_11 : i32
    %ne3A = arith.cmpi ne, %sign3A_5, %sign3A_12 : i32
    %rem3A = arith.remsi %arg0, %jit3A : i32
    %ne3A_13 = arith.constant 0 : i32
    %ne3A_14 = arith.cmpi ne, %rem3A, %ne3A_13 : i32
    %and3A = arith.andi %ne3A, %ne3A_14 : i1
    %sub3A = arith.constant 1 : i32
    %sub3A_15 = arith.subi %div3A, %sub3A : i32
    %select_n3A = arith.select %and3A, %sub3A_15, %div3A : i32
    %sub3A_16 = arith.subi %arg0, %select_n3A : i32
    %c0_i32 = arith.constant 0 : i32
    %c0_i32_17 = arith.constant 0 : i32
    %c0_i32_18 = arith.constant 0 : i32
    return %sub3A_16, %c0_i32, %c0_i32_17 : i32, i32, i32
  }
  func.func @transform_6(%arg0: i32) -> (i32, i32) {
    %c0_i32 = arith.constant 0 : i32
    %c0_i32_0 = arith.constant 0 : i32
    return %arg0, %c0_i32 : i32, i32
  }
}

module attributes {stable_mosaic.version = 14 : i64} {
  func.func @_add_halves(%arg0: i32, %arg1: memref<256x768xf32, #tpu.memory_space<vmem>>, %arg2: memref<256x768xf32, #tpu.memory_space<vmem>>, %arg3: memref<256x768xf32, #tpu.memory_space<vmem>>) attributes {dimension_semantics = [#tpu.dimension_semantics<arbitrary>], iteration_bounds = array<i64: 32>, scalar_prefetch = 0 : i64, scratch_operands = 0 : i64, tpu.core_type = #tpu.core_type<tc>, window_params = [{transform_indices = @transform_0, window_bounds = array<i64: 256, 768>}, {transform_indices = @transform_1, window_bounds = array<i64: 256, 768>}, {transform_indices = @transform_2, window_bounds = array<i64: 256, 768>}]} {
    %get3A = arith.constant 0 : index
    %get3A_0 = arith.constant 0 : index
    %get3A_1 = vector.load %arg1[%get3A, %get3A_0] : memref<256x768xf32, #tpu.memory_space<vmem>>, vector<256x768xf32>
    %get3A_2 = arith.constant 0 : index
    %get3A_3 = arith.constant 0 : index
    %get3A_4 = vector.load %arg2[%get3A_2, %get3A_3] : memref<256x768xf32, #tpu.memory_space<vmem>>, vector<256x768xf32>
    %add3A = arith.addf %get3A_1, %get3A_4 : vector<256x768xf32>
    %swap3A = arith.constant 0 : index
    %swap3A_5 = arith.constant 0 : index
    %swap3A_6 = vector.load %arg3[%swap3A, %swap3A_5] : memref<256x768xf32, #tpu.memory_space<vmem>>, vector<256x768xf32>
    tpu.vector_store %arg3[%swap3A, %swap3A_5], %add3A {strides = array<i32>} : memref<256x768xf32, #tpu.memory_space<vmem>>, vector<256x768xf32>,
    return
  }
  func.func @transform_0(%arg0: i32) -> (i32, i32) {
    %c0_i32 = arith.constant 0 : i32
    %c0_i32_0 = arith.constant 0 : i32
    return %arg0, %c0_i32 : i32, i32
  }
  func.func @transform_1(%arg0: i32) -> (i32, i32) {
    %add3A = arith.constant 32 : i32
    %add3A_0 = arith.addi %arg0, %add3A : i32
    %c0_i32 = arith.constant 0 : i32
    %c0_i32_1 = arith.constant 0 : i32
    return %add3A_0, %c0_i32 : i32, i32
  }
  func.func @transform_2(%arg0: i32) -> (i32, i32) {
    %c0_i32 = arith.constant 0 : i32
    %c0_i32_0 = arith.constant 0 : i32
    return %arg0, %c0_i32 : i32, i32
  }
}

</mosaic_0001>

<sc_bundles>
// kernel: kernel.11.cloned.1.call-start
scs
__scs_entry_jumppad:
0x0: {  	(pc) =	sbr.rel $0x88, $3  }
0x1: {  	(tag) =	ssettag $0x0;
	lr =	simm.s32 $0x1  }
0x2: {  	[smem:$0x3F9B] =	sst lr;
	_ =	strace $0xD0000000  }
0x3: {  	_ = 	snop  }
0x4: {  	_ = 	snop  }
0x5: {  	_ = 	snop  }
0x6: {  	_ = 	snop  }
0x7: {  	_ = 	snop  }
__scs_overlays_trampoline_lowered:
0x8: {  	[smem:$0x3FAA] =	sst s0  }
0x9: {  	[smem:$0x3FAB] =	sst s1  }
0xa: {  	[smem:$0x3FAC] =	sst s2  }
0xb: {  	[smem:$0x3FAD] =	sst s3  }
0xc: {  	[smem:$0x3FAE] =	sst s4  }
0xd: {  	[smem:$0x3FAF] =	sst s5  }
0xe: {  	[smem:$0x3FB0] =	sst s6  }
0xf: {  	[smem:$0x3FB1] =	sst s7  }
0x10: {  	[smem:$0x3FB2] =	sst s8  }
0x11: {  	[smem:$0x3FB3] =	sst s9;
	s0 =	simm.s32 @!p0 $0x0  }
0x12: {  	s1 =	sld [smem:$0x3F99];
	s0 =	simm.s32 @p0 $0x1  }
0x13: {  	[smem:$0x3FB4] =	sst s0;
	s0 =	simm.s32 @!p1 $0x0  }
0x14: {  	s2 =	sld [smem:$0x3F98];
	s0 =	simm.s32 @p1 $0x1  }
0x15: {  	[smem:$0x3FB5] =	sst s0;
	s0 =	simm.s32 @!p2 $0x0  }
0x16: {  	s3 =	sld [smem:$0x3FDB];
	s0 =	simm.s32 @p2 $0x1  }
0x17: {  	s4 =	simm.s32 $0x1BF5;
	[smem:$0x3FB7] =	sst s0  }
0x18: {  	s0 =	sld [smem:$0x3F9A];
	_ =	swait.ge [sflag:s4], $0x0  }
0x19: {  	s7 =	sld [smem:$0x3F9B]  }
0x1a: {  	s8 =	sadd.s32 $0xFFFFE003, lr  }
0x1b: {  	s9 =	sadd.s32 $0xFFFFFEF7, lr;
	s5 =	simm.s32 $0xFFFFFFFF;
	p2 =	slt.u32 s8, $0xFFFFF086  }
0x1c: {  	p1 =	slt.u32 s9, $0xF7A;
	s5 =	simm.s32 @!p2 $0x0  }
0x1d: {  	s5 =	simm.s32 @p1 $0x1;
	p0 =	seq.s32 s7, s2  }
0x1e: {  	s7 =	smul.u32 @!p0 $0xF7A, s2;
	p2 =	seq.s32 @!p0 s5, $0x0  }
0x1f: {  	s9 =	smul.u32 $0xF7A, s1;
	s8 =	simm.s32 @!p0 $0x1BF5;
	p2 =	por !p2, p0  }
0x20: {  	[sflag:s8] =	ssyncset.s32 @!p0 $0xFFFFF086;
	s6 =	sadd.s32 @!p0 s3, s7;
	s7 =	simm.s32 @!p0 $0x108  }
0x21: {  	s3 =	sadd.s32 s3, s9;
	s6 =	sadd.s32 @!p0 $0x88, s6;
	s7 =	simm.s32 @p2 $0x1082  }
0x22: {  	[simem:s7], [sflag:s8] =	dma.local @!p0 [hbm:s6], $0xF7A  }
0x23: {  	s9 =	sor.u32 $0xD0000000, s2;
	s6 =	simm.s32 $0x108;
	_ =	swait.ge @!p0 [sflag:s8], $0x0  }
0x24: {  	s3 =	sadd.s32 $0x88, s3;
	s6 =	simm.s32 @!p1 $0x1082;
	[sflag:s4] =	ssyncset.s32 $0xFFFFF086  }
0x25: {  	[simem:s6], [sflag:s4] =	dma.local [hbm:s3], $0xF7A  }
0x26: {  	[smem:$0x3F9B] =	sst s1;
	(tag) =	ssettag s2;
	_ =	strace s9  }
0x27: {  	s1 =	sld [smem:$0x3FAB]  }
0x28: {  	s2 =	sld [smem:$0x3FAC]  }
0x29: {  	s4 =	sld [smem:$0x3FAE]  }
0x2a: {  	p0 =	seq.s32 s5, $0x0;
	s5 =	sld [smem:$0x3FAF]  }
0x2b: {  	s6 =	sld [smem:$0x3FB0]  }
0x2c: {  	s7 =	sld [smem:$0x3FB1]  }
0x2d: {  	s3 =	simm.s32 $0x108;
	s8 =	sld [smem:$0x3FB2]  }
0x2e: {  	s3 =	simm.s32 @!p0 $0x1082;
	s9 =	sld [smem:$0x3FB3]  }
0x2f: {  	lr =	sadd.s32 s0, s3;
	s0 =	sld [smem:$0x3FAA]  }
0x30: {  	s3 =	sld [smem:$0x3FAD]  }
0x31: {  	[smem:$0x3FB6] =	sst s10  }
0x32: {  	s10 =	sld [smem:$0x3FB4];
	_ =	sdelay $0x3  }
0x33: {  	p0 =	seq.s32 s10, $0x1;
	s10 =	sld [smem:$0x3FB6];
	_ =	sdelay $0x3  }
0x34: {  	[smem:$0x3FB6] =	sst s10  }
0x35: {  	s10 =	sld [smem:$0x3FB5];
	_ =	sdelay $0x3  }
0x36: {  	p1 =	seq.s32 s10, $0x1;
	s10 =	sld [smem:$0x3FB6];
	_ =	sdelay $0x3  }
0x37: {  	[smem:$0x3FB6] =	sst s10  }
0x38: {  	s10 =	sld [smem:$0x3FB7]  }
0x39: {  	_ = 	snop;
	(pc) =	sbr.ind lr, $3  }
0x3a: {  	_ = 	snop  }
0x3b: {  	_ = 	snop  }
0x3c: {  	p2 =	seq.s32 s10, $0x1;
	s10 =	sld [smem:$0x3FB6]  }
0x3d: {  	_ =	shalt  }
0x3e: {  	_ =	shalt  }
0x3f: {  	_ =	shalt  }
0x40: {  	_ =	shalt  }
0x41: {  	_ =	shalt  }
0x42: {  	_ =	shalt  }
0x43: {  	_ =	shalt  }
0x44: {  	_ =	shalt  }
0x45: {  	_ =	shalt  }
0x46: {  	_ =	shalt  }
0x47: {  	_ =	shalt  }
0x48: {  	_ =	shalt  }
0x49: {  	_ =	shalt  }
0x4a: {  	_ =	shalt  }
0x4b: {  	_ =	shalt  }
0x4c: {  	_ =	shalt  }
0x4d: {  	_ =	shalt  }
0x4e: {  	_ =	shalt  }
0x4f: {  	_ =	shalt  }
0x50: {  	_ =	shalt  }
0x51: {  	_ =	shalt  }
0x52: {  	_ =	shalt  }
0x53: {  	_ =	shalt  }
0x54: {  	_ =	shalt  }
0x55: {  	_ =	shalt  }
0x56: {  	_ =	shalt  }
0x57: {  	_ =	shalt  }
0x58: {  	_ =	shalt  }
0x59: {  	_ =	shalt  }
0x5a: {  	_ =	shalt  }
0x5b: {  	_ =	shalt  }
0x5c: {  	_ =	shalt  }
0x5d: {  	_ =	shalt  }
0x5e: {  	_ =	shalt  }
0x5f: {  	_ =	shalt  }
0x60: {  	_ =	shalt  }
0x61: {  	_ =	shalt  }
0x62: {  	_ =	shalt  }
0x63: {  	_ =	shalt  }
0x64: {  	_ =	shalt  }
0x65: {  	_ =	shalt  }
0x66: {  	_ =	shalt  }
0x67: {  	_ =	shalt  }
0x68: {  	_ =	shalt  }
0x69: {  	_ =	shalt  }
0x6a: {  	_ =	shalt  }
0x6b: {  	_ =	shalt  }
0x6c: {  	_ =	shalt  }
0x6d: {  	_ =	shalt  }
0x6e: {  	_ =	shalt  }
0x6f: {  	_ =	shalt  }
0x70: {  	_ =	shalt  }
0x71: {  	_ =	shalt  }
0x72: {  	_ =	shalt  }
0x73: {  	_ =	shalt  }
0x74: {  	_ =	shalt  }
0x75: {  	_ =	shalt  }
0x76: {  	_ =	shalt  }
0x77: {  	_ =	shalt  }
0x78: {  	_ =	shalt  }
0x79: {  	_ =	shalt  }
0x7a: {  	_ =	shalt  }
0x7b: {  	_ =	shalt  }
0x7c: {  	_ =	shalt  }
0x7d: {  	_ =	shalt  }
0x7e: {  	_ =	shalt  }
0x7f: {  	_ =	shalt  }
0x80: {  	_ =	shalt  }
0x81: {  	_ =	shalt  }
0x82: {  	_ =	shalt  }
0x83: {  	_ =	shalt  }
0x84: {  	_ =	shalt  }
0x85: {  	_ =	shalt  }
0x86: {  	_ =	shalt  }
0x87: {  	_ =	shalt  }
.Lfunc_end0:
.L_simem_size_0:
called_computation.1_lowered:
.L_overlay_start_0:
0x88: {  	s2 =	sld [smem:$0x3FD9]  }
0x89: {  	s3 =	sld [smem:$0x3FFE];
	_ =	sdelay $0x1  }
0x8a: {  	s1 =	srdreg.scid  }
0x8b: {  	s0 =	sand.u32 $0x1, s1  }
0x8c: {  	s16 =	sshll.u32 s0, $0xA;
	s2 =	sadd.s32 s3, s2  }
0x8d: {  	s2 =	sadd.s32 s2, s16  }
0x8e: {  	[smem:$0x3FC2] =	sst s2  }
0x8f: {  	_ = 	snop  }
0x90: {  	(tm) =	ssettm $0x1  }
0x91: {  	s17 =	sld [smem:$0x3FFB];
	_ =	sdelay $0x3  }
0x92: {  	_ =	strace s17  }
0x93: {  	s2 =	sld [smem:$0x3FFC];
	_ =	sdelay $0x3  }
0x94: {  	_ =	strace s2  }
0x95: {  	s2 =	sld [smem:$0x3FFD];
	_ =	sdelay $0x3  }
0x96: {  	_ =	strace s2  }
0x97: {  	_ =	strace $0x8FFFFFFF  }
0x98: {  	s18 =	sld [smem:$0x3FDB];
	_ =	sdelay $0x1  }
0x99: {  	s19 =	simm.s32 $_scs_section_size  }
0x9a: {  	s4 =	simm.s32 $_size__tile_overlayer_lowered;
	s5 =	simm.s32 $_tile_overlayer_lowered  }
0x9b: {  	s22 =	simm.s32 $0x1BFF;
	s21 =	sshll.u32 s5, $0x1;
	s2 =	sadd.s32 s19, s18  }
0x9c: {  	s6 =	simm.s32 $0x0;
	s20 =	sshll.u32 s4, $0x1;
	s4 =	sadd.s32 s21, s2  }
0x9d: {  	[timem:s6], [sflag:s22] =	dma.local [hbm:s4], s20  }
0x9e: {  	_ =	swait.ge [sflag:s22], s20  }
0x9f: {  	s3 =	ssub.s32 $0x0, s20;
	[sflag:s22] =	ssyncset.done $0x0  }
0xa0: {  	[sflag:s22] =	ssyncadd.s32 s3;
	_ =	sdelay $0x1  }
0xa1: {  	s23 =	simm.s32 $0x1B8B  }
0xa2: {  	_ =	swait.ge [sflag:s23], $0x1  }
0xa3: {  	[sflag:s23] =	ssyncset.done $0x0  }
0xa4: {  	s25 =	simm.s32 $0x1B8E;
	s24 =	sld [smem:$0x3FFE];
	[sflag:s23] =	ssyncadd.s32 $0xFFFFFFFF  }
0xa5: {  	s26 =	simm.s32 $execute0_lowered;
	[smem:$0x3FD2] =	sst s25  }
0xa6: {  	s4 =	sshll.u32 s26, $0x1;
	_ =	strace $0x80000049;
	[dreg:$0x1] =	wrdreg $0xFFFFFFFF  }
0xa7: {  	s28 =	simm.s32 $_size_execute0_lowered;
	s2 =	sadd.s32 s2, s4;
	[dreg:$0x0] =	wrdreg $0x0  }
0xa8: {  	s4 =	sshll.u32 s28, $0x1;
	[dreg:$0x2] =	wrdreg s2  }
0xa9: {  	[dreg:$0x3] =	wrdreg s4  }
0xaa: {  	[dreg:$0x4] =	wrdreg $0xC0  }
0xab: {  	_ =	task [dreg:s6], $0x5FFFF  }
0xac: {  	[dreg:$0x1] =	wrdreg $0xFFFFFFFF  }
0xad: {  	[dreg:$0x0] =	wrdreg $0x60  }
0xae: {  	[dreg:$0x2] =	wrdreg s24  }
0xaf: {  	[dreg:$0x3] =	wrdreg $0x9  }
0xb0: {  	_ =	task.clear_ibuf [dreg:s6], $0x4FFFF;
	_ =	strace $0x90000049  }
0xb1: {  	s29 =	simm.s32 $0x9;
	_ =	strace $0x8000004B  }
0xb2: {  	_ =	swait.ge [sflag:s29], $0x1  }
0xb3: {  	[sflag:s29] =	ssyncadd.s32 $0xFFFFFFFF  }
0xb4: {  	_ =	strace $0x9000004B  }
0xb5: {  	_ =	sfence  }
0xb6: {  	s30 =	sld [smem:$0x0];
	_ =	sdelay $0x2  }
0xb7: {  	s31 =	sshll.u32 s1, $0xD;
	s1 =	sshrl.u32 s1, $0x2  }
0xb8: {  	s3 =	sand.u32 $0x4000, s31;
	s1 =	sadd.s32 s1, s30  }
0xb9: {  	s0 =	sor.u32 s3, s0;
	s1 =	sshll.u32 s1, $0x11  }
0xba: {  	s0 =	sor.u32 s1, s0  }
0xbb: {  	s0 =	sadd.s32 $0x8F2B, s0  }
0xbc: {  	[sflag:s0] =	ssyncadd.remote.s32 $0x1  }
0xbd: {  	_ =	sfence.sel $0xFFFF  }
0xbe: {  	[dreg:$0x0] =	wrdreg $0xFFFFFFFF;
	(pc) =	sbr.abs _section_cstart, $3  }
0xbf: {  	[dreg:$0x1] =	wrdreg $0xFFFFFFFF  }
0xc0: {  	_ =	task.clear_ibuf [dreg:s6], $0x2FFFF;
	_ =	strace $0x9FFFFFFF  }
0xc1: {  	(tm) =	ssettm $0x7FFFFFFF  }
tec
execute0_lowered:
.L_overlay_start_1:
0x0: {  	(tag) =	ssettag $0x1  }
0x1: {  	s0 =	srdreg.scid  }
0x2: {  	s1 =	stileid.u32;
	s3 =	rddreg [dreg:$0x0];
	s0 =	sand.u32 $0x1, s0  }
0x3: {  	s8 =	simm.s32 $0x3;
	s1 =	sshll.u32 s1, $0x7;
	s2 =	sshll.u32 s0, $0x6  }
0x4: {  	s12 =	simm.s32 $0x2;
	s5 =	sadd.s32 $0x40400, s3;
	s1 =	sor.u32 s2, s1  }
0x5: {  	s0 =	ssub.s32 $0x2, s0;
	s2 =	simm.s32 $0x0;
	s4 =	smul.u32 $0x300, s1  }
0x6: {  	[smem:$0x7FF] =	sst s2;
	s6 =	smul.u32 $0x1800, s1;
	s1 =	sadd.s32 s3, s1  }
0x7: {  	_ =	strace $0x8000004A;
	[dreg:$0x2] =	wrdreg s1;
	s7 =	sadd.s32 s5, s4  }
0x8: {  	s23 =	sshrl.u32 s6, $0x3;
	s22 =	sadd.s32 $0x1800, s7;
	[dreg:$0xa] =	wrdreg s7  }
0x9: {  	s24 =	sadd.s32 $0x3000, s7;
	s6 =	sadd.s32 s5, s23;
	[dreg:$0x3] =	wrdreg s22  }
0xa: {  	s28 =	sshrl.u32 s0, $0x1;
	[dreg:$0x4] =	wrdreg s24;
	s25 =	sadd.s32 $0x4800, s6  }
0xb: {  	s0 =	ssub.s32 s0, s28;
	s26 =	sadd.s32 $0x6000, s6;
	[dreg:$0x5] =	wrdreg s25  }
0xc: {  	s4 =	sadd.s32 $0x220600, s3;
	s29 =	sadd.s32 $0x7800, s6;
	[dreg:$0x6] =	wrdreg s26  }
0xd: {  	v2 =	vlaneseq.u32;
	s5 =	sadd.s32 $0x220700, s3;
	s30 =	sadd.s32 $0x9000, s6;
	[dreg:$0x7] =	wrdreg s29  }
0xe: {  	vm0 =	vmmov $0xffff;
	v1 =	vshrl.u32 v2, $0x3;
	s7 =	smax.u32 s0, $0x1;
	s31 =	sadd.s32 $0xA800, s6;
	[dreg:$0x8] =	wrdreg s30  }
0xf: {  	v0 =	vand.u32 $0x7, v2;
	v2 =	vor.u32 $0x8, v2;
	v1 =	vmul.u32 $0x8, v1;
	s6 =	sadd.s32 $0x220800, s3;
	s3 =	simm.s32 $0x1;
	[dreg:$0x9] =	wrdreg s31  }
.LBB2_1:
0x10: {  	s13 =	rddreg [dreg:$0x2]  }
0x11: {  	[tilespmem:s2], [sflag:$0x3] =	stream.linear.gather [hbm4b:s13+s2], $0x200, $0x38;
	[tilespmem:$0x18200] =	vst v63  }
0x12: {  	_ =	swait.ge [sflag:s8], $0x200  }
0x13: {  	[sflag:s8] =	ssyncset.done $0x0  }
0x14: {  	[sflag:s8] =	ssyncadd.s32 $0xFFFFFE00  }
0x15: {  	v3 =	vld [tilespmem:$0x0];
	_ =	sdelay $0x4  }
0x16: {  	v4 =	vshrl.u32 v3, $0x3  }
0x17: {  	v4 =	vmul.u32 $0x30, v4  }
0x18: {  	v3 =	vand.u32 $0x7, v3  }
0x19: {  	v3 =	vor.u32 v3, v4  }
0x1a: {  	v4 =	vperm.xlane v3, v0;
	_ =	sdelay $0x1  }
0x1b: {  	v4 =	vadd.s32 v1, v4;
	_ =	sdelay $0x3  }
0x1c: {  	s0 =	simm.s32 $0x200;
	v3 =	vperm.xlane v3, v2  }
0x1d: {  	[tilespmem:s0], [sflag:$0x1] =	stream.indirect_vreg.gather [hbm4b:s4+s2], $0x80, v4, vm0, $0xb8;
	[tilespmem:$0x18200] =	vst v63  }
0x1e: {  	s24 =	simm.s32 $0xA00;
	v3 =	vadd.s32 v1, v3  }
0x1f: {  	[tilespmem:s24], [sflag:$0x1] =	stream.indirect_vreg.gather [hbm4b:s5+s2], $0x80, v4, vm0, $0xb8;
	[tilespmem:$0x18200] =	vst v63  }
0x20: {  	s25 =	simm.s32 $0x1200  }
0x21: {  	[tilespmem:s25], [sflag:$0x1] =	stream.indirect_vreg.gather [hbm4b:s6+s2], $0x80, v4, vm0, $0xb8;
	[tilespmem:$0x18200] =	vst v63  }
0x22: {  	s26 =	simm.s32 $0x1A00  }
0x23: {  	[tilespmem:s26], [sflag:$0x1] =	stream.indirect_vreg.gather [hbm4b:s4+s2], $0x80, v3, vm0, $0xb8;
	[tilespmem:$0x18200] =	vst v63  }
0x24: {  	s28 =	simm.s32 $0x2200  }
0x25: {  	[tilespmem:s28], [sflag:$0x1] =	stream.indirect_vreg.gather [hbm4b:s5+s2], $0x80, v3, vm0, $0xb8;
	[tilespmem:$0x18200] =	vst v63  }
0x26: {  	s29 =	simm.s32 $0x2A00  }
0x27: {  	[tilespmem:s29], [sflag:$0x1] =	stream.indirect_vreg.gather [hbm4b:s6+s2], $0x80, v3, vm0, $0xb8;
	[tilespmem:$0x18200] =	vst v63  }
0x28: {  	v3 =	vld [tilespmem:$0x10];
	_ =	sdelay $0x4  }
0x29: {  	v33 =	vshrl.u32 v3, $0x3  }
0x2a: {  	v4 =	vmul.u32 $0x30, v33  }
0x2b: {  	v3 =	vand.u32 $0x7, v3  }
0x2c: {  	v3 =	vor.u32 v3, v4  }
0x2d: {  	v4 =	vperm.xlane v3, v0;
	_ =	sdelay $0x1  }
0x2e: {  	v4 =	vadd.s32 v1, v4;
	_ =	sdelay $0x3  }
0x2f: {  	s30 =	simm.s32 $0x3200;
	v3 =	vperm.xlane v3, v2  }
0x30: {  	[tilespmem:s30], [sflag:$0x1] =	stream.indirect_vreg.gather [hbm4b:s4+s2], $0x80, v4, vm0, $0xb8;
	[tilespmem:$0x18200] =	vst v63  }
0x31: {  	s31 =	simm.s32 $0x3A00;
	v3 =	vadd.s32 v1, v3  }
0x32: {  	[tilespmem:s31], [sflag:$0x1] =	stream.indirect_vreg.gather [hbm4b:s5+s2], $0x80, v4, vm0, $0xb8;
	[tilespmem:$0x18200] =	vst v63  }
0x33: {  	s1 =	simm.s32 $0x4200  }
0x34: {  	[tilespmem:s1], [sflag:$0x1] =	stream.indirect_vreg.gather [hbm4b:s6+s2], $0x80, v4, vm0, $0xb8;
	[tilespmem:$0x18200] =	vst v63  }
0x35: {  	s10 =	simm.s32 $0x4A00  }
0x36: {  	[tilespmem:s10], [sflag:$0x1] =	stream.indirect_vreg.gather [hbm4b:s4+s2], $0x80, v3, vm0, $0xb8;
	[tilespmem:$0x18200] =	vst v63  }
0x37: {  	s11 =	simm.s32 $0x5200  }
0x38: {  	[tilespmem:s11], [sflag:$0x1] =	stream.indirect_vreg.gather [hbm4b:s5+s2], $0x80, v3, vm0, $0xb8;
	[tilespmem:$0x18200] =	vst v63  }
0x39: {  	s13 =	simm.s32 $0x5A00  }
0x3a: {  	[tilespmem:s13], [sflag:$0x1] =	stream.indirect_vreg.gather [hbm4b:s6+s2], $0x80, v3, vm0, $0xb8;
	[tilespmem:$0x18200] =	vst v63  }
0x3b: {  	v3 =	vld [tilespmem:$0x20];
	_ =	sdelay $0x4  }
0x3c: {  	v34 =	vshrl.u32 v3, $0x3  }
0x3d: {  	v4 =	vmul.u32 $0x30, v34  }
0x3e: {  	v3 =	vand.u32 $0x7, v3  }
0x3f: {  	v3 =	vor.u32 v3, v4  }
0x40: {  	v4 =	vperm.xlane v3, v0;
	_ =	sdelay $0x1  }
0x41: {  	v4 =	vadd.s32 v1, v4;
	_ =	sdelay $0x3  }
0x42: {  	s15 =	simm.s32 $0x6200;
	v3 =	vperm.xlane v3, v2  }
0x43: {  	[tilespmem:s15], [sflag:$0x1] =	stream.indirect_vreg.gather [hbm4b:s4+s2], $0x80, v4, vm0, $0xb8;
	[tilespmem:$0x18200] =	vst v63  }
0x44: {  	s16 =	simm.s32 $0x6A00;
	v3 =	vadd.s32 v1, v3  }
0x45: {  	[tilespmem:s16], [sflag:$0x1] =	stream.indirect_vreg.gather [hbm4b:s5+s2], $0x80, v4, vm0, $0xb8;
	[tilespmem:$0x18200] =	vst v63  }
0x46: {  	s19 =	simm.s32 $0x7200  }
0x47: {  	[tilespmem:s19], [sflag:$0x1] =	stream.indirect_vreg.gather [hbm4b:s6+s2], $0x80, v4, vm0, $0xb8;
	[tilespmem:$0x18200] =	vst v63  }
0x48: {  	s20 =	simm.s32 $0x7A00  }
0x49: {  	[tilespmem:s20], [sflag:$0x1] =	stream.indirect_vreg.gather [hbm4b:s4+s2], $0x80, v3, vm0, $0xb8;
	[tilespmem:$0x18200] =	vst v63  }
0x4a: {  	s23 =	simm.s32 $0x8200  }
0x4b: {  	[tilespmem:s23], [sflag:$0x1] =	stream.indirect_vreg.gather [hbm4b:s5+s2], $0x80, v3, vm0, $0xb8;
	[tilespmem:$0x18200] =	vst v63  }
0x4c: {  	s24 =	simm.s32 $0x8A00  }
0x4d: {  	[tilespmem:s24], [sflag:$0x1] =	stream.indirect_vreg.gather [hbm4b:s6+s2], $0x80, v3, vm0, $0xb8;
	[tilespmem:$0x18200] =	vst v63  }
0x4e: {  	v3 =	vld [tilespmem:$0x30];
	_ =	sdelay $0x4  }
0x4f: {  	v35 =	vshrl.u32 v3, $0x3  }
0x50: {  	v4 =	vmul.u32 $0x30, v35  }
0x51: {  	v3 =	vand.u32 $0x7, v3  }
0x52: {  	v3 =	vor.u32 v3, v4  }
0x53: {  	v4 =	vperm.xlane v3, v0;
	_ =	sdelay $0x1  }
0x54: {  	v4 =	vadd.s32 v1, v4;
	_ =	sdelay $0x3  }
0x55: {  	s31 =	simm.s32 $0x9200;
	v3 =	vperm.xlane v3, v2  }
0x56: {  	[tilespmem:s31], [sflag:$0x1] =	stream.indirect_vreg.gather [hbm4b:s4+s2], $0x80, v4, vm0, $0xb8;
	[tilespmem:$0x18200] =	vst v63  }
0x57: {  	s13 =	simm.s32 $0x9A00;
	v3 =	vadd.s32 v1, v3  }
0x58: {  	[tilespmem:s13], [sflag:$0x1] =	stream.indirect_vreg.gather [hbm4b:s5+s2], $0x80, v4, vm0, $0xb8;
	[tilespmem:$0x18200] =	vst v63  }
0x59: {  	s15 =	simm.s32 $0xA200  }
0x5a: {  	[tilespmem:s15], [sflag:$0x1] =	stream.indirect_vreg.gather [hbm4b:s6+s2], $0x80, v4, vm0, $0xb8;
	[tilespmem:$0x18200] =	vst v63  }
0x5b: {  	s16 =	simm.s32 $0xAA00  }
0x5c: {  	[tilespmem:s16], [sflag:$0x1] =	stream.indirect_vreg.gather [hbm4b:s4+s2], $0x80, v3, vm0, $0xb8;
	[tilespmem:$0x18200] =	vst v63  }
0x5d: {  	s19 =	simm.s32 $0xB200  }
0x5e: {  	[tilespmem:s19], [sflag:$0x1] =	stream.indirect_vreg.gather [hbm4b:s5+s2], $0x80, v3, vm0, $0xb8;
	[tilespmem:$0x18200] =	vst v63  }
0x5f: {  	s20 =	simm.s32 $0xBA00  }
0x60: {  	[tilespmem:s20], [sflag:$0x1] =	stream.indirect_vreg.gather [hbm4b:s6+s2], $0x80, v3, vm0, $0xb8;
	[tilespmem:$0x18200] =	vst v63  }
0x61: {  	_ =	swait.ge [sflag:s3], $0xC000  }
0x62: {  	[sflag:s3] =	ssyncset.done $0x0  }
0x63: {  	[sflag:s3] =	ssyncadd.s32 $0xFFFF4000  }
0x64: {  	v3 =	vld [tilespmem:$0x40];
	_ =	sdelay $0x4  }
0x65: {  	v36 =	vshrl.u32 v3, $0x3  }
0x66: {  	v4 =	vmul.u32 $0x30, v36  }
0x67: {  	v3 =	vand.u32 $0x7, v3  }
0x68: {  	v3 =	vor.u32 v3, v4  }
0x69: {  	v4 =	vperm.xlane v3, v0;
	_ =	sdelay $0x1  }
0x6a: {  	v4 =	vadd.s32 v1, v4;
	_ =	sdelay $0x3  }
0x6b: {  	s23 =	simm.s32 $0xC200;
	v3 =	vperm.xlane v3, v2  }
0x6c: {  	[tilespmem:s23], [sflag:$0x2] =	stream.indirect_vreg.gather [hbm4b:s4+s2], $0x80, v4, vm0, $0xb8;
	[tilespmem:$0x18200] =	vst v63  }
0x6d: {  	s24 =	simm.s32 $0xCA00;
	v3 =	vadd.s32 v1, v3  }
0x6e: {  	[tilespmem:s24], [sflag:$0x2] =	stream.indirect_vreg.gather [hbm4b:s5+s2], $0x80, v4, vm0, $0xb8;
	[tilespmem:$0x18200] =	vst v63  }
0x6f: {  	s13 =	simm.s32 $0xD200  }
0x70: {  	[tilespmem:s13], [sflag:$0x2] =	stream.indirect_vreg.gather [hbm4b:s6+s2], $0x80, v4, vm0, $0xb8;
	[tilespmem:$0x18200] =	vst v63  }
0x71: {  	s16 =	simm.s32 $0xDA00  }
0x72: {  	[tilespmem:s16], [sflag:$0x2] =	stream.indirect_vreg.gather [hbm4b:s4+s2], $0x80, v3, vm0, $0xb8;
	[tilespmem:$0x18200] =	vst v63  }
0x73: {  	s19 =	simm.s32 $0xE200  }
0x74: {  	[tilespmem:s19], [sflag:$0x2] =	stream.indirect_vreg.gather [hbm4b:s5+s2], $0x80, v3, vm0, $0xb8;
	[tilespmem:$0x18200] =	vst v63  }
0x75: {  	s20 =	simm.s32 $0xEA00  }
0x76: {  	[tilespmem:s20], [sflag:$0x2] =	stream.indirect_vreg.gather [hbm4b:s6+s2], $0x80, v3, vm0, $0xb8;
	[tilespmem:$0x18200] =	vst v63  }
0x77: {  	v3 =	vld [tilespmem:$0x50];
	_ =	sdelay $0x4  }
0x78: {  	v37 =	vshrl.u32 v3, $0x3  }
0x79: {  	v4 =	vmul.u32 $0x30, v37  }
0x7a: {  	v3 =	vand.u32 $0x7, v3  }
0x7b: {  	v3 =	vor.u32 v3, v4  }
0x7c: {  	v4 =	vperm.xlane v3, v0;
	_ =	sdelay $0x1  }
0x7d: {  	v4 =	vadd.s32 v1, v4;
	_ =	sdelay $0x3  }
0x7e: {  	s23 =	simm.s32 $0xF200;
	v3 =	vperm.xlane v3, v2  }
0x7f: {  	[tilespmem:s23], [sflag:$0x2] =	stream.indirect_vreg.gather [hbm4b:s4+s2], $0x80, v4, vm0, $0xb8;
	[tilespmem:$0x18200] =	vst v63  }
0x80: {  	s24 =	simm.s32 $0xFA00;
	v3 =	vadd.s32 v1, v3  }
0x81: {  	[tilespmem:s24], [sflag:$0x2] =	stream.indirect_vreg.gather [hbm4b:s5+s2], $0x80, v4, vm0, $0xb8;
	[tilespmem:$0x18200] =	vst v63  }
0x82: {  	s13 =	simm.s32 $0x10200  }
0x83: {  	[tilespmem:s13], [sflag:$0x2] =	stream.indirect_vreg.gather [hbm4b:s6+s2], $0x80, v4, vm0, $0xb8;
	[tilespmem:$0x18200] =	vst v63  }
0x84: {  	s19 =	simm.s32 $0x10A00  }
0x85: {  	[tilespmem:s19], [sflag:$0x2] =	stream.indirect_vreg.gather [hbm4b:s4+s2], $0x80, v3, vm0, $0xb8;
	[tilespmem:$0x18200] =	vst v63  }
0x86: {  	s20 =	simm.s32 $0x11200  }
0x87: {  	[tilespmem:s20], [sflag:$0x2] =	stream.indirect_vreg.gather [hbm4b:s5+s2], $0x80, v3, vm0, $0xb8;
	[tilespmem:$0x18200] =	vst v63  }
0x88: {  	s23 =	simm.s32 $0x11A00  }
0x89: {  	[tilespmem:s23], [sflag:$0x2] =	stream.indirect_vreg.gather [hbm4b:s6+s2], $0x80, v3, vm0, $0xb8;
	[tilespmem:$0x18200] =	vst v63  }
0x8a: {  	v3 =	vld [tilespmem:$0x60];
	_ =	sdelay $0x4  }
0x8b: {  	v38 =	vshrl.u32 v3, $0x3  }
0x8c: {  	v4 =	vmul.u32 $0x30, v38  }
0x8d: {  	v3 =	vand.u32 $0x7, v3  }
0x8e: {  	v3 =	vor.u32 v3, v4  }
0x8f: {  	v4 =	vperm.xlane v3, v0;
	_ =	sdelay $0x1  }
0x90: {  	v4 =	vadd.s32 v1, v4;
	_ =	sdelay $0x3  }
0x91: {  	s24 =	simm.s32 $0x12200;
	v3 =	vperm.xlane v3, v2  }
0x92: {  	[tilespmem:s24], [sflag:$0x2] =	stream.indirect_vreg.gather [hbm4b:s4+s2], $0x80, v4, vm0, $0xb8;
	[tilespmem:$0x18200] =	vst v63  }
0x93: {  	s13 =	simm.s32 $0x12A00;
	v3 =	vadd.s32 v1, v3  }
0x94: {  	[tilespmem:s13], [sflag:$0x2] =	stream.indirect_vreg.gather [hbm4b:s5+s2], $0x80, v4, vm0, $0xb8;
	[tilespmem:$0x18200] =	vst v63  }
0x95: {  	s23 =	simm.s32 $0x13200  }
0x96: {  	[tilespmem:s23], [sflag:$0x2] =	stream.indirect_vreg.gather [hbm4b:s6+s2], $0x80, v4, vm0, $0xb8;
	[tilespmem:$0x18200] =	vst v63  }
0x97: {  	s24 =	simm.s32 $0x13A00  }
0x98: {  	[tilespmem:s24], [sflag:$0x2] =	stream.indirect_vreg.gather [hbm4b:s4+s2], $0x80, v3, vm0, $0xb8;
	[tilespmem:$0x18200] =	vst v63  }
0x99: {  	s13 =	simm.s32 $0x14200  }
0x9a: {  	[tilespmem:s13], [sflag:$0x2] =	stream.indirect_vreg.gather [hbm4b:s5+s2], $0x80, v3, vm0, $0xb8;
	[tilespmem:$0x18200] =	vst v63  }
0x9b: {  	s23 =	simm.s32 $0x14A00  }
0x9c: {  	[tilespmem:s23], [sflag:$0x2] =	stream.indirect_vreg.gather [hbm4b:s6+s2], $0x80, v3, vm0, $0xb8;
	[tilespmem:$0x18200] =	vst v63  }
0x9d: {  	v3 =	vld [tilespmem:$0x70];
	_ =	sdelay $0x4  }
0x9e: {  	v39 =	vshrl.u32 v3, $0x3  }
0x9f: {  	v4 =	vmul.u32 $0x30, v39  }
0xa0: {  	v3 =	vand.u32 $0x7, v3  }
0xa1: {  	v3 =	vor.u32 v3, v4  }
0xa2: {  	v4 =	vperm.xlane v3, v0;
	_ =	sdelay $0x1  }
0xa3: {  	v4 =	vadd.s32 v1, v4;
	_ =	sdelay $0x3  }
0xa4: {  	s24 =	simm.s32 $0x15200;
	v3 =	vperm.xlane v3, v2  }
0xa5: {  	[tilespmem:s24], [sflag:$0x2] =	stream.indirect_vreg.gather [hbm4b:s4+s2], $0x80, v4, vm0, $0xb8;
	[tilespmem:$0x18200] =	vst v63  }
0xa6: {  	s13 =	simm.s32 $0x15A00;
	v3 =	vadd.s32 v1, v3  }
0xa7: {  	[tilespmem:s13], [sflag:$0x2] =	stream.indirect_vreg.gather [hbm4b:s5+s2], $0x80, v4, vm0, $0xb8;
	[tilespmem:$0x18200] =	vst v63  }
0xa8: {  	s13 =	simm.s32 $0x16200  }
0xa9: {  	[tilespmem:s13], [sflag:$0x2] =	stream.indirect_vreg.gather [hbm4b:s6+s2], $0x80, v4, vm0, $0xb8;
	[tilespmem:$0x18200] =	vst v63  }
0xaa: {  	s13 =	simm.s32 $0x16A00  }
0xab: {  	[tilespmem:s13], [sflag:$0x2] =	stream.indirect_vreg.gather [hbm4b:s4+s2], $0x80, v3, vm0, $0xb8;
	[tilespmem:$0x18200] =	vst v63  }
0xac: {  	s13 =	simm.s32 $0x17200  }
0xad: {  	[tilespmem:s13], [sflag:$0x2] =	stream.indirect_vreg.gather [hbm4b:s5+s2], $0x80, v3, vm0, $0xb8;
	[tilespmem:$0x18200] =	vst v63  }
0xae: {  	s0 =	simm.s32 $0x17A00  }
0xaf: {  	[tilespmem:s0], [sflag:$0x2] =	stream.indirect_vreg.gather [hbm4b:s6+s2], $0x80, v3, vm0, $0xb8;
	[tilespmem:$0x18200] =	vst v63  }
0xb0: {  	s13 =	rddreg [dreg:$0xa];
	s0 =	simm.s32 $0x200  }
0xb1: {  	[hbm4b:s13+s2] =	stream.linear.scatter [tilespmem:s0], [sflag:$0x3], $0xC000, $0x38;
	[tilespmem:$0x18200] =	vst v63  }
0xb2: {  	_ =	swait.ge [sflag:s8], $0xC000  }
0xb3: {  	[sflag:s8] =	ssyncset.done $0x0  }
0xb4: {  	[sflag:s8] =	ssyncadd.s32 $0xFFFF4000  }
0xb5: {  	_ =	swait.ge [sflag:s12], $0xC000  }
0xb6: {  	[sflag:s12] =	ssyncset.done $0x0  }
0xb7: {  	[sflag:s12] =	ssyncadd.s32 $0xFFFF4000  }
0xb8: {  	v3 =	vld [tilespmem:$0x80];
	_ =	sdelay $0x4  }
0xb9: {  	v40 =	vshrl.u32 v3, $0x3  }
0xba: {  	v4 =	vmul.u32 $0x30, v40  }
0xbb: {  	v3 =	vand.u32 $0x7, v3  }
0xbc: {  	v3 =	vor.u32 v3, v4  }
0xbd: {  	v4 =	vperm.xlane v3, v0;
	_ =	sdelay $0x1  }
0xbe: {  	v4 =	vadd.s32 v1, v4;
	_ =	sdelay $0x3  }
0xbf: {  	v3 =	vperm.xlane v3, v2  }
0xc0: {  	[tilespmem:s0], [sflag:$0x1] =	stream.indirect_vreg.gather [hbm4b:s4+s2], $0x80, v4, vm0, $0xb8;
	[tilespmem:$0x18200] =	vst v63  }
0xc1: {  	s9 =	simm.s32 $0xA00;
	v3 =	vadd.s32 v1, v3  }
0xc2: {  	[tilespmem:s9], [sflag:$0x1] =	stream.indirect_vreg.gather [hbm4b:s5+s2], $0x80, v4, vm0, $0xb8;
	[tilespmem:$0x18200] =	vst v63  }
0xc3: {  	s14 =	simm.s32 $0x1200  }
0xc4: {  	[tilespmem:s14], [sflag:$0x1] =	stream.indirect_vreg.gather [hbm4b:s6+s2], $0x80, v4, vm0, $0xb8;
	[tilespmem:$0x18200] =	vst v63  }
0xc5: {  	s17 =	simm.s32 $0x1A00  }
0xc6: {  	[tilespmem:s17], [sflag:$0x1] =	stream.indirect_vreg.gather [hbm4b:s4+s2], $0x80, v3, vm0, $0xb8;
	[tilespmem:$0x18200] =	vst v63  }
0xc7: {  	s18 =	simm.s32 $0x2200  }
0xc8: {  	[tilespmem:s18], [sflag:$0x1] =	stream.indirect_vreg.gather [hbm4b:s5+s2], $0x80, v3, vm0, $0xb8;
	[tilespmem:$0x18200] =	vst v63  }
0xc9: {  	s26 =	simm.s32 $0x2A00  }
0xca: {  	[tilespmem:s26], [sflag:$0x1] =	stream.indirect_vreg.gather [hbm4b:s6+s2], $0x80, v3, vm0, $0xb8;
	[tilespmem:$0x18200] =	vst v63  }
0xcb: {  	v3 =	vld [tilespmem:$0x90];
	_ =	sdelay $0x4  }
0xcc: {  	v41 =	vshrl.u32 v3, $0x3  }
0xcd: {  	v4 =	vmul.u32 $0x30, v41  }
0xce: {  	v3 =	vand.u32 $0x7, v3  }
0xcf: {  	v3 =	vor.u32 v3, v4  }
0xd0: {  	v4 =	vperm.xlane v3, v0;
	_ =	sdelay $0x1  }
0xd1: {  	v4 =	vadd.s32 v1, v4;
	_ =	sdelay $0x3  }
0xd2: {  	s28 =	simm.s32 $0x3200;
	v3 =	vperm.xlane v3, v2  }
0xd3: {  	[tilespmem:s28], [sflag:$0x1] =	stream.indirect_vreg.gather [hbm4b:s4+s2], $0x80, v4, vm0, $0xb8;
	[tilespmem:$0x18200] =	vst v63  }
0xd4: {  	s21 =	simm.s32 $0x3A00;
	v3 =	vadd.s32 v1, v3  }
0xd5: {  	[tilespmem:s21], [sflag:$0x1] =	stream.indirect_vreg.gather [hbm4b:s5+s2], $0x80, v4, vm0, $0xb8;
	[tilespmem:$0x18200] =	vst v63  }
0xd6: {  	s22 =	simm.s32 $0x4200  }
0xd7: {  	[tilespmem:s22], [sflag:$0x1] =	stream.indirect_vreg.gather [hbm4b:s6+s2], $0x80, v4, vm0, $0xb8;
	[tilespmem:$0x18200] =	vst v63  }
0xd8: {  	s25 =	simm.s32 $0x4A00  }
0xd9: {  	[tilespmem:s25], [sflag:$0x1] =	stream.indirect_vreg.gather [hbm4b:s4+s2], $0x80, v3, vm0, $0xb8;
	[tilespmem:$0x18200] =	vst v63  }
0xda: {  	s26 =	simm.s32 $0x5200  }
0xdb: {  	[tilespmem:s26], [sflag:$0x1] =	stream.indirect_vreg.gather [hbm4b:s5+s2], $0x80, v3, vm0, $0xb8;
	[tilespmem:$0x18200] =	vst v63  }
0xdc: {  	s29 =	simm.s32 $0x5A00  }
0xdd: {  	[tilespmem:s29], [sflag:$0x1] =	stream.indirect_vreg.gather [hbm4b:s6+s2], $0x80, v3, vm0, $0xb8;
	[tilespmem:$0x18200] =	vst v63  }
0xde: {  	v3 =	vld [tilespmem:$0xA0];
	_ =	sdelay $0x4  }
0xdf: {  	v42 =	vshrl.u32 v3, $0x3  }
0xe0: {  	v4 =	vmul.u32 $0x30, v42  }
0xe1: {  	v3 =	vand.u32 $0x7, v3  }
0xe2: {  	v3 =	vor.u32 v3, v4  }
0xe3: {  	v4 =	vperm.xlane v3, v0;
	_ =	sdelay $0x1  }
0xe4: {  	v4 =	vadd.s32 v1, v4;
	_ =	sdelay $0x3  }
0xe5: {  	s30 =	simm.s32 $0x6200;
	v3 =	vperm.xlane v3, v2  }
0xe6: {  	[tilespmem:s30], [sflag:$0x1] =	stream.indirect_vreg.gather [hbm4b:s4+s2], $0x80, v4, vm0, $0xb8;
	[tilespmem:$0x18200] =	vst v63  }
0xe7: {  	s29 =	simm.s32 $0x6A00;
	v3 =	vadd.s32 v1, v3  }
0xe8: {  	[tilespmem:s29], [sflag:$0x1] =	stream.indirect_vreg.gather [hbm4b:s5+s2], $0x80, v4, vm0, $0xb8;
	[tilespmem:$0x18200] =	vst v63  }
0xe9: {  	s30 =	simm.s32 $0x7200  }
0xea: {  	[tilespmem:s30], [sflag:$0x1] =	stream.indirect_vreg.gather [hbm4b:s6+s2], $0x80, v4, vm0, $0xb8;
	[tilespmem:$0x18200] =	vst v63  }
0xeb: {  	s10 =	simm.s32 $0x7A00  }
0xec: {  	[tilespmem:s10], [sflag:$0x1] =	stream.indirect_vreg.gather [hbm4b:s4+s2], $0x80, v3, vm0, $0xb8;
	[tilespmem:$0x18200] =	vst v63  }
0xed: {  	s11 =	simm.s32 $0x8200  }
0xee: {  	[tilespmem:s11], [sflag:$0x1] =	stream.indirect_vreg.gather [hbm4b:s5+s2], $0x80, v3, vm0, $0xb8;
	[tilespmem:$0x18200] =	vst v63  }
0xef: {  	s1 =	simm.s32 $0x8A00  }
0xf0: {  	[tilespmem:s1], [sflag:$0x1] =	stream.indirect_vreg.gather [hbm4b:s6+s2], $0x80, v3, vm0, $0xb8;
	[tilespmem:$0x18200] =	vst v63  }
0xf1: {  	v3 =	vld [tilespmem:$0xB0];
	_ =	sdelay $0x4  }
0xf2: {  	v43 =	vshrl.u32 v3, $0x3  }
0xf3: {  	v4 =	vmul.u32 $0x30, v43  }
0xf4: {  	v3 =	vand.u32 $0x7, v3  }
0xf5: {  	v3 =	vor.u32 v3, v4  }
0xf6: {  	v4 =	vperm.xlane v3, v0;
	_ =	sdelay $0x1  }
0xf7: {  	v4 =	vadd.s32 v1, v4;
	_ =	sdelay $0x3  }
0xf8: {  	s31 =	simm.s32 $0x9200;
	v3 =	vperm.xlane v3, v2  }
0xf9: {  	[tilespmem:s31], [sflag:$0x1] =	stream.indirect_vreg.gather [hbm4b:s4+s2], $0x80, v4, vm0, $0xb8;
	[tilespmem:$0x18200] =	vst v63  }
0xfa: {  	v3 =	vadd.s32 v1, v3;
	s31 =	simm.s32 $0x9A00  }
0xfb: {  	[tilespmem:s31], [sflag:$0x1] =	stream.indirect_vreg.gather [hbm4b:s5+s2], $0x80, v4, vm0, $0xb8;
	[tilespmem:$0x18200] =	vst v63  }
0xfc: {  	s28 =	simm.s32 $0xA200  }
0xfd: {  	[tilespmem:s28], [sflag:$0x1] =	stream.indirect_vreg.gather [hbm4b:s6+s2], $0x80, v4, vm0, $0xb8;
	[tilespmem:$0x18200] =	vst v63  }
0xfe: {  	s11 =	simm.s32 $0xAA00  }
0xff: {  	[tilespmem:s11], [sflag:$0x1] =	stream.indirect_vreg.gather [hbm4b:s4+s2], $0x80, v3, vm0, $0xb8;
	[tilespmem:$0x18200] =	vst v63  }
0x100: {  	s10 =	simm.s32 $0xB200  }
0x101: {  	[tilespmem:s10], [sflag:$0x1] =	stream.indirect_vreg.gather [hbm4b:s5+s2], $0x80, v3, vm0, $0xb8;
	[tilespmem:$0x18200] =	vst v63  }
0x102: {  	s15 =	simm.s32 $0xBA00  }
0x103: {  	[tilespmem:s15], [sflag:$0x1] =	stream.indirect_vreg.gather [hbm4b:s6+s2], $0x80, v3, vm0, $0xb8;
	[tilespmem:$0x18200] =	vst v63  }
0x104: {  	s18 =	rddreg [dreg:$0x3];
	s21 =	simm.s32 $0xC200  }
0x105: {  	[hbm4b:s18+s2] =	stream.linear.scatter [tilespmem:s21], [sflag:$0x3], $0xC000, $0x38;
	[tilespmem:$0x18200] =	vst v63  }
0x106: {  	_ =	swait.ge [sflag:s8], $0xC000  }
0x107: {  	[sflag:s8] =	ssyncset.done $0x0  }
0x108: {  	[sflag:s8] =	ssyncadd.s32 $0xFFFF4000  }
0x109: {  	_ =	swait.ge [sflag:s3], $0xC000  }
0x10a: {  	[sflag:s3] =	ssyncset.done $0x0  }
0x10b: {  	[sflag:s3] =	ssyncadd.s32 $0xFFFF4000  }
0x10c: {  	v3 =	vld [tilespmem:$0xC0];
	_ =	sdelay $0x4  }
0x10d: {  	v44 =	vshrl.u32 v3, $0x3  }
0x10e: {  	v4 =	vmul.u32 $0x30, v44  }
0x10f: {  	v3 =	vand.u32 $0x7, v3  }
0x110: {  	v3 =	vor.u32 v3, v4  }
0x111: {  	v4 =	vperm.xlane v3, v0;
	_ =	sdelay $0x1  }
0x112: {  	v4 =	vadd.s32 v1, v4;
	_ =	sdelay $0x3  }
0x113: {  	v3 =	vperm.xlane v3, v2  }
0x114: {  	[tilespmem:s21], [sflag:$0x2] =	stream.indirect_vreg.gather [hbm4b:s4+s2], $0x80, v4, vm0, $0xb8;
	[tilespmem:$0x18200] =	vst v63  }
0x115: {  	s22 =	simm.s32 $0xCA00;
	v3 =	vadd.s32 v1, v3  }
0x116: {  	[tilespmem:s22], [sflag:$0x2] =	stream.indirect_vreg.gather [hbm4b:s5+s2], $0x80, v4, vm0, $0xb8;
	[tilespmem:$0x18200] =	vst v63  }
0x117: {  	s1 =	simm.s32 $0xD200  }
0x118: {  	[tilespmem:s1], [sflag:$0x2] =	stream.indirect_vreg.gather [hbm4b:s6+s2], $0x80, v4, vm0, $0xb8;
	[tilespmem:$0x18200] =	vst v63  }
0x119: {  	s9 =	simm.s32 $0xDA00  }
0x11a: {  	[tilespmem:s9], [sflag:$0x2] =	stream.indirect_vreg.gather [hbm4b:s4+s2], $0x80, v3, vm0, $0xb8;
	[tilespmem:$0x18200] =	vst v63  }
0x11b: {  	s14 =	simm.s32 $0xE200  }
0x11c: {  	[tilespmem:s14], [sflag:$0x2] =	stream.indirect_vreg.gather [hbm4b:s5+s2], $0x80, v3, vm0, $0xb8;
	[tilespmem:$0x18200] =	vst v63  }
0x11d: {  	s25 =	simm.s32 $0xEA00  }
0x11e: {  	[tilespmem:s25], [sflag:$0x2] =	stream.indirect_vreg.gather [hbm4b:s6+s2], $0x80, v3, vm0, $0xb8;
	[tilespmem:$0x18200] =	vst v63  }
0x11f: {  	v3 =	vld [tilespmem:$0xD0];
	_ =	sdelay $0x4  }
0x120: {  	v45 =	vshrl.u32 v3, $0x3  }
0x121: {  	v4 =	vmul.u32 $0x30, v45  }
0x122: {  	v3 =	vand.u32 $0x7, v3  }
0x123: {  	v3 =	vor.u32 v3, v4  }
0x124: {  	v4 =	vperm.xlane v3, v0;
	_ =	sdelay $0x1  }
0x125: {  	v4 =	vadd.s32 v1, v4;
	_ =	sdelay $0x3  }
0x126: {  	s16 =	simm.s32 $0xF200;
	v3 =	vperm.xlane v3, v2  }
0x127: {  	[tilespmem:s16], [sflag:$0x2] =	stream.indirect_vreg.gather [hbm4b:s4+s2], $0x80, v4, vm0, $0xb8;
	[tilespmem:$0x18200] =	vst v63  }
0x128: {  	s15 =	simm.s32 $0xFA00;
	v3 =	vadd.s32 v1, v3  }
0x129: {  	[tilespmem:s15], [sflag:$0x2] =	stream.indirect_vreg.gather [hbm4b:s5+s2], $0x80, v4, vm0, $0xb8;
	[tilespmem:$0x18200] =	vst v63  }
0x12a: {  	s16 =	simm.s32 $0x10200  }
0x12b: {  	[tilespmem:s16], [sflag:$0x2] =	stream.indirect_vreg.gather [hbm4b:s6+s2], $0x80, v4, vm0, $0xb8;
	[tilespmem:$0x18200] =	vst v63  }
0x12c: {  	s17 =	simm.s32 $0x10A00  }
0x12d: {  	[tilespmem:s17], [sflag:$0x2] =	stream.indirect_vreg.gather [hbm4b:s4+s2], $0x80, v3, vm0, $0xb8;
	[tilespmem:$0x18200] =	vst v63  }
0x12e: {  	s18 =	simm.s32 $0x11200  }
0x12f: {  	[tilespmem:s18], [sflag:$0x2] =	stream.indirect_vreg.gather [hbm4b:s5+s2], $0x80, v3, vm0, $0xb8;
	[tilespmem:$0x18200] =	vst v63  }
0x130: {  	s19 =	simm.s32 $0x11A00  }
0x131: {  	[tilespmem:s19], [sflag:$0x2] =	stream.indirect_vreg.gather [hbm4b:s6+s2], $0x80, v3, vm0, $0xb8;
	[tilespmem:$0x18200] =	vst v63  }
0x132: {  	v3 =	vld [tilespmem:$0xE0];
	_ =	sdelay $0x4  }
0x133: {  	v46 =	vshrl.u32 v3, $0x3  }
0x134: {  	v4 =	vmul.u32 $0x30, v46  }
0x135: {  	v3 =	vand.u32 $0x7, v3  }
0x136: {  	v3 =	vor.u32 v3, v4  }
0x137: {  	v4 =	vperm.xlane v3, v0;
	_ =	sdelay $0x1  }
0x138: {  	v4 =	vadd.s32 v1, v4;
	_ =	sdelay $0x3  }
0x139: {  	s20 =	simm.s32 $0x12200;
	v3 =	vperm.xlane v3, v2  }
0x13a: {  	[tilespmem:s20], [sflag:$0x2] =	stream.indirect_vreg.gather [hbm4b:s4+s2], $0x80, v4, vm0, $0xb8;
	[tilespmem:$0x18200] =	vst v63  }
0x13b: {  	s19 =	simm.s32 $0x12A00;
	v3 =	vadd.s32 v1, v3  }
0x13c: {  	[tilespmem:s19], [sflag:$0x2] =	stream.indirect_vreg.gather [hbm4b:s5+s2], $0x80, v4, vm0, $0xb8;
	[tilespmem:$0x18200] =	vst v63  }
0x13d: {  	s20 =	simm.s32 $0x13200  }
0x13e: {  	[tilespmem:s20], [sflag:$0x2] =	stream.indirect_vreg.gather [hbm4b:s6+s2], $0x80, v4, vm0, $0xb8;
	[tilespmem:$0x18200] =	vst v63  }
0x13f: {  	s21 =	simm.s32 $0x13A00  }
0x140: {  	[tilespmem:s21], [sflag:$0x2] =	stream.indirect_vreg.gather [hbm4b:s4+s2], $0x80, v3, vm0, $0xb8;
	[tilespmem:$0x18200] =	vst v63  }
0x141: {  	s22 =	simm.s32 $0x14200  }
0x142: {  	[tilespmem:s22], [sflag:$0x2] =	stream.indirect_vreg.gather [hbm4b:s5+s2], $0x80, v3, vm0, $0xb8;
	[tilespmem:$0x18200] =	vst v63  }
0x143: {  	s23 =	simm.s32 $0x14A00  }
0x144: {  	[tilespmem:s23], [sflag:$0x2] =	stream.indirect_vreg.gather [hbm4b:s6+s2], $0x80, v3, vm0, $0xb8;
	[tilespmem:$0x18200] =	vst v63  }
0x145: {  	v3 =	vld [tilespmem:$0xF0];
	_ =	sdelay $0x4  }
0x146: {  	v47 =	vshrl.u32 v3, $0x3  }
0x147: {  	v4 =	vmul.u32 $0x30, v47  }
0x148: {  	v3 =	vand.u32 $0x7, v3  }
0x149: {  	v3 =	vor.u32 v3, v4  }
0x14a: {  	v4 =	vperm.xlane v3, v0;
	_ =	sdelay $0x1  }
0x14b: {  	v4 =	vadd.s32 v1, v4;
	_ =	sdelay $0x3  }
0x14c: {  	s24 =	simm.s32 $0x15200;
	v3 =	vperm.xlane v3, v2  }
0x14d: {  	[tilespmem:s24], [sflag:$0x2] =	stream.indirect_vreg.gather [hbm4b:s4+s2], $0x80, v4, vm0, $0xb8;
	[tilespmem:$0x18200] =	vst v63  }
0x14e: {  	s23 =	simm.s32 $0x15A00;
	v3 =	vadd.s32 v1, v3  }
0x14f: {  	[tilespmem:s23], [sflag:$0x2] =	stream.indirect_vreg.gather [hbm4b:s5+s2], $0x80, v4, vm0, $0xb8;
	[tilespmem:$0x18200] =	vst v63  }
0x150: {  	s24 =	simm.s32 $0x16200  }
0x151: {  	[tilespmem:s24], [sflag:$0x2] =	stream.indirect_vreg.gather [hbm4b:s6+s2], $0x80, v4, vm0, $0xb8;
	[tilespmem:$0x18200] =	vst v63  }
0x152: {  	s25 =	simm.s32 $0x16A00  }
0x153: {  	[tilespmem:s25], [sflag:$0x2] =	stream.indirect_vreg.gather [hbm4b:s4+s2], $0x80, v3, vm0, $0xb8;
	[tilespmem:$0x18200] =	vst v63  }
0x154: {  	s13 =	simm.s32 $0x17200  }
0x155: {  	[tilespmem:s13], [sflag:$0x2] =	stream.indirect_vreg.gather [hbm4b:s5+s2], $0x80, v3, vm0, $0xb8;
	[tilespmem:$0x18200] =	vst v63  }
0x156: {  	s0 =	simm.s32 $0x17A00  }
0x157: {  	[tilespmem:s0], [sflag:$0x2] =	stream.indirect_vreg.gather [hbm4b:s6+s2], $0x80, v3, vm0, $0xb8;
	[tilespmem:$0x18200] =	vst v63  }
0x158: {  	s13 =	rddreg [dreg:$0x4];
	s0 =	simm.s32 $0x200  }
0x159: {  	[hbm4b:s13+s2] =	stream.linear.scatter [tilespmem:s0], [sflag:$0x3], $0xC000, $0x38;
	[tilespmem:$0x18200] =	vst v63  }
0x15a: {  	_ =	swait.ge [sflag:s8], $0xC000  }
0x15b: {  	[sflag:s8] =	ssyncset.done $0x0  }
0x15c: {  	[sflag:s8] =	ssyncadd.s32 $0xFFFF4000  }
0x15d: {  	_ =	swait.ge [sflag:s12], $0xC000  }
0x15e: {  	[sflag:s12] =	ssyncset.done $0x0  }
0x15f: {  	[sflag:s12] =	ssyncadd.s32 $0xFFFF4000  }
0x160: {  	v3 =	vld [tilespmem:$0x100];
	_ =	sdelay $0x4  }
0x161: {  	v48 =	vshrl.u32 v3, $0x3  }
0x162: {  	v4 =	vmul.u32 $0x30, v48  }
0x163: {  	v3 =	vand.u32 $0x7, v3  }
0x164: {  	v3 =	vor.u32 v3, v4  }
0x165: {  	v4 =	vperm.xlane v3, v0;
	_ =	sdelay $0x1  }
0x166: {  	v4 =	vadd.s32 v1, v4;
	_ =	sdelay $0x3  }
0x167: {  	v3 =	vperm.xlane v3, v2  }
0x168: {  	[tilespmem:s0], [sflag:$0x1] =	stream.indirect_vreg.gather [hbm4b:s4+s2], $0x80, v4, vm0, $0xb8;
	[tilespmem:$0x18200] =	vst v63  }
0x169: {  	s13 =	simm.s32 $0xA00;
	v3 =	vadd.s32 v1, v3  }
0x16a: {  	[tilespmem:s13], [sflag:$0x1] =	stream.indirect_vreg.gather [hbm4b:s5+s2], $0x80, v4, vm0, $0xb8;
	[tilespmem:$0x18200] =	vst v63  }
0x16b: {  	s13 =	simm.s32 $0x1200  }
0x16c: {  	[tilespmem:s13], [sflag:$0x1] =	stream.indirect_vreg.gather [hbm4b:s6+s2], $0x80, v4, vm0, $0xb8;
	[tilespmem:$0x18200] =	vst v63  }
0x16d: {  	s13 =	simm.s32 $0x1A00  }
0x16e: {  	[tilespmem:s13], [sflag:$0x1] =	stream.indirect_vreg.gather [hbm4b:s4+s2], $0x80, v3, vm0, $0xb8;
	[tilespmem:$0x18200] =	vst v63  }
0x16f: {  	s13 =	simm.s32 $0x2200  }
0x170: {  	[tilespmem:s13], [sflag:$0x1] =	stream.indirect_vreg.gather [hbm4b:s5+s2], $0x80, v3, vm0, $0xb8;
	[tilespmem:$0x18200] =	vst v63  }
0x171: {  	s13 =	simm.s32 $0x2A00  }
0x172: {  	[tilespmem:s13], [sflag:$0x1] =	stream.indirect_vreg.gather [hbm4b:s6+s2], $0x80, v3, vm0, $0xb8;
	[tilespmem:$0x18200] =	vst v63  }
0x173: {  	v3 =	vld [tilespmem:$0x110];
	_ =	sdelay $0x4  }
0x174: {  	v49 =	vshrl.u32 v3, $0x3  }
0x175: {  	v4 =	vmul.u32 $0x30, v49  }
0x176: {  	v3 =	vand.u32 $0x7, v3  }
0x177: {  	v3 =	vor.u32 v3, v4  }
0x178: {  	v4 =	vperm.xlane v3, v0;
	_ =	sdelay $0x1  }
0x179: {  	v4 =	vadd.s32 v1, v4;
	_ =	sdelay $0x3  }
0x17a: {  	s13 =	simm.s32 $0x3200;
	v3 =	vperm.xlane v3, v2  }
0x17b: {  	[tilespmem:s13], [sflag:$0x1] =	stream.indirect_vreg.gather [hbm4b:s4+s2], $0x80, v4, vm0, $0xb8;
	[tilespmem:$0x18200] =	vst v63  }
0x17c: {  	v3 =	vadd.s32 v1, v3;
	s13 =	simm.s32 $0x3A00  }
0x17d: {  	[tilespmem:s13], [sflag:$0x1] =	stream.indirect_vreg.gather [hbm4b:s5+s2], $0x80, v4, vm0, $0xb8;
	[tilespmem:$0x18200] =	vst v63  }
0x17e: {  	s13 =	simm.s32 $0x4200  }
0x17f: {  	[tilespmem:s13], [sflag:$0x1] =	stream.indirect_vreg.gather [hbm4b:s6+s2], $0x80, v4, vm0, $0xb8;
	[tilespmem:$0x18200] =	vst v63  }
0x180: {  	s13 =	simm.s32 $0x4A00  }
0x181: {  	[tilespmem:s13], [sflag:$0x1] =	stream.indirect_vreg.gather [hbm4b:s4+s2], $0x80, v3, vm0, $0xb8;
	[tilespmem:$0x18200] =	vst v63  }
0x182: {  	_ = 	snop  }
0x183: {  	[tilespmem:s26], [sflag:$0x1] =	stream.indirect_vreg.gather [hbm4b:s5+s2], $0x80, v3, vm0, $0xb8;
	[tilespmem:$0x18200] =	vst v63  }
0x184: {  	s13 =	simm.s32 $0x5A00  }
0x185: {  	[tilespmem:s13], [sflag:$0x1] =	stream.indirect_vreg.gather [hbm4b:s6+s2], $0x80, v3, vm0, $0xb8;
	[tilespmem:$0x18200] =	vst v63  }
0x186: {  	v3 =	vld [tilespmem:$0x120];
	_ =	sdelay $0x4  }
0x187: {  	v50 =	vshrl.u32 v3, $0x3  }
0x188: {  	v4 =	vmul.u32 $0x30, v50  }
0x189: {  	v3 =	vand.u32 $0x7, v3  }
0x18a: {  	v3 =	vor.u32 v3, v4  }
0x18b: {  	v4 =	vperm.xlane v3, v0;
	_ =	sdelay $0x1  }
0x18c: {  	v4 =	vadd.s32 v1, v4;
	_ =	sdelay $0x3  }
0x18d: {  	s13 =	simm.s32 $0x6200;
	v3 =	vperm.xlane v3, v2  }
0x18e: {  	[tilespmem:s13], [sflag:$0x1] =	stream.indirect_vreg.gather [hbm4b:s4+s2], $0x80, v4, vm0, $0xb8;
	[tilespmem:$0x18200] =	vst v63  }
0x18f: {  	v3 =	vadd.s32 v1, v3  }
0x190: {  	[tilespmem:s29], [sflag:$0x1] =	stream.indirect_vreg.gather [hbm4b:s5+s2], $0x80, v4, vm0, $0xb8;
	[tilespmem:$0x18200] =	vst v63  }
0x191: {  	_ = 	snop  }
0x192: {  	[tilespmem:s30], [sflag:$0x1] =	stream.indirect_vreg.gather [hbm4b:s6+s2], $0x80, v4, vm0, $0xb8;
	[tilespmem:$0x18200] =	vst v63  }
0x193: {  	s30 =	simm.s32 $0x7A00  }
0x194: {  	[tilespmem:s30], [sflag:$0x1] =	stream.indirect_vreg.gather [hbm4b:s4+s2], $0x80, v3, vm0, $0xb8;
	[tilespmem:$0x18200] =	vst v63  }
0x195: {  	s13 =	simm.s32 $0x8200  }
0x196: {  	[tilespmem:s13], [sflag:$0x1] =	stream.indirect_vreg.gather [hbm4b:s5+s2], $0x80, v3, vm0, $0xb8;
	[tilespmem:$0x18200] =	vst v63  }
0x197: {  	s30 =	simm.s32 $0x8A00  }
0x198: {  	[tilespmem:s30], [sflag:$0x1] =	stream.indirect_vreg.gather [hbm4b:s6+s2], $0x80, v3, vm0, $0xb8;
	[tilespmem:$0x18200] =	vst v63  }
0x199: {  	v3 =	vld [tilespmem:$0x130];
	_ =	sdelay $0x4  }
0x19a: {  	v51 =	vshrl.u32 v3, $0x3  }
0x19b: {  	v4 =	vmul.u32 $0x30, v51  }
0x19c: {  	v3 =	vand.u32 $0x7, v3  }
0x19d: {  	v3 =	vor.u32 v3, v4  }
0x19e: {  	v4 =	vperm.xlane v3, v0;
	_ =	sdelay $0x1  }
0x19f: {  	v4 =	vadd.s32 v1, v4;
	_ =	sdelay $0x3  }
0x1a0: {  	s13 =	simm.s32 $0x9200;
	v3 =	vperm.xlane v3, v2  }
0x1a1: {  	[tilespmem:s13], [sflag:$0x1] =	stream.indirect_vreg.gather [hbm4b:s4+s2], $0x80, v4, vm0, $0xb8;
	[tilespmem:$0x18200] =	vst v63  }
0x1a2: {  	v3 =	vadd.s32 v1, v3  }
0x1a3: {  	[tilespmem:s31], [sflag:$0x1] =	stream.indirect_vreg.gather [hbm4b:s5+s2], $0x80, v4, vm0, $0xb8;
	[tilespmem:$0x18200] =	vst v63  }
0x1a4: {  	_ = 	snop  }
0x1a5: {  	[tilespmem:s28], [sflag:$0x1] =	stream.indirect_vreg.gather [hbm4b:s6+s2], $0x80, v4, vm0, $0xb8;
	[tilespmem:$0x18200] =	vst v63  }
0x1a6: {  	_ = 	snop  }
0x1a7: {  	[tilespmem:s11], [sflag:$0x1] =	stream.indirect_vreg.gather [hbm4b:s4+s2], $0x80, v3, vm0, $0xb8;
	[tilespmem:$0x18200] =	vst v63  }
0x1a8: {  	_ = 	snop  }
0x1a9: {  	[tilespmem:s10], [sflag:$0x1] =	stream.indirect_vreg.gather [hbm4b:s5+s2], $0x80, v3, vm0, $0xb8;
	[tilespmem:$0x18200] =	vst v63  }
0x1aa: {  	s28 =	simm.s32 $0xBA00  }
0x1ab: {  	[tilespmem:s28], [sflag:$0x1] =	stream.indirect_vreg.gather [hbm4b:s6+s2], $0x80, v3, vm0, $0xb8;
	[tilespmem:$0x18200] =	vst v63  }
0x1ac: {  	s13 =	rddreg [dreg:$0x5];
	s10 =	simm.s32 $0xC200  }
0x1ad: {  	[hbm4b:s13+s2] =	stream.linear.scatter [tilespmem:s10], [sflag:$0x3], $0xC000, $0x38;
	[tilespmem:$0x18200] =	vst v63  }
0x1ae: {  	_ =	swait.ge [sflag:s8], $0xC000  }
0x1af: {  	[sflag:s8] =	ssyncset.done $0x0  }
0x1b0: {  	[sflag:s8] =	ssyncadd.s32 $0xFFFF4000  }
0x1b1: {  	_ =	swait.ge [sflag:s3], $0xC000  }
0x1b2: {  	[sflag:s3] =	ssyncset.done $0x0  }
0x1b3: {  	[sflag:s3] =	ssyncadd.s32 $0xFFFF4000  }
0x1b4: {  	v3 =	vld [tilespmem:$0x140];
	_ =	sdelay $0x4  }
0x1b5: {  	v52 =	vshrl.u32 v3, $0x3  }
0x1b6: {  	v4 =	vmul.u32 $0x30, v52  }
0x1b7: {  	v3 =	vand.u32 $0x7, v3  }
0x1b8: {  	v3 =	vor.u32 v3, v4  }
0x1b9: {  	v4 =	vperm.xlane v3, v0;
	_ =	sdelay $0x1  }
0x1ba: {  	v4 =	vadd.s32 v1, v4;
	_ =	sdelay $0x3  }
0x1bb: {  	v3 =	vperm.xlane v3, v2  }
0x1bc: {  	[tilespmem:s10], [sflag:$0x2] =	stream.indirect_vreg.gather [hbm4b:s4+s2], $0x80, v4, vm0, $0xb8;
	[tilespmem:$0x18200] =	vst v63  }
0x1bd: {  	s28 =	simm.s32 $0xCA00;
	v3 =	vadd.s32 v1, v3  }
0x1be: {  	[tilespmem:s28], [sflag:$0x2] =	stream.indirect_vreg.gather [hbm4b:s5+s2], $0x80, v4, vm0, $0xb8;
	[tilespmem:$0x18200] =	vst v63  }
0x1bf: {  	_ = 	snop  }
0x1c0: {  	[tilespmem:s1], [sflag:$0x2] =	stream.indirect_vreg.gather [hbm4b:s6+s2], $0x80, v4, vm0, $0xb8;
	[tilespmem:$0x18200] =	vst v63  }
0x1c1: {  	_ = 	snop  }
0x1c2: {  	[tilespmem:s9], [sflag:$0x2] =	stream.indirect_vreg.gather [hbm4b:s4+s2], $0x80, v3, vm0, $0xb8;
	[tilespmem:$0x18200] =	vst v63  }
0x1c3: {  	_ = 	snop  }
0x1c4: {  	[tilespmem:s14], [sflag:$0x2] =	stream.indirect_vreg.gather [hbm4b:s5+s2], $0x80, v3, vm0, $0xb8;
	[tilespmem:$0x18200] =	vst v63  }
0x1c5: {  	s13 =	simm.s32 $0xEA00  }
0x1c6: {  	[tilespmem:s13], [sflag:$0x2] =	stream.indirect_vreg.gather [hbm4b:s6+s2], $0x80, v3, vm0, $0xb8;
	[tilespmem:$0x18200] =	vst v63  }
0x1c7: {  	v3 =	vld [tilespmem:$0x150];
	_ =	sdelay $0x4  }
0x1c8: {  	v53 =	vshrl.u32 v3, $0x3  }
0x1c9: {  	v4 =	vmul.u32 $0x30, v53  }
0x1ca: {  	v3 =	vand.u32 $0x7, v3  }
0x1cb: {  	v3 =	vor.u32 v3, v4  }
0x1cc: {  	v4 =	vperm.xlane v3, v0;
	_ =	sdelay $0x1  }
0x1cd: {  	v4 =	vadd.s32 v1, v4;
	_ =	sdelay $0x3  }
0x1ce: {  	s14 =	simm.s32 $0xF200;
	v3 =	vperm.xlane v3, v2  }
0x1cf: {  	[tilespmem:s14], [sflag:$0x2] =	stream.indirect_vreg.gather [hbm4b:s4+s2], $0x80, v4, vm0, $0xb8;
	[tilespmem:$0x18200] =	vst v63  }
0x1d0: {  	v3 =	vadd.s32 v1, v3  }
0x1d1: {  	[tilespmem:s15], [sflag:$0x2] =	stream.indirect_vreg.gather [hbm4b:s5+s2], $0x80, v4, vm0, $0xb8;
	[tilespmem:$0x18200] =	vst v63  }
0x1d2: {  	_ = 	snop  }
0x1d3: {  	[tilespmem:s16], [sflag:$0x2] =	stream.indirect_vreg.gather [hbm4b:s6+s2], $0x80, v4, vm0, $0xb8;
	[tilespmem:$0x18200] =	vst v63  }
0x1d4: {  	_ = 	snop  }
0x1d5: {  	[tilespmem:s17], [sflag:$0x2] =	stream.indirect_vreg.gather [hbm4b:s4+s2], $0x80, v3, vm0, $0xb8;
	[tilespmem:$0x18200] =	vst v63  }
0x1d6: {  	_ = 	snop  }
0x1d7: {  	[tilespmem:s18], [sflag:$0x2] =	stream.indirect_vreg.gather [hbm4b:s5+s2], $0x80, v3, vm0, $0xb8;
	[tilespmem:$0x18200] =	vst v63  }
0x1d8: {  	s18 =	simm.s32 $0x11A00  }
0x1d9: {  	[tilespmem:s18], [sflag:$0x2] =	stream.indirect_vreg.gather [hbm4b:s6+s2], $0x80, v3, vm0, $0xb8;
	[tilespmem:$0x18200] =	vst v63  }
0x1da: {  	v3 =	vld [tilespmem:$0x160];
	_ =	sdelay $0x4  }
0x1db: {  	v54 =	vshrl.u32 v3, $0x3  }
0x1dc: {  	v4 =	vmul.u32 $0x30, v54  }
0x1dd: {  	v3 =	vand.u32 $0x7, v3  }
0x1de: {  	v3 =	vor.u32 v3, v4  }
0x1df: {  	v4 =	vperm.xlane v3, v0;
	_ =	sdelay $0x1  }
0x1e0: {  	v4 =	vadd.s32 v1, v4;
	_ =	sdelay $0x3  }
0x1e1: {  	s1 =	simm.s32 $0x12200;
	v3 =	vperm.xlane v3, v2  }
0x1e2: {  	[tilespmem:s1], [sflag:$0x2] =	stream.indirect_vreg.gather [hbm4b:s4+s2], $0x80, v4, vm0, $0xb8;
	[tilespmem:$0x18200] =	vst v63  }
0x1e3: {  	v3 =	vadd.s32 v1, v3  }
0x1e4: {  	[tilespmem:s19], [sflag:$0x2] =	stream.indirect_vreg.gather [hbm4b:s5+s2], $0x80, v4, vm0, $0xb8;
	[tilespmem:$0x18200] =	vst v63  }
0x1e5: {  	_ = 	snop  }
0x1e6: {  	[tilespmem:s20], [sflag:$0x2] =	stream.indirect_vreg.gather [hbm4b:s6+s2], $0x80, v4, vm0, $0xb8;
	[tilespmem:$0x18200] =	vst v63  }
0x1e7: {  	_ = 	snop  }
0x1e8: {  	[tilespmem:s21], [sflag:$0x2] =	stream.indirect_vreg.gather [hbm4b:s4+s2], $0x80, v3, vm0, $0xb8;
	[tilespmem:$0x18200] =	vst v63  }
0x1e9: {  	_ = 	snop  }
0x1ea: {  	[tilespmem:s22], [sflag:$0x2] =	stream.indirect_vreg.gather [hbm4b:s5+s2], $0x80, v3, vm0, $0xb8;
	[tilespmem:$0x18200] =	vst v63  }
0x1eb: {  	s13 =	simm.s32 $0x14A00  }
0x1ec: {  	[tilespmem:s13], [sflag:$0x2] =	stream.indirect_vreg.gather [hbm4b:s6+s2], $0x80, v3, vm0, $0xb8;
	[tilespmem:$0x18200] =	vst v63  }
0x1ed: {  	v3 =	vld [tilespmem:$0x170];
	_ =	sdelay $0x4  }
0x1ee: {  	v55 =	vshrl.u32 v3, $0x3  }
0x1ef: {  	v4 =	vmul.u32 $0x30, v55  }
0x1f0: {  	v3 =	vand.u32 $0x7, v3  }
0x1f1: {  	v3 =	vor.u32 v3, v4  }
0x1f2: {  	v4 =	vperm.xlane v3, v0;
	_ =	sdelay $0x1  }
0x1f3: {  	v4 =	vadd.s32 v1, v4;
	_ =	sdelay $0x3  }
0x1f4: {  	s22 =	simm.s32 $0x15200;
	v3 =	vperm.xlane v3, v2  }
0x1f5: {  	[tilespmem:s22], [sflag:$0x2] =	stream.indirect_vreg.gather [hbm4b:s4+s2], $0x80, v4, vm0, $0xb8;
	[tilespmem:$0x18200] =	vst v63  }
0x1f6: {  	v3 =	vadd.s32 v1, v3  }
0x1f7: {  	[tilespmem:s23], [sflag:$0x2] =	stream.indirect_vreg.gather [hbm4b:s5+s2], $0x80, v4, vm0, $0xb8;
	[tilespmem:$0x18200] =	vst v63  }
0x1f8: {  	_ = 	snop  }
0x1f9: {  	[tilespmem:s24], [sflag:$0x2] =	stream.indirect_vreg.gather [hbm4b:s6+s2], $0x80, v4, vm0, $0xb8;
	[tilespmem:$0x18200] =	vst v63  }
0x1fa: {  	_ = 	snop  }
0x1fb: {  	[tilespmem:s25], [sflag:$0x2] =	stream.indirect_vreg.gather [hbm4b:s4+s2], $0x80, v3, vm0, $0xb8;
	[tilespmem:$0x18200] =	vst v63  }
0x1fc: {  	s0 =	simm.s32 $0x17200  }
0x1fd: {  	[tilespmem:s0], [sflag:$0x2] =	stream.indirect_vreg.gather [hbm4b:s5+s2], $0x80, v3, vm0, $0xb8;
	[tilespmem:$0x18200] =	vst v63  }
0x1fe: {  	s25 =	simm.s32 $0x17A00  }
0x1ff: {  	[tilespmem:s25], [sflag:$0x2] =	stream.indirect_vreg.gather [hbm4b:s6+s2], $0x80, v3, vm0, $0xb8;
	[tilespmem:$0x18200] =	vst v63  }
0x200: {  	s1 =	simm.s32 $0x200;
	s13 =	rddreg [dreg:$0x6]  }
0x201: {  	[hbm4b:s13+s2] =	stream.linear.scatter [tilespmem:s1], [sflag:$0x3], $0xC000, $0x38;
	[tilespmem:$0x18200] =	vst v63  }
0x202: {  	_ =	swait.ge [sflag:s8], $0xC000  }
0x203: {  	[sflag:s8] =	ssyncset.done $0x0  }
0x204: {  	[sflag:s8] =	ssyncadd.s32 $0xFFFF4000  }
0x205: {  	_ =	swait.ge [sflag:s12], $0xC000  }
0x206: {  	[sflag:s12] =	ssyncset.done $0x0  }
0x207: {  	[sflag:s12] =	ssyncadd.s32 $0xFFFF4000  }
0x208: {  	v3 =	vld [tilespmem:$0x180];
	_ =	sdelay $0x4  }
0x209: {  	v56 =	vshrl.u32 v3, $0x3  }
0x20a: {  	v4 =	vmul.u32 $0x30, v56  }
0x20b: {  	v3 =	vand.u32 $0x7, v3  }
0x20c: {  	v3 =	vor.u32 v3, v4  }
0x20d: {  	v4 =	vperm.xlane v3, v0;
	_ =	sdelay $0x1  }
0x20e: {  	v4 =	vadd.s32 v1, v4;
	_ =	sdelay $0x3  }
0x20f: {  	v3 =	vperm.xlane v3, v2  }
0x210: {  	[tilespmem:s1], [sflag:$0x1] =	stream.indirect_vreg.gather [hbm4b:s4+s2], $0x80, v4, vm0, $0xb8;
	[tilespmem:$0x18200] =	vst v63  }
0x211: {  	s13 =	simm.s32 $0xA00;
	v3 =	vadd.s32 v1, v3  }
0x212: {  	[tilespmem:s13], [sflag:$0x1] =	stream.indirect_vreg.gather [hbm4b:s5+s2], $0x80, v4, vm0, $0xb8;
	[tilespmem:$0x18200] =	vst v63  }
0x213: {  	s13 =	simm.s32 $0x1200  }
0x214: {  	[tilespmem:s13], [sflag:$0x1] =	stream.indirect_vreg.gather [hbm4b:s6+s2], $0x80, v4, vm0, $0xb8;
	[tilespmem:$0x18200] =	vst v63  }
0x215: {  	s13 =	simm.s32 $0x1A00  }
0x216: {  	[tilespmem:s13], [sflag:$0x1] =	stream.indirect_vreg.gather [hbm4b:s4+s2], $0x80, v3, vm0, $0xb8;
	[tilespmem:$0x18200] =	vst v63  }
0x217: {  	s13 =	simm.s32 $0x2200  }
0x218: {  	[tilespmem:s13], [sflag:$0x1] =	stream.indirect_vreg.gather [hbm4b:s5+s2], $0x80, v3, vm0, $0xb8;
	[tilespmem:$0x18200] =	vst v63  }
0x219: {  	s13 =	simm.s32 $0x2A00  }
0x21a: {  	[tilespmem:s13], [sflag:$0x1] =	stream.indirect_vreg.gather [hbm4b:s6+s2], $0x80, v3, vm0, $0xb8;
	[tilespmem:$0x18200] =	vst v63  }
0x21b: {  	v3 =	vld [tilespmem:$0x190];
	_ =	sdelay $0x4  }
0x21c: {  	v57 =	vshrl.u32 v3, $0x3  }
0x21d: {  	v4 =	vmul.u32 $0x30, v57  }
0x21e: {  	v3 =	vand.u32 $0x7, v3  }
0x21f: {  	v3 =	vor.u32 v3, v4  }
0x220: {  	v4 =	vperm.xlane v3, v0;
	_ =	sdelay $0x1  }
0x221: {  	v4 =	vadd.s32 v1, v4;
	_ =	sdelay $0x3  }
0x222: {  	s13 =	simm.s32 $0x3200;
	v3 =	vperm.xlane v3, v2  }
0x223: {  	[tilespmem:s13], [sflag:$0x1] =	stream.indirect_vreg.gather [hbm4b:s4+s2], $0x80, v4, vm0, $0xb8;
	[tilespmem:$0x18200] =	vst v63  }
0x224: {  	v3 =	vadd.s32 v1, v3;
	s13 =	simm.s32 $0x3A00  }
0x225: {  	[tilespmem:s13], [sflag:$0x1] =	stream.indirect_vreg.gather [hbm4b:s5+s2], $0x80, v4, vm0, $0xb8;
	[tilespmem:$0x18200] =	vst v63  }
0x226: {  	s13 =	simm.s32 $0x4200  }
0x227: {  	[tilespmem:s13], [sflag:$0x1] =	stream.indirect_vreg.gather [hbm4b:s6+s2], $0x80, v4, vm0, $0xb8;
	[tilespmem:$0x18200] =	vst v63  }
0x228: {  	s13 =	simm.s32 $0x4A00  }
0x229: {  	[tilespmem:s13], [sflag:$0x1] =	stream.indirect_vreg.gather [hbm4b:s4+s2], $0x80, v3, vm0, $0xb8;
	[tilespmem:$0x18200] =	vst v63  }
0x22a: {  	s26 =	simm.s32 $0x5200  }
0x22b: {  	[tilespmem:s26], [sflag:$0x1] =	stream.indirect_vreg.gather [hbm4b:s5+s2], $0x80, v3, vm0, $0xb8;
	[tilespmem:$0x18200] =	vst v63  }
0x22c: {  	s26 =	simm.s32 $0x5A00  }
0x22d: {  	[tilespmem:s26], [sflag:$0x1] =	stream.indirect_vreg.gather [hbm4b:s6+s2], $0x80, v3, vm0, $0xb8;
	[tilespmem:$0x18200] =	vst v63  }
0x22e: {  	v3 =	vld [tilespmem:$0x1A0];
	_ =	sdelay $0x4  }
0x22f: {  	v58 =	vshrl.u32 v3, $0x3  }
0x230: {  	v4 =	vmul.u32 $0x30, v58  }
0x231: {  	v3 =	vand.u32 $0x7, v3  }
0x232: {  	v3 =	vor.u32 v3, v4  }
0x233: {  	v4 =	vperm.xlane v3, v0;
	_ =	sdelay $0x1  }
0x234: {  	v4 =	vadd.s32 v1, v4;
	_ =	sdelay $0x3  }
0x235: {  	s26 =	simm.s32 $0x6200;
	v3 =	vperm.xlane v3, v2  }
0x236: {  	[tilespmem:s26], [sflag:$0x1] =	stream.indirect_vreg.gather [hbm4b:s4+s2], $0x80, v4, vm0, $0xb8;
	[tilespmem:$0x18200] =	vst v63  }
0x237: {  	v3 =	vadd.s32 v1, v3;
	s26 =	simm.s32 $0x6A00  }
0x238: {  	[tilespmem:s26], [sflag:$0x1] =	stream.indirect_vreg.gather [hbm4b:s5+s2], $0x80, v4, vm0, $0xb8;
	[tilespmem:$0x18200] =	vst v63  }
0x239: {  	s29 =	simm.s32 $0x7200  }
0x23a: {  	[tilespmem:s29], [sflag:$0x1] =	stream.indirect_vreg.gather [hbm4b:s6+s2], $0x80, v4, vm0, $0xb8;
	[tilespmem:$0x18200] =	vst v63  }
0x23b: {  	s26 =	simm.s32 $0x7A00  }
0x23c: {  	[tilespmem:s26], [sflag:$0x1] =	stream.indirect_vreg.gather [hbm4b:s4+s2], $0x80, v3, vm0, $0xb8;
	[tilespmem:$0x18200] =	vst v63  }
0x23d: {  	s29 =	simm.s32 $0x8200  }
0x23e: {  	[tilespmem:s29], [sflag:$0x1] =	stream.indirect_vreg.gather [hbm4b:s5+s2], $0x80, v3, vm0, $0xb8;
	[tilespmem:$0x18200] =	vst v63  }
0x23f: {  	s26 =	simm.s32 $0x8A00  }
0x240: {  	[tilespmem:s26], [sflag:$0x1] =	stream.indirect_vreg.gather [hbm4b:s6+s2], $0x80, v3, vm0, $0xb8;
	[tilespmem:$0x18200] =	vst v63  }
0x241: {  	v3 =	vld [tilespmem:$0x1B0];
	_ =	sdelay $0x4  }
0x242: {  	v59 =	vshrl.u32 v3, $0x3  }
0x243: {  	v4 =	vmul.u32 $0x30, v59  }
0x244: {  	v3 =	vand.u32 $0x7, v3  }
0x245: {  	v3 =	vor.u32 v3, v4  }
0x246: {  	v4 =	vperm.xlane v3, v0;
	_ =	sdelay $0x1  }
0x247: {  	v4 =	vadd.s32 v1, v4;
	_ =	sdelay $0x3  }
0x248: {  	s29 =	simm.s32 $0x9200;
	v3 =	vperm.xlane v3, v2  }
0x249: {  	[tilespmem:s29], [sflag:$0x1] =	stream.indirect_vreg.gather [hbm4b:s4+s2], $0x80, v4, vm0, $0xb8;
	[tilespmem:$0x18200] =	vst v63  }
0x24a: {  	s30 =	simm.s32 $0x9A00;
	v3 =	vadd.s32 v1, v3  }
0x24b: {  	[tilespmem:s30], [sflag:$0x1] =	stream.indirect_vreg.gather [hbm4b:s5+s2], $0x80, v4, vm0, $0xb8;
	[tilespmem:$0x18200] =	vst v63  }
0x24c: {  	s31 =	simm.s32 $0xA200  }
0x24d: {  	[tilespmem:s31], [sflag:$0x1] =	stream.indirect_vreg.gather [hbm4b:s6+s2], $0x80, v4, vm0, $0xb8;
	[tilespmem:$0x18200] =	vst v63  }
0x24e: {  	s11 =	simm.s32 $0xAA00  }
0x24f: {  	[tilespmem:s11], [sflag:$0x1] =	stream.indirect_vreg.gather [hbm4b:s4+s2], $0x80, v3, vm0, $0xb8;
	[tilespmem:$0x18200] =	vst v63  }
0x250: {  	s13 =	simm.s32 $0xB200  }
0x251: {  	[tilespmem:s13], [sflag:$0x1] =	stream.indirect_vreg.gather [hbm4b:s5+s2], $0x80, v3, vm0, $0xb8;
	[tilespmem:$0x18200] =	vst v63  }
0x252: {  	s29 =	simm.s32 $0xBA00  }
0x253: {  	[tilespmem:s29], [sflag:$0x1] =	stream.indirect_vreg.gather [hbm4b:s6+s2], $0x80, v3, vm0, $0xb8;
	[tilespmem:$0x18200] =	vst v63  }
0x254: {  	s10 =	simm.s32 $0xC200;
	s26 =	rddreg [dreg:$0x7]  }
0x255: {  	[hbm4b:s26+s2] =	stream.linear.scatter [tilespmem:s10], [sflag:$0x3], $0xC000, $0x38;
	[tilespmem:$0x18200] =	vst v63  }
0x256: {  	_ =	swait.ge [sflag:s8], $0xC000  }
0x257: {  	[sflag:s8] =	ssyncset.done $0x0  }
0x258: {  	[sflag:s8] =	ssyncadd.s32 $0xFFFF4000  }
0x259: {  	_ =	swait.ge [sflag:s3], $0xC000  }
0x25a: {  	[sflag:s3] =	ssyncset.done $0x0  }
0x25b: {  	[sflag:s3] =	ssyncadd.s32 $0xFFFF4000  }
0x25c: {  	v3 =	vld [tilespmem:$0x1C0];
	_ =	sdelay $0x4  }
0x25d: {  	v60 =	vshrl.u32 v3, $0x3  }
0x25e: {  	v4 =	vmul.u32 $0x30, v60  }
0x25f: {  	v3 =	vand.u32 $0x7, v3  }
0x260: {  	v3 =	vor.u32 v3, v4  }
0x261: {  	v4 =	vperm.xlane v3, v0;
	_ =	sdelay $0x1  }
0x262: {  	v4 =	vadd.s32 v1, v4;
	_ =	sdelay $0x3  }
0x263: {  	v3 =	vperm.xlane v3, v2  }
0x264: {  	[tilespmem:s10], [sflag:$0x2] =	stream.indirect_vreg.gather [hbm4b:s4+s2], $0x80, v4, vm0, $0xb8;
	[tilespmem:$0x18200] =	vst v63  }
0x265: {  	s30 =	simm.s32 $0xCA00;
	v3 =	vadd.s32 v1, v3  }
0x266: {  	[tilespmem:s30], [sflag:$0x2] =	stream.indirect_vreg.gather [hbm4b:s5+s2], $0x80, v4, vm0, $0xb8;
	[tilespmem:$0x18200] =	vst v63  }
0x267: {  	s31 =	simm.s32 $0xD200  }
0x268: {  	[tilespmem:s31], [sflag:$0x2] =	stream.indirect_vreg.gather [hbm4b:s6+s2], $0x80, v4, vm0, $0xb8;
	[tilespmem:$0x18200] =	vst v63  }
0x269: {  	s9 =	simm.s32 $0xDA00  }
0x26a: {  	[tilespmem:s9], [sflag:$0x2] =	stream.indirect_vreg.gather [hbm4b:s4+s2], $0x80, v3, vm0, $0xb8;
	[tilespmem:$0x18200] =	vst v63  }
0x26b: {  	s28 =	simm.s32 $0xE200  }
0x26c: {  	[tilespmem:s28], [sflag:$0x2] =	stream.indirect_vreg.gather [hbm4b:s5+s2], $0x80, v3, vm0, $0xb8;
	[tilespmem:$0x18200] =	vst v63  }
0x26d: {  	s11 =	simm.s32 $0xEA00  }
0x26e: {  	[tilespmem:s11], [sflag:$0x2] =	stream.indirect_vreg.gather [hbm4b:s6+s2], $0x80, v3, vm0, $0xb8;
	[tilespmem:$0x18200] =	vst v63  }
0x26f: {  	v3 =	vld [tilespmem:$0x1D0];
	_ =	sdelay $0x4  }
0x270: {  	v61 =	vshrl.u32 v3, $0x3  }
0x271: {  	v4 =	vmul.u32 $0x30, v61  }
0x272: {  	v3 =	vand.u32 $0x7, v3  }
0x273: {  	v3 =	vor.u32 v3, v4  }
0x274: {  	v4 =	vperm.xlane v3, v0;
	_ =	sdelay $0x1  }
0x275: {  	v4 =	vadd.s32 v1, v4;
	_ =	sdelay $0x3  }
0x276: {  	s13 =	simm.s32 $0xF200;
	v3 =	vperm.xlane v3, v2  }
0x277: {  	[tilespmem:s13], [sflag:$0x2] =	stream.indirect_vreg.gather [hbm4b:s4+s2], $0x80, v4, vm0, $0xb8;
	[tilespmem:$0x18200] =	vst v63  }
0x278: {  	s14 =	simm.s32 $0xFA00;
	v3 =	vadd.s32 v1, v3  }
0x279: {  	[tilespmem:s14], [sflag:$0x2] =	stream.indirect_vreg.gather [hbm4b:s5+s2], $0x80, v4, vm0, $0xb8;
	[tilespmem:$0x18200] =	vst v63  }
0x27a: {  	s15 =	simm.s32 $0x10200  }
0x27b: {  	[tilespmem:s15], [sflag:$0x2] =	stream.indirect_vreg.gather [hbm4b:s6+s2], $0x80, v4, vm0, $0xb8;
	[tilespmem:$0x18200] =	vst v63  }
0x27c: {  	s16 =	simm.s32 $0x10A00  }
0x27d: {  	[tilespmem:s16], [sflag:$0x2] =	stream.indirect_vreg.gather [hbm4b:s4+s2], $0x80, v3, vm0, $0xb8;
	[tilespmem:$0x18200] =	vst v63  }
0x27e: {  	s17 =	simm.s32 $0x11200  }
0x27f: {  	[tilespmem:s17], [sflag:$0x2] =	stream.indirect_vreg.gather [hbm4b:s5+s2], $0x80, v3, vm0, $0xb8;
	[tilespmem:$0x18200] =	vst v63  }
0x280: {  	s17 =	simm.s32 $0x11A00  }
0x281: {  	[tilespmem:s17], [sflag:$0x2] =	stream.indirect_vreg.gather [hbm4b:s6+s2], $0x80, v3, vm0, $0xb8;
	[tilespmem:$0x18200] =	vst v63  }
0x282: {  	v3 =	vld [tilespmem:$0x1E0];
	_ =	sdelay $0x4  }
0x283: {  	v62 =	vshrl.u32 v3, $0x3  }
0x284: {  	v4 =	vmul.u32 $0x30, v62  }
0x285: {  	v3 =	vand.u32 $0x7, v3  }
0x286: {  	v3 =	vor.u32 v3, v4  }
0x287: {  	v4 =	vperm.xlane v3, v0;
	_ =	sdelay $0x1  }
0x288: {  	v4 =	vadd.s32 v1, v4;
	_ =	sdelay $0x3  }
0x289: {  	s26 =	simm.s32 $0x12200;
	v3 =	vperm.xlane v3, v2  }
0x28a: {  	[tilespmem:s26], [sflag:$0x2] =	stream.indirect_vreg.gather [hbm4b:s4+s2], $0x80, v4, vm0, $0xb8;
	[tilespmem:$0x18200] =	vst v63  }
0x28b: {  	s18 =	simm.s32 $0x12A00;
	v3 =	vadd.s32 v1, v3  }
0x28c: {  	[tilespmem:s18], [sflag:$0x2] =	stream.indirect_vreg.gather [hbm4b:s5+s2], $0x80, v4, vm0, $0xb8;
	[tilespmem:$0x18200] =	vst v63  }
0x28d: {  	s19 =	simm.s32 $0x13200  }
0x28e: {  	[tilespmem:s19], [sflag:$0x2] =	stream.indirect_vreg.gather [hbm4b:s6+s2], $0x80, v4, vm0, $0xb8;
	[tilespmem:$0x18200] =	vst v63  }
0x28f: {  	s20 =	simm.s32 $0x13A00  }
0x290: {  	[tilespmem:s20], [sflag:$0x2] =	stream.indirect_vreg.gather [hbm4b:s4+s2], $0x80, v3, vm0, $0xb8;
	[tilespmem:$0x18200] =	vst v63  }
0x291: {  	s21 =	simm.s32 $0x14200  }
0x292: {  	[tilespmem:s21], [sflag:$0x2] =	stream.indirect_vreg.gather [hbm4b:s5+s2], $0x80, v3, vm0, $0xb8;
	[tilespmem:$0x18200] =	vst v63  }
0x293: {  	s28 =	simm.s32 $0x14A00  }
0x294: {  	[tilespmem:s28], [sflag:$0x2] =	stream.indirect_vreg.gather [hbm4b:s6+s2], $0x80, v3, vm0, $0xb8;
	[tilespmem:$0x18200] =	vst v63  }
0x295: {  	v3 =	vld [tilespmem:$0x1F0];
	_ =	sdelay $0x4  }
0x296: {  	v63 =	vshrl.u32 v3, $0x3  }
0x297: {  	v4 =	vmul.u32 $0x30, v63  }
0x298: {  	v3 =	vand.u32 $0x7, v3  }
0x299: {  	v3 =	vor.u32 v3, v4  }
0x29a: {  	v4 =	vperm.xlane v3, v0;
	_ =	sdelay $0x1  }
0x29b: {  	v4 =	vadd.s32 v1, v4;
	_ =	sdelay $0x3  }
0x29c: {  	s29 =	simm.s32 $0x15200;
	v3 =	vperm.xlane v3, v2  }
0x29d: {  	[tilespmem:s29], [sflag:$0x2] =	stream.indirect_vreg.gather [hbm4b:s4+s2], $0x80, v4, vm0, $0xb8;
	[tilespmem:$0x18200] =	vst v63  }
0x29e: {  	s22 =	simm.s32 $0x15A00;
	v3 =	vadd.s32 v1, v3  }
0x29f: {  	[tilespmem:s22], [sflag:$0x2] =	stream.indirect_vreg.gather [hbm4b:s5+s2], $0x80, v4, vm0, $0xb8;
	[tilespmem:$0x18200] =	vst v63  }
0x2a0: {  	s23 =	simm.s32 $0x16200  }
0x2a1: {  	[tilespmem:s23], [sflag:$0x2] =	stream.indirect_vreg.gather [hbm4b:s6+s2], $0x80, v4, vm0, $0xb8;
	[tilespmem:$0x18200] =	vst v63  }
0x2a2: {  	s24 =	simm.s32 $0x16A00  }
0x2a3: {  	[tilespmem:s24], [sflag:$0x2] =	stream.indirect_vreg.gather [hbm4b:s4+s2], $0x80, v3, vm0, $0xb8;
	[tilespmem:$0x18200] =	vst v63  }
0x2a4: {  	_ = 	snop  }
0x2a5: {  	[tilespmem:s0], [sflag:$0x2] =	stream.indirect_vreg.gather [hbm4b:s5+s2], $0x80, v3, vm0, $0xb8;
	[tilespmem:$0x18200] =	vst v63  }
0x2a6: {  	_ = 	snop  }
0x2a7: {  	[tilespmem:s25], [sflag:$0x2] =	stream.indirect_vreg.gather [hbm4b:s6+s2], $0x80, v3, vm0, $0xb8;
	[tilespmem:$0x18200] =	vst v63  }
0x2a8: {  	s1 =	simm.s32 $0x200;
	s30 =	rddreg [dreg:$0x8]  }
0x2a9: {  	[hbm4b:s30+s2] =	stream.linear.scatter [tilespmem:s1], [sflag:$0x3], $0xC000, $0x38;
	[tilespmem:$0x18200] =	vst v63  }
0x2aa: {  	_ =	swait.ge [sflag:s8], $0xC000  }
0x2ab: {  	[sflag:s8] =	ssyncset.done $0x0  }
0x2ac: {  	[sflag:s8] =	ssyncadd.s32 $0xFFFF4000  }
0x2ad: {  	_ =	swait.ge [sflag:s12], $0xC000  }
0x2ae: {  	p0 =	sne.s32 s7, $0x1;
	[sflag:s12] =	ssyncset.done $0x0  }
.Ltmp0:
0x2af: {  	s31 =	rddreg [dreg:$0x9];
	[sflag:s12] =	ssyncadd.s32 $0xFFFF4000;
	(pc) =	sbr.rel @p0 .LBB2_1-.Ltmp0, $4  }
0x2b0: {  	[hbm4b:s31+s2] =	stream.linear.scatter [tilespmem:s10], [sflag:$0x3], $0xC000, $0x38;
	[tilespmem:$0x18200] =	vst v63  }
0x2b1: {  	_ =	swait.ge [sflag:s8], $0xC000  }
0x2b2: {  	[sflag:s8] =	ssyncset.done $0x0  }
0x2b3: {  	s7 =	sadd.s32 $0xFFFFFFFF, s7;
	[sflag:s8] =	ssyncadd.s32 $0xFFFF4000  }
0x2b4: {  	_ =	sfence.sel $0x180000  }
0x2b5: {  	[bflag:$0x0] =	sbarrier.arrive $0xFFFF  }
0x2b6: {  	_ =	strace $0x9000004A  }
0x2b7: {  	s0 =	stileid.u32;
	[bflag:$0x2] =	sbarrier.arrive $0xFFFF  }
0x2b8: {  	p0 =	sne.s32 s0, $0x0;
	s0 =	rddreg [dreg:$0x1]  }
0x2b9: {  	s0 =	sadd.s32 @!p0 $0x100000, s0  }
0x2ba: {  	[sflag:s0] =	ssyncadd.tile.s32 @!p0 $0x1;
	_ =	shalt  }
.Lfunc_end2:
_tile_overlayer_lowered:
.L_overlay_start_2:
0x2bb: {  	(tag) =	ssettag $0x2  }
0x2bc: {  	s0 =	rddreg [dreg:$0x0];
	s2 =	stileid.u32  }
0x2bd: {  	s1 =	rddreg [dreg:$0x1];
	p0 =	sne.s32 s2, $0x0  }
0x2be: {  	s3 =	rddreg [dreg:$0x2];
	[bflag:$0x3] =	sbarrier.arrive $0xFFFF;
	s2 =	simm.s32 @!p0 $0x1C03  }
0x2bf: {  	[timem:s3], [sflag:s2] =	dma.local @!p0 [hbm:s0], s1  }
0x2c0: {  	s0 =	simm.s32 @!p0 $0x3  }
0x2c1: {  	_ =	swait.ge @!p0 [sflag:s0], s1  }
0x2c2: {  	s1 =	ssub.s32 @!p0 $0x0, s1;
	[sflag:s0] =	ssyncset.done @!p0 $0x0  }
0x2c3: {  	[sflag:s0] =	ssyncadd.s32 @!p0 s1  }
0x2c4: {  	[bflag:$0x3] =	sbarrier.arrive $0xFFFF  }
0x2c5: {  	_ =	shalt  }

// kernel: kernel.8.cloned.1.call-start
scs
__scs_entry_jumppad:
0x0: {  	(pc) =	sbr.rel $0x88, $3  }
0x1: {  	(tag) =	ssettag $0x0;
	lr =	simm.s32 $0x1  }
0x2: {  	[smem:$0x3F9B] =	sst lr;
	_ =	strace $0xD0000000  }
0x3: {  	_ = 	snop  }
0x4: {  	_ = 	snop  }
0x5: {  	_ = 	snop  }
0x6: {  	_ = 	snop  }
0x7: {  	_ = 	snop  }
__scs_overlays_trampoline_lowered:
0x8: {  	[smem:$0x3FAA] =	sst s0  }
0x9: {  	[smem:$0x3FAB] =	sst s1  }
0xa: {  	[smem:$0x3FAC] =	sst s2  }
0xb: {  	[smem:$0x3FAD] =	sst s3  }
0xc: {  	[smem:$0x3FAE] =	sst s4  }
0xd: {  	[smem:$0x3FAF] =	sst s5  }
0xe: {  	[smem:$0x3FB0] =	sst s6  }
0xf: {  	[smem:$0x3FB1] =	sst s7  }
0x10: {  	[smem:$0x3FB2] =	sst s8  }
0x11: {  	[smem:$0x3FB3] =	sst s9;
	s0 =	simm.s32 @!p0 $0x0  }
0x12: {  	s1 =	sld [smem:$0x3F99];
	s0 =	simm.s32 @p0 $0x1  }
0x13: {  	[smem:$0x3FB4] =	sst s0;
	s0 =	simm.s32 @!p1 $0x0  }
0x14: {  	s2 =	sld [smem:$0x3F98];
	s0 =	simm.s32 @p1 $0x1  }
0x15: {  	[smem:$0x3FB5] =	sst s0;
	s0 =	simm.s32 @!p2 $0x0  }
0x16: {  	s3 =	sld [smem:$0x3FDB];
	s0 =	simm.s32 @p2 $0x1  }
0x17: {  	s4 =	simm.s32 $0x1BF5;
	[smem:$0x3FB7] =	sst s0  }
0x18: {  	s0 =	sld [smem:$0x3F9A];
	_ =	swait.ge [sflag:s4], $0x0  }
0x19: {  	s7 =	sld [smem:$0x3F9B]  }
0x1a: {  	s8 =	sadd.s32 $0xFFFFE003, lr  }
0x1b: {  	s9 =	sadd.s32 $0xFFFFFEF7, lr;
	s5 =	simm.s32 $0xFFFFFFFF;
	p2 =	slt.u32 s8, $0xFFFFF086  }
0x1c: {  	p1 =	slt.u32 s9, $0xF7A;
	s5 =	simm.s32 @!p2 $0x0  }
0x1d: {  	s5 =	simm.s32 @p1 $0x1;
	p0 =	seq.s32 s7, s2  }
0x1e: {  	s7 =	smul.u32 @!p0 $0xF7A, s2;
	p2 =	seq.s32 @!p0 s5, $0x0  }
0x1f: {  	s9 =	smul.u32 $0xF7A, s1;
	s8 =	simm.s32 @!p0 $0x1BF5;
	p2 =	por !p2, p0  }
0x20: {  	[sflag:s8] =	ssyncset.s32 @!p0 $0xFFFFF086;
	s6 =	sadd.s32 @!p0 s3, s7;
	s7 =	simm.s32 @!p0 $0x108  }
0x21: {  	s3 =	sadd.s32 s3, s9;
	s6 =	sadd.s32 @!p0 $0x88, s6;
	s7 =	simm.s32 @p2 $0x1082  }
0x22: {  	[simem:s7], [sflag:s8] =	dma.local @!p0 [hbm:s6], $0xF7A  }
0x23: {  	s9 =	sor.u32 $0xD0000000, s2;
	s6 =	simm.s32 $0x108;
	_ =	swait.ge @!p0 [sflag:s8], $0x0  }
0x24: {  	s3 =	sadd.s32 $0x88, s3;
	s6 =	simm.s32 @!p1 $0x1082;
	[sflag:s4] =	ssyncset.s32 $0xFFFFF086  }
0x25: {  	[simem:s6], [sflag:s4] =	dma.local [hbm:s3], $0xF7A  }
0x26: {  	[smem:$0x3F9B] =	sst s1;
	(tag) =	ssettag s2;
	_ =	strace s9  }
0x27: {  	s1 =	sld [smem:$0x3FAB]  }
0x28: {  	s2 =	sld [smem:$0x3FAC]  }
0x29: {  	s4 =	sld [smem:$0x3FAE]  }
0x2a: {  	p0 =	seq.s32 s5, $0x0;
	s5 =	sld [smem:$0x3FAF]  }
0x2b: {  	s6 =	sld [smem:$0x3FB0]  }
0x2c: {  	s7 =	sld [smem:$0x3FB1]  }
0x2d: {  	s3 =	simm.s32 $0x108;
	s8 =	sld [smem:$0x3FB2]  }
0x2e: {  	s3 =	simm.s32 @!p0 $0x1082;
	s9 =	sld [smem:$0x3FB3]  }
0x2f: {  	lr =	sadd.s32 s0, s3;
	s0 =	sld [smem:$0x3FAA]  }
0x30: {  	s3 =	sld [smem:$0x3FAD]  }
0x31: {  	[smem:$0x3FB6] =	sst s10  }
0x32: {  	s10 =	sld [smem:$0x3FB4];
	_ =	sdelay $0x3  }
0x33: {  	p0 =	seq.s32 s10, $0x1;
	s10 =	sld [smem:$0x3FB6];
	_ =	sdelay $0x3  }
0x34: {  	[smem:$0x3FB6] =	sst s10  }
0x35: {  	s10 =	sld [smem:$0x3FB5];
	_ =	sdelay $0x3  }
0x36: {  	p1 =	seq.s32 s10, $0x1;
	s10 =	sld [smem:$0x3FB6];
	_ =	sdelay $0x3  }
0x37: {  	[smem:$0x3FB6] =	sst s10  }
0x38: {  	s10 =	sld [smem:$0x3FB7]  }
0x39: {  	_ = 	snop;
	(pc) =	sbr.ind lr, $3  }
0x3a: {  	_ = 	snop  }
0x3b: {  	_ = 	snop  }
0x3c: {  	p2 =	seq.s32 s10, $0x1;
	s10 =	sld [smem:$0x3FB6]  }
0x3d: {  	_ =	shalt  }
0x3e: {  	_ =	shalt  }
0x3f: {  	_ =	shalt  }
0x40: {  	_ =	shalt  }
0x41: {  	_ =	shalt  }
0x42: {  	_ =	shalt  }
0x43: {  	_ =	shalt  }
0x44: {  	_ =	shalt  }
0x45: {  	_ =	shalt  }
0x46: {  	_ =	shalt  }
0x47: {  	_ =	shalt  }
0x48: {  	_ =	shalt  }
0x49: {  	_ =	shalt  }
0x4a: {  	_ =	shalt  }
0x4b: {  	_ =	shalt  }
0x4c: {  	_ =	shalt  }
0x4d: {  	_ =	shalt  }
0x4e: {  	_ =	shalt  }
0x4f: {  	_ =	shalt  }
0x50: {  	_ =	shalt  }
0x51: {  	_ =	shalt  }
0x52: {  	_ =	shalt  }
0x53: {  	_ =	shalt  }
0x54: {  	_ =	shalt  }
0x55: {  	_ =	shalt  }
0x56: {  	_ =	shalt  }
0x57: {  	_ =	shalt  }
0x58: {  	_ =	shalt  }
0x59: {  	_ =	shalt  }
0x5a: {  	_ =	shalt  }
0x5b: {  	_ =	shalt  }
0x5c: {  	_ =	shalt  }
0x5d: {  	_ =	shalt  }
0x5e: {  	_ =	shalt  }
0x5f: {  	_ =	shalt  }
0x60: {  	_ =	shalt  }
0x61: {  	_ =	shalt  }
0x62: {  	_ =	shalt  }
0x63: {  	_ =	shalt  }
0x64: {  	_ =	shalt  }
0x65: {  	_ =	shalt  }
0x66: {  	_ =	shalt  }
0x67: {  	_ =	shalt  }
0x68: {  	_ =	shalt  }
0x69: {  	_ =	shalt  }
0x6a: {  	_ =	shalt  }
0x6b: {  	_ =	shalt  }
0x6c: {  	_ =	shalt  }
0x6d: {  	_ =	shalt  }
0x6e: {  	_ =	shalt  }
0x6f: {  	_ =	shalt  }
0x70: {  	_ =	shalt  }
0x71: {  	_ =	shalt  }
0x72: {  	_ =	shalt  }
0x73: {  	_ =	shalt  }
0x74: {  	_ =	shalt  }
0x75: {  	_ =	shalt  }
0x76: {  	_ =	shalt  }
0x77: {  	_ =	shalt  }
0x78: {  	_ =	shalt  }
0x79: {  	_ =	shalt  }
0x7a: {  	_ =	shalt  }
0x7b: {  	_ =	shalt  }
0x7c: {  	_ =	shalt  }
0x7d: {  	_ =	shalt  }
0x7e: {  	_ =	shalt  }
0x7f: {  	_ =	shalt  }
0x80: {  	_ =	shalt  }
0x81: {  	_ =	shalt  }
0x82: {  	_ =	shalt  }
0x83: {  	_ =	shalt  }
0x84: {  	_ =	shalt  }
0x85: {  	_ =	shalt  }
0x86: {  	_ =	shalt  }
0x87: {  	_ =	shalt  }
.Lfunc_end0:
.L_simem_size_0:
called_computation_lowered:
.L_overlay_start_0:
0x88: {  	s2 =	sld [smem:$0x3FD9]  }
0x89: {  	s3 =	sld [smem:$0x3FFE];
	_ =	sdelay $0x1  }
0x8a: {  	s1 =	srdreg.scid  }
0x8b: {  	s0 =	sand.u32 $0x1, s1  }
0x8c: {  	s14 =	sshll.u32 s0, $0xA;
	s2 =	sadd.s32 s3, s2  }
0x8d: {  	s2 =	sadd.s32 s2, s14  }
0x8e: {  	[smem:$0x3FC2] =	sst s2  }
0x8f: {  	_ = 	snop  }
0x90: {  	s2 =	sld [smem:$0x3FD0];
	_ =	sdelay $0x2  }
0x91: {  	s4 =	simm.s32 $0xA;
	s5 =	simm.s32 $0x10;
	s15 =	sld [smem:$0x3FC9]  }
0x92: {  	[smem:s5], [sflag:s4] =	dma.local [hbm:s2], $0x1  }
0x93: {  	_ =	swait.eq [sflag:s4], $0x1  }
0x94: {  	[sflag:s4] =	ssyncset.done $0x0  }
0x95: {  	[sflag:s4] =	ssyncadd.s32 $0xFFFFFFFF  }
0x96: {  	s16 =	sld [smem:$0x10];
	(tm) =	ssettm $0x1  }
0x97: {  	s17 =	sld [smem:$0x3FFB];
	_ =	sdelay $0x3  }
0x98: {  	_ =	strace s17  }
0x99: {  	s4 =	sld [smem:$0x3FFC];
	_ =	sdelay $0x3  }
0x9a: {  	_ =	strace s4  }
0x9b: {  	s4 =	sld [smem:$0x3FFD];
	_ =	sdelay $0x3  }
0x9c: {  	_ =	strace s4  }
0x9d: {  	_ =	strace $0x8FFFFFFF  }
0x9e: {  	s18 =	sld [smem:$0x3FDB];
	_ =	sdelay $0x1  }
0x9f: {  	s19 =	simm.s32 $_scs_section_size  }
0xa0: {  	s6 =	simm.s32 $_size__tile_overlayer_lowered;
	s7 =	simm.s32 $_tile_overlayer_lowered  }
0xa1: {  	s22 =	simm.s32 $0x1BFF;
	s21 =	sshll.u32 s7, $0x1;
	s4 =	sadd.s32 s19, s18  }
0xa2: {  	s8 =	simm.s32 $0x0;
	s20 =	sshll.u32 s6, $0x1;
	s6 =	sadd.s32 s21, s4  }
0xa3: {  	[timem:s8], [sflag:s22] =	dma.local [hbm:s6], s20  }
0xa4: {  	_ =	swait.ge [sflag:s22], s20  }
0xa5: {  	s5 =	ssub.s32 $0x0, s20;
	[sflag:s22] =	ssyncset.done $0x0  }
0xa6: {  	[sflag:s22] =	ssyncadd.s32 s5;
	_ =	sdelay $0x1  }
0xa7: {  	s23 =	simm.s32 $0x1B8B  }
0xa8: {  	_ =	swait.ge [sflag:s23], $0x1  }
0xa9: {  	[sflag:s23] =	ssyncset.done $0x0  }
0xaa: {  	s25 =	simm.s32 $0x1B8E;
	s24 =	sld [smem:$0x3FFE];
	[sflag:s23] =	ssyncadd.s32 $0xFFFFFFFF  }
0xab: {  	s26 =	simm.s32 $execute0_lowered;
	[smem:$0x3FD2] =	sst s25  }
0xac: {  	s6 =	sshll.u32 s26, $0x1;
	_ =	strace $0x80000046;
	[dreg:$0x1] =	wrdreg $0xFFFFFFFF  }
0xad: {  	s28 =	simm.s32 $_size_execute0_lowered;
	s4 =	sadd.s32 s4, s6;
	[dreg:$0x0] =	wrdreg $0x0  }
0xae: {  	s6 =	sshll.u32 s28, $0x1;
	[dreg:$0x2] =	wrdreg s4  }
0xaf: {  	[dreg:$0x3] =	wrdreg s6  }
0xb0: {  	[dreg:$0x4] =	wrdreg $0xC0  }
0xb1: {  	_ =	task [dreg:s8], $0x5FFFF  }
0xb2: {  	[dreg:$0x1] =	wrdreg $0xFFFFFFFF  }
0xb3: {  	[dreg:$0x0] =	wrdreg $0x60  }
0xb4: {  	[dreg:$0x2] =	wrdreg s15  }
0xb5: {  	[dreg:$0x3] =	wrdreg s16  }
0xb6: {  	[dreg:$0x4] =	wrdreg s24  }
0xb7: {  	[dreg:$0x5] =	wrdreg $0x9  }
0xb8: {  	_ =	task.clear_ibuf [dreg:s8], $0x6FFFF;
	_ =	strace $0x90000046  }
0xb9: {  	s29 =	simm.s32 $0x9;
	_ =	strace $0x80000048  }
0xba: {  	_ =	swait.ge [sflag:s29], $0x1  }
0xbb: {  	[sflag:s29] =	ssyncadd.s32 $0xFFFFFFFF  }
0xbc: {  	_ =	strace $0x90000048  }
0xbd: {  	_ =	sfence  }
0xbe: {  	s30 =	sld [smem:$0x0];
	_ =	sdelay $0x2  }
0xbf: {  	s31 =	sshll.u32 s1, $0xD;
	s1 =	sshrl.u32 s1, $0x2  }
0xc0: {  	s3 =	sand.u32 $0x4000, s31;
	s1 =	sadd.s32 s1, s30  }
0xc1: {  	s0 =	sor.u32 s3, s0;
	s1 =	sshll.u32 s1, $0x11  }
0xc2: {  	s0 =	sor.u32 s1, s0  }
0xc3: {  	s0 =	sadd.s32 $0x8F2B, s0  }
0xc4: {  	[sflag:s0] =	ssyncadd.remote.s32 $0x1  }
0xc5: {  	_ =	sfence.sel $0xFFFF  }
0xc6: {  	[dreg:$0x0] =	wrdreg $0xFFFFFFFF;
	(pc) =	sbr.abs _section_cstart, $3  }
0xc7: {  	[dreg:$0x1] =	wrdreg $0xFFFFFFFF  }
0xc8: {  	_ =	task.clear_ibuf [dreg:s8], $0x2FFFF;
	_ =	strace $0x9FFFFFFF  }
0xc9: {  	(tm) =	ssettm $0x7FFFFFFF  }
tec
execute0_lowered:
.L_overlay_start_1:
0x0: {  	(tag) =	ssettag $0x1  }
0x1: {  	s0 =	srdreg.scid;
	s1 =	stileid.u32  }
0x2: {  	s0 =	sand.u32 $0x1, s0;
	s1 =	sshll.u32 s1, $0x1  }
0x3: {  	s1 =	sor.u32 s0, s1  }
0x4: {  	s2 =	rddreg [dreg:$0x0];
	s1 =	smul.u32 $0x280, s1  }
0x5: {  	s4 =	rddreg [dreg:$0x1]  }
0x6: {  	s5 =	rddreg [dreg:$0x2];
	s3 =	simm.s32 $0x0;
	s1 =	sshrl.u32 s1, $0x3  }
0x7: {  	[smem:$0x7FF] =	sst s3;
	s7 =	smul.u32 $0x300, s1  }
0x8: {  	s5 =	sadd.s32 $0x40600, s5;
	s6 =	smul.u32 $0x1800, s1;
	s1 =	sadd.s32 s4, s1  }
0x9: {  	_ =	strace $0x80000047;
	[dreg:$0x4] =	wrdreg s1;
	s20 =	sadd.s32 s5, s7  }
0xa: {  	s8 =	simm.s32 $0x3;
	s22 =	sadd.s32 $0x3000, s20;
	[dreg:$0xe] =	wrdreg s20  }
0xb: {  	s12 =	simm.s32 $0x2;
	s23 =	sadd.s32 $0x4800, s20;
	[dreg:$0x6] =	wrdreg s22  }
0xc: {  	s0 =	ssub.s32 $0x2, s0;
	s24 =	sadd.s32 $0x6000, s20;
	[dreg:$0x7] =	wrdreg s23  }
0xd: {  	s28 =	sshrl.u32 s0, $0x1;
	s25 =	sadd.s32 $0x7800, s20;
	[dreg:$0x8] =	wrdreg s24  }
0xe: {  	s0 =	ssub.s32 s0, s28;
	s26 =	sadd.s32 $0x9000, s20;
	[dreg:$0x9] =	wrdreg s25  }
0xf: {  	s0 =	smax.u32 s0, $0x1;
	s29 =	sadd.s32 $0xA800, s20;
	[dreg:$0xa] =	wrdreg s26  }
0x10: {  	s6 =	sshrl.u32 s6, $0x3;
	s30 =	sadd.s32 $0xC000, s20;
	[dreg:$0xb] =	wrdreg s29  }
0x11: {  	v2 =	vlaneseq.u32;
	s19 =	sadd.s32 s5, s6;
	s31 =	sadd.s32 $0xD800, s20;
	[dreg:$0xc] =	wrdreg s30  }
0x12: {  	vm0 =	vmmov $0xffff;
	v1 =	vshrl.u32 v2, $0x3;
	s4 =	simm.s32 $0x1;
	s21 =	sadd.s32 $0x1800, s19;
	[dreg:$0xd] =	wrdreg s31  }
0x13: {  	v0 =	vand.u32 $0x7, v2;
	v2 =	vor.u32 $0x8, v2;
	v1 =	vmul.u32 $0x8, v1;
	s5 =	sadd.s32 $0x100, s2;
	s6 =	sadd.s32 $0x200, s2;
	[dreg:$0x5] =	wrdreg s21  }
.LBB2_1:
0x14: {  	[dreg:$0xf] =	wrdreg s0  }
0x15: {  	s13 =	rddreg [dreg:$0x4]  }
0x16: {  	[tilespmem:s3], [sflag:$0x3] =	stream.linear.gather [hbm4b:s13+s3], $0x280, $0x38;
	[tilespmem:$0x18280] =	vst v63  }
0x17: {  	_ =	swait.ge [sflag:s8], $0x280  }
0x18: {  	[sflag:s8] =	ssyncset.done $0x0  }
0x19: {  	[sflag:s8] =	ssyncadd.s32 $0xFFFFFD80  }
0x1a: {  	v3 =	vld [tilespmem:$0x0];
	_ =	sdelay $0x4  }
0x1b: {  	v4 =	vshrl.u32 v3, $0x3  }
0x1c: {  	v4 =	vmul.u32 $0x30, v4  }
0x1d: {  	v3 =	vand.u32 $0x7, v3  }
0x1e: {  	v3 =	vor.u32 v3, v4  }
0x1f: {  	v4 =	vperm.xlane v3, v0;
	_ =	sdelay $0x1  }
0x20: {  	v4 =	vadd.s32 v1, v4;
	_ =	sdelay $0x3  }
0x21: {  	s28 =	simm.s32 $0x280;
	v3 =	vperm.xlane v3, v2  }
0x22: {  	[tilespmem:s28], [sflag:$0x1] =	stream.indirect_vreg.gather [hbm4b:s2+s3], $0x80, v4, vm0, $0xb8;
	[tilespmem:$0x18280] =	vst v63  }
0x23: {  	s29 =	simm.s32 $0xA80;
	v3 =	vadd.s32 v1, v3  }
0x24: {  	[tilespmem:s29], [sflag:$0x1] =	stream.indirect_vreg.gather [hbm4b:s5+s3], $0x80, v4, vm0, $0xb8;
	[tilespmem:$0x18280] =	vst v63  }
0x25: {  	s30 =	simm.s32 $0x1280  }
0x26: {  	[tilespmem:s30], [sflag:$0x1] =	stream.indirect_vreg.gather [hbm4b:s6+s3], $0x80, v4, vm0, $0xb8;
	[tilespmem:$0x18280] =	vst v63  }
0x27: {  	s31 =	simm.s32 $0x1A80  }
0x28: {  	[tilespmem:s31], [sflag:$0x1] =	stream.indirect_vreg.gather [hbm4b:s2+s3], $0x80, v3, vm0, $0xb8;
	[tilespmem:$0x18280] =	vst v63  }
0x29: {  	s1 =	simm.s32 $0x2280  }
0x2a: {  	[tilespmem:s1], [sflag:$0x1] =	stream.indirect_vreg.gather [hbm4b:s5+s3], $0x80, v3, vm0, $0xb8;
	[tilespmem:$0x18280] =	vst v63  }
0x2b: {  	s7 =	simm.s32 $0x2A80  }
0x2c: {  	[tilespmem:s7], [sflag:$0x1] =	stream.indirect_vreg.gather [hbm4b:s6+s3], $0x80, v3, vm0, $0xb8;
	[tilespmem:$0x18280] =	vst v63  }
0x2d: {  	v3 =	vld [tilespmem:$0x10];
	_ =	sdelay $0x4  }
0x2e: {  	v25 =	vshrl.u32 v3, $0x3  }
0x2f: {  	v4 =	vmul.u32 $0x30, v25  }
0x30: {  	v3 =	vand.u32 $0x7, v3  }
0x31: {  	v3 =	vor.u32 v3, v4  }
0x32: {  	v4 =	vperm.xlane v3, v0;
	_ =	sdelay $0x1  }
0x33: {  	v4 =	vadd.s32 v1, v4;
	_ =	sdelay $0x3  }
0x34: {  	s10 =	simm.s32 $0x3280;
	v3 =	vperm.xlane v3, v2  }
0x35: {  	[tilespmem:s10], [sflag:$0x1] =	stream.indirect_vreg.gather [hbm4b:s2+s3], $0x80, v4, vm0, $0xb8;
	[tilespmem:$0x18280] =	vst v63  }
0x36: {  	s11 =	simm.s32 $0x3A80;
	v3 =	vadd.s32 v1, v3  }
0x37: {  	[tilespmem:s11], [sflag:$0x1] =	stream.indirect_vreg.gather [hbm4b:s5+s3], $0x80, v4, vm0, $0xb8;
	[tilespmem:$0x18280] =	vst v63  }
0x38: {  	s13 =	simm.s32 $0x4280  }
0x39: {  	[tilespmem:s13], [sflag:$0x1] =	stream.indirect_vreg.gather [hbm4b:s6+s3], $0x80, v4, vm0, $0xb8;
	[tilespmem:$0x18280] =	vst v63  }
0x3a: {  	s15 =	simm.s32 $0x4A80  }
0x3b: {  	[tilespmem:s15], [sflag:$0x1] =	stream.indirect_vreg.gather [hbm4b:s2+s3], $0x80, v3, vm0, $0xb8;
	[tilespmem:$0x18280] =	vst v63  }
0x3c: {  	s16 =	simm.s32 $0x5280  }
0x3d: {  	[tilespmem:s16], [sflag:$0x1] =	stream.indirect_vreg.gather [hbm4b:s5+s3], $0x80, v3, vm0, $0xb8;
	[tilespmem:$0x18280] =	vst v63  }
0x3e: {  	s19 =	simm.s32 $0x5A80  }
0x3f: {  	[tilespmem:s19], [sflag:$0x1] =	stream.indirect_vreg.gather [hbm4b:s6+s3], $0x80, v3, vm0, $0xb8;
	[tilespmem:$0x18280] =	vst v63  }
0x40: {  	v3 =	vld [tilespmem:$0x20];
	_ =	sdelay $0x4  }
0x41: {  	v26 =	vshrl.u32 v3, $0x3  }
0x42: {  	v4 =	vmul.u32 $0x30, v26  }
0x43: {  	v3 =	vand.u32 $0x7, v3  }
0x44: {  	v3 =	vor.u32 v3, v4  }
0x45: {  	v4 =	vperm.xlane v3, v0;
	_ =	sdelay $0x1  }
0x46: {  	v4 =	vadd.s32 v1, v4;
	_ =	sdelay $0x3  }
0x47: {  	s20 =	simm.s32 $0x6280;
	v3 =	vperm.xlane v3, v2  }
0x48: {  	[tilespmem:s20], [sflag:$0x1] =	stream.indirect_vreg.gather [hbm4b:s2+s3], $0x80, v4, vm0, $0xb8;
	[tilespmem:$0x18280] =	vst v63  }
0x49: {  	s23 =	simm.s32 $0x6A80;
	v3 =	vadd.s32 v1, v3  }
0x4a: {  	[tilespmem:s23], [sflag:$0x1] =	stream.indirect_vreg.gather [hbm4b:s5+s3], $0x80, v4, vm0, $0xb8;
	[tilespmem:$0x18280] =	vst v63  }
0x4b: {  	s24 =	simm.s32 $0x7280  }
0x4c: {  	[tilespmem:s24], [sflag:$0x1] =	stream.indirect_vreg.gather [hbm4b:s6+s3], $0x80, v4, vm0, $0xb8;
	[tilespmem:$0x18280] =	vst v63  }
0x4d: {  	s31 =	simm.s32 $0x7A80  }
0x4e: {  	[tilespmem:s31], [sflag:$0x1] =	stream.indirect_vreg.gather [hbm4b:s2+s3], $0x80, v3, vm0, $0xb8;
	[tilespmem:$0x18280] =	vst v63  }
0x4f: {  	s1 =	simm.s32 $0x8280  }
0x50: {  	[tilespmem:s1], [sflag:$0x1] =	stream.indirect_vreg.gather [hbm4b:s5+s3], $0x80, v3, vm0, $0xb8;
	[tilespmem:$0x18280] =	vst v63  }
0x51: {  	s10 =	simm.s32 $0x8A80  }
0x52: {  	[tilespmem:s10], [sflag:$0x1] =	stream.indirect_vreg.gather [hbm4b:s6+s3], $0x80, v3, vm0, $0xb8;
	[tilespmem:$0x18280] =	vst v63  }
0x53: {  	v3 =	vld [tilespmem:$0x30];
	_ =	sdelay $0x4  }
0x54: {  	v27 =	vshrl.u32 v3, $0x3  }
0x55: {  	v4 =	vmul.u32 $0x30, v27  }
0x56: {  	v3 =	vand.u32 $0x7, v3  }
0x57: {  	v3 =	vor.u32 v3, v4  }
0x58: {  	v4 =	vperm.xlane v3, v0;
	_ =	sdelay $0x1  }
0x59: {  	v4 =	vadd.s32 v1, v4;
	_ =	sdelay $0x3  }
0x5a: {  	s13 =	simm.s32 $0x9280;
	v3 =	vperm.xlane v3, v2  }
0x5b: {  	[tilespmem:s13], [sflag:$0x1] =	stream.indirect_vreg.gather [hbm4b:s2+s3], $0x80, v4, vm0, $0xb8;
	[tilespmem:$0x18280] =	vst v63  }
0x5c: {  	s15 =	simm.s32 $0x9A80;
	v3 =	vadd.s32 v1, v3  }
0x5d: {  	[tilespmem:s15], [sflag:$0x1] =	stream.indirect_vreg.gather [hbm4b:s5+s3], $0x80, v4, vm0, $0xb8;
	[tilespmem:$0x18280] =	vst v63  }
0x5e: {  	s16 =	simm.s32 $0xA280  }
0x5f: {  	[tilespmem:s16], [sflag:$0x1] =	stream.indirect_vreg.gather [hbm4b:s6+s3], $0x80, v4, vm0, $0xb8;
	[tilespmem:$0x18280] =	vst v63  }
0x60: {  	s19 =	simm.s32 $0xAA80  }
0x61: {  	[tilespmem:s19], [sflag:$0x1] =	stream.indirect_vreg.gather [hbm4b:s2+s3], $0x80, v3, vm0, $0xb8;
	[tilespmem:$0x18280] =	vst v63  }
0x62: {  	s20 =	simm.s32 $0xB280  }
0x63: {  	[tilespmem:s20], [sflag:$0x1] =	stream.indirect_vreg.gather [hbm4b:s5+s3], $0x80, v3, vm0, $0xb8;
	[tilespmem:$0x18280] =	vst v63  }
0x64: {  	s23 =	simm.s32 $0xBA80  }
0x65: {  	[tilespmem:s23], [sflag:$0x1] =	stream.indirect_vreg.gather [hbm4b:s6+s3], $0x80, v3, vm0, $0xb8;
	[tilespmem:$0x18280] =	vst v63  }
0x66: {  	_ =	swait.ge [sflag:s4], $0xC000  }
0x67: {  	[sflag:s4] =	ssyncset.done $0x0  }
0x68: {  	[sflag:s4] =	ssyncadd.s32 $0xFFFF4000  }
0x69: {  	v3 =	vld [tilespmem:$0x40];
	_ =	sdelay $0x4  }
0x6a: {  	v28 =	vshrl.u32 v3, $0x3  }
0x6b: {  	v4 =	vmul.u32 $0x30, v28  }
0x6c: {  	v3 =	vand.u32 $0x7, v3  }
0x6d: {  	v3 =	vor.u32 v3, v4  }
0x6e: {  	v4 =	vperm.xlane v3, v0;
	_ =	sdelay $0x1  }
0x6f: {  	v4 =	vadd.s32 v1, v4;
	_ =	sdelay $0x3  }
0x70: {  	s24 =	simm.s32 $0xC280;
	v3 =	vperm.xlane v3, v2  }
0x71: {  	[tilespmem:s24], [sflag:$0x2] =	stream.indirect_vreg.gather [hbm4b:s2+s3], $0x80, v4, vm0, $0xb8;
	[tilespmem:$0x18280] =	vst v63  }
0x72: {  	s13 =	simm.s32 $0xCA80;
	v3 =	vadd.s32 v1, v3  }
0x73: {  	[tilespmem:s13], [sflag:$0x2] =	stream.indirect_vreg.gather [hbm4b:s5+s3], $0x80, v4, vm0, $0xb8;
	[tilespmem:$0x18280] =	vst v63  }
0x74: {  	s15 =	simm.s32 $0xD280  }
0x75: {  	[tilespmem:s15], [sflag:$0x2] =	stream.indirect_vreg.gather [hbm4b:s6+s3], $0x80, v4, vm0, $0xb8;
	[tilespmem:$0x18280] =	vst v63  }
0x76: {  	s16 =	simm.s32 $0xDA80  }
0x77: {  	[tilespmem:s16], [sflag:$0x2] =	stream.indirect_vreg.gather [hbm4b:s2+s3], $0x80, v3, vm0, $0xb8;
	[tilespmem:$0x18280] =	vst v63  }
0x78: {  	s19 =	simm.s32 $0xE280  }
0x79: {  	[tilespmem:s19], [sflag:$0x2] =	stream.indirect_vreg.gather [hbm4b:s5+s3], $0x80, v3, vm0, $0xb8;
	[tilespmem:$0x18280] =	vst v63  }
0x7a: {  	s20 =	simm.s32 $0xEA80  }
0x7b: {  	[tilespmem:s20], [sflag:$0x2] =	stream.indirect_vreg.gather [hbm4b:s6+s3], $0x80, v3, vm0, $0xb8;
	[tilespmem:$0x18280] =	vst v63  }
0x7c: {  	v3 =	vld [tilespmem:$0x50];
	_ =	sdelay $0x4  }
0x7d: {  	v29 =	vshrl.u32 v3, $0x3  }
0x7e: {  	v4 =	vmul.u32 $0x30, v29  }
0x7f: {  	v3 =	vand.u32 $0x7, v3  }
0x80: {  	v3 =	vor.u32 v3, v4  }
0x81: {  	v4 =	vperm.xlane v3, v0;
	_ =	sdelay $0x1  }
0x82: {  	v4 =	vadd.s32 v1, v4;
	_ =	sdelay $0x3  }
0x83: {  	s23 =	simm.s32 $0xF280;
	v3 =	vperm.xlane v3, v2  }
0x84: {  	[tilespmem:s23], [sflag:$0x2] =	stream.indirect_vreg.gather [hbm4b:s2+s3], $0x80, v4, vm0, $0xb8;
	[tilespmem:$0x18280] =	vst v63  }
0x85: {  	s24 =	simm.s32 $0xFA80;
	v3 =	vadd.s32 v1, v3  }
0x86: {  	[tilespmem:s24], [sflag:$0x2] =	stream.indirect_vreg.gather [hbm4b:s5+s3], $0x80, v4, vm0, $0xb8;
	[tilespmem:$0x18280] =	vst v63  }
0x87: {  	s13 =	simm.s32 $0x10280  }
0x88: {  	[tilespmem:s13], [sflag:$0x2] =	stream.indirect_vreg.gather [hbm4b:s6+s3], $0x80, v4, vm0, $0xb8;
	[tilespmem:$0x18280] =	vst v63  }
0x89: {  	s19 =	simm.s32 $0x10A80  }
0x8a: {  	[tilespmem:s19], [sflag:$0x2] =	stream.indirect_vreg.gather [hbm4b:s2+s3], $0x80, v3, vm0, $0xb8;
	[tilespmem:$0x18280] =	vst v63  }
0x8b: {  	s20 =	simm.s32 $0x11280  }
0x8c: {  	[tilespmem:s20], [sflag:$0x2] =	stream.indirect_vreg.gather [hbm4b:s5+s3], $0x80, v3, vm0, $0xb8;
	[tilespmem:$0x18280] =	vst v63  }
0x8d: {  	s23 =	simm.s32 $0x11A80  }
0x8e: {  	[tilespmem:s23], [sflag:$0x2] =	stream.indirect_vreg.gather [hbm4b:s6+s3], $0x80, v3, vm0, $0xb8;
	[tilespmem:$0x18280] =	vst v63  }
0x8f: {  	v3 =	vld [tilespmem:$0x60];
	_ =	sdelay $0x4  }
0x90: {  	v30 =	vshrl.u32 v3, $0x3  }
0x91: {  	v4 =	vmul.u32 $0x30, v30  }
0x92: {  	v3 =	vand.u32 $0x7, v3  }
0x93: {  	v3 =	vor.u32 v3, v4  }
0x94: {  	v4 =	vperm.xlane v3, v0;
	_ =	sdelay $0x1  }
0x95: {  	v4 =	vadd.s32 v1, v4;
	_ =	sdelay $0x3  }
0x96: {  	s24 =	simm.s32 $0x12280;
	v3 =	vperm.xlane v3, v2  }
0x97: {  	[tilespmem:s24], [sflag:$0x2] =	stream.indirect_vreg.gather [hbm4b:s2+s3], $0x80, v4, vm0, $0xb8;
	[tilespmem:$0x18280] =	vst v63  }
0x98: {  	s13 =	simm.s32 $0x12A80;
	v3 =	vadd.s32 v1, v3  }
0x99: {  	[tilespmem:s13], [sflag:$0x2] =	stream.indirect_vreg.gather [hbm4b:s5+s3], $0x80, v4, vm0, $0xb8;
	[tilespmem:$0x18280] =	vst v63  }
0x9a: {  	s23 =	simm.s32 $0x13280  }
0x9b: {  	[tilespmem:s23], [sflag:$0x2] =	stream.indirect_vreg.gather [hbm4b:s6+s3], $0x80, v4, vm0, $0xb8;
	[tilespmem:$0x18280] =	vst v63  }
0x9c: {  	s24 =	simm.s32 $0x13A80  }
0x9d: {  	[tilespmem:s24], [sflag:$0x2] =	stream.indirect_vreg.gather [hbm4b:s2+s3], $0x80, v3, vm0, $0xb8;
	[tilespmem:$0x18280] =	vst v63  }
0x9e: {  	s13 =	simm.s32 $0x14280  }
0x9f: {  	[tilespmem:s13], [sflag:$0x2] =	stream.indirect_vreg.gather [hbm4b:s5+s3], $0x80, v3, vm0, $0xb8;
	[tilespmem:$0x18280] =	vst v63  }
0xa0: {  	s23 =	simm.s32 $0x14A80  }
0xa1: {  	[tilespmem:s23], [sflag:$0x2] =	stream.indirect_vreg.gather [hbm4b:s6+s3], $0x80, v3, vm0, $0xb8;
	[tilespmem:$0x18280] =	vst v63  }
0xa2: {  	v3 =	vld [tilespmem:$0x70];
	_ =	sdelay $0x4  }
0xa3: {  	v31 =	vshrl.u32 v3, $0x3  }
0xa4: {  	v4 =	vmul.u32 $0x30, v31  }
0xa5: {  	v3 =	vand.u32 $0x7, v3  }
0xa6: {  	v3 =	vor.u32 v3, v4  }
0xa7: {  	v4 =	vperm.xlane v3, v0;
	_ =	sdelay $0x1  }
0xa8: {  	v4 =	vadd.s32 v1, v4;
	_ =	sdelay $0x3  }
0xa9: {  	s24 =	simm.s32 $0x15280;
	v3 =	vperm.xlane v3, v2  }
0xaa: {  	[tilespmem:s24], [sflag:$0x2] =	stream.indirect_vreg.gather [hbm4b:s2+s3], $0x80, v4, vm0, $0xb8;
	[tilespmem:$0x18280] =	vst v63  }
0xab: {  	s13 =	simm.s32 $0x15A80;
	v3 =	vadd.s32 v1, v3  }
0xac: {  	[tilespmem:s13], [sflag:$0x2] =	stream.indirect_vreg.gather [hbm4b:s5+s3], $0x80, v4, vm0, $0xb8;
	[tilespmem:$0x18280] =	vst v63  }
0xad: {  	s13 =	simm.s32 $0x16280  }
0xae: {  	[tilespmem:s13], [sflag:$0x2] =	stream.indirect_vreg.gather [hbm4b:s6+s3], $0x80, v4, vm0, $0xb8;
	[tilespmem:$0x18280] =	vst v63  }
0xaf: {  	s13 =	simm.s32 $0x16A80  }
0xb0: {  	[tilespmem:s13], [sflag:$0x2] =	stream.indirect_vreg.gather [hbm4b:s2+s3], $0x80, v3, vm0, $0xb8;
	[tilespmem:$0x18280] =	vst v63  }
0xb1: {  	s13 =	simm.s32 $0x17280  }
0xb2: {  	[tilespmem:s13], [sflag:$0x2] =	stream.indirect_vreg.gather [hbm4b:s5+s3], $0x80, v3, vm0, $0xb8;
	[tilespmem:$0x18280] =	vst v63  }
0xb3: {  	s0 =	simm.s32 $0x17A80  }
0xb4: {  	[tilespmem:s0], [sflag:$0x2] =	stream.indirect_vreg.gather [hbm4b:s6+s3], $0x80, v3, vm0, $0xb8;
	[tilespmem:$0x18280] =	vst v63  }
0xb5: {  	s13 =	rddreg [dreg:$0xe];
	s0 =	simm.s32 $0x280  }
0xb6: {  	[hbm4b:s13+s3] =	stream.linear.scatter [tilespmem:s0], [sflag:$0x3], $0xC000, $0x38;
	[tilespmem:$0x18280] =	vst v63  }
0xb7: {  	_ =	swait.ge [sflag:s8], $0xC000  }
0xb8: {  	[sflag:s8] =	ssyncset.done $0x0  }
0xb9: {  	[sflag:s8] =	ssyncadd.s32 $0xFFFF4000  }
0xba: {  	_ =	swait.ge [sflag:s12], $0xC000  }
0xbb: {  	[sflag:s12] =	ssyncset.done $0x0  }
0xbc: {  	[sflag:s12] =	ssyncadd.s32 $0xFFFF4000  }
0xbd: {  	v3 =	vld [tilespmem:$0x80];
	_ =	sdelay $0x4  }
0xbe: {  	v32 =	vshrl.u32 v3, $0x3  }
0xbf: {  	v4 =	vmul.u32 $0x30, v32  }
0xc0: {  	v3 =	vand.u32 $0x7, v3  }
0xc1: {  	v3 =	vor.u32 v3, v4  }
0xc2: {  	v4 =	vperm.xlane v3, v0;
	_ =	sdelay $0x1  }
0xc3: {  	v4 =	vadd.s32 v1, v4;
	_ =	sdelay $0x3  }
0xc4: {  	v3 =	vperm.xlane v3, v2  }
0xc5: {  	[tilespmem:s0], [sflag:$0x1] =	stream.indirect_vreg.gather [hbm4b:s2+s3], $0x80, v4, vm0, $0xb8;
	[tilespmem:$0x18280] =	vst v63  }
0xc6: {  	s9 =	simm.s32 $0xA80;
	v3 =	vadd.s32 v1, v3  }
0xc7: {  	[tilespmem:s9], [sflag:$0x1] =	stream.indirect_vreg.gather [hbm4b:s5+s3], $0x80, v4, vm0, $0xb8;
	[tilespmem:$0x18280] =	vst v63  }
0xc8: {  	s14 =	simm.s32 $0x1280  }
0xc9: {  	[tilespmem:s14], [sflag:$0x1] =	stream.indirect_vreg.gather [hbm4b:s6+s3], $0x80, v4, vm0, $0xb8;
	[tilespmem:$0x18280] =	vst v63  }
0xca: {  	s17 =	simm.s32 $0x1A80  }
0xcb: {  	[tilespmem:s17], [sflag:$0x1] =	stream.indirect_vreg.gather [hbm4b:s2+s3], $0x80, v3, vm0, $0xb8;
	[tilespmem:$0x18280] =	vst v63  }
0xcc: {  	s18 =	simm.s32 $0x2280  }
0xcd: {  	[tilespmem:s18], [sflag:$0x1] =	stream.indirect_vreg.gather [hbm4b:s5+s3], $0x80, v3, vm0, $0xb8;
	[tilespmem:$0x18280] =	vst v63  }
0xce: {  	s26 =	simm.s32 $0x2A80  }
0xcf: {  	[tilespmem:s26], [sflag:$0x1] =	stream.indirect_vreg.gather [hbm4b:s6+s3], $0x80, v3, vm0, $0xb8;
	[tilespmem:$0x18280] =	vst v63  }
0xd0: {  	v3 =	vld [tilespmem:$0x90];
	_ =	sdelay $0x4  }
0xd1: {  	v33 =	vshrl.u32 v3, $0x3  }
0xd2: {  	v4 =	vmul.u32 $0x30, v33  }
0xd3: {  	v3 =	vand.u32 $0x7, v3  }
0xd4: {  	v3 =	vor.u32 v3, v4  }
0xd5: {  	v4 =	vperm.xlane v3, v0;
	_ =	sdelay $0x1  }
0xd6: {  	v4 =	vadd.s32 v1, v4;
	_ =	sdelay $0x3  }
0xd7: {  	s28 =	simm.s32 $0x3280;
	v3 =	vperm.xlane v3, v2  }
0xd8: {  	[tilespmem:s28], [sflag:$0x1] =	stream.indirect_vreg.gather [hbm4b:s2+s3], $0x80, v4, vm0, $0xb8;
	[tilespmem:$0x18280] =	vst v63  }
0xd9: {  	s21 =	simm.s32 $0x3A80;
	v3 =	vadd.s32 v1, v3  }
0xda: {  	[tilespmem:s21], [sflag:$0x1] =	stream.indirect_vreg.gather [hbm4b:s5+s3], $0x80, v4, vm0, $0xb8;
	[tilespmem:$0x18280] =	vst v63  }
0xdb: {  	s22 =	simm.s32 $0x4280  }
0xdc: {  	[tilespmem:s22], [sflag:$0x1] =	stream.indirect_vreg.gather [hbm4b:s6+s3], $0x80, v4, vm0, $0xb8;
	[tilespmem:$0x18280] =	vst v63  }
0xdd: {  	s25 =	simm.s32 $0x4A80  }
0xde: {  	[tilespmem:s25], [sflag:$0x1] =	stream.indirect_vreg.gather [hbm4b:s2+s3], $0x80, v3, vm0, $0xb8;
	[tilespmem:$0x18280] =	vst v63  }
0xdf: {  	s26 =	simm.s32 $0x5280  }
0xe0: {  	[tilespmem:s26], [sflag:$0x1] =	stream.indirect_vreg.gather [hbm4b:s5+s3], $0x80, v3, vm0, $0xb8;
	[tilespmem:$0x18280] =	vst v63  }
0xe1: {  	s29 =	simm.s32 $0x5A80  }
0xe2: {  	[tilespmem:s29], [sflag:$0x1] =	stream.indirect_vreg.gather [hbm4b:s6+s3], $0x80, v3, vm0, $0xb8;
	[tilespmem:$0x18280] =	vst v63  }
0xe3: {  	v3 =	vld [tilespmem:$0xA0];
	_ =	sdelay $0x4  }
0xe4: {  	v34 =	vshrl.u32 v3, $0x3  }
0xe5: {  	v4 =	vmul.u32 $0x30, v34  }
0xe6: {  	v3 =	vand.u32 $0x7, v3  }
0xe7: {  	v3 =	vor.u32 v3, v4  }
0xe8: {  	v4 =	vperm.xlane v3, v0;
	_ =	sdelay $0x1  }
0xe9: {  	v4 =	vadd.s32 v1, v4;
	_ =	sdelay $0x3  }
0xea: {  	s30 =	simm.s32 $0x6280;
	v3 =	vperm.xlane v3, v2  }
0xeb: {  	[tilespmem:s30], [sflag:$0x1] =	stream.indirect_vreg.gather [hbm4b:s2+s3], $0x80, v4, vm0, $0xb8;
	[tilespmem:$0x18280] =	vst v63  }
0xec: {  	s29 =	simm.s32 $0x6A80;
	v3 =	vadd.s32 v1, v3  }
0xed: {  	[tilespmem:s29], [sflag:$0x1] =	stream.indirect_vreg.gather [hbm4b:s5+s3], $0x80, v4, vm0, $0xb8;
	[tilespmem:$0x18280] =	vst v63  }
0xee: {  	s30 =	simm.s32 $0x7280  }
0xef: {  	[tilespmem:s30], [sflag:$0x1] =	stream.indirect_vreg.gather [hbm4b:s6+s3], $0x80, v4, vm0, $0xb8;
	[tilespmem:$0x18280] =	vst v63  }
0xf0: {  	s7 =	simm.s32 $0x7A80  }
0xf1: {  	[tilespmem:s7], [sflag:$0x1] =	stream.indirect_vreg.gather [hbm4b:s2+s3], $0x80, v3, vm0, $0xb8;
	[tilespmem:$0x18280] =	vst v63  }
0xf2: {  	s11 =	simm.s32 $0x8280  }
0xf3: {  	[tilespmem:s11], [sflag:$0x1] =	stream.indirect_vreg.gather [hbm4b:s5+s3], $0x80, v3, vm0, $0xb8;
	[tilespmem:$0x18280] =	vst v63  }
0xf4: {  	s10 =	simm.s32 $0x8A80  }
0xf5: {  	[tilespmem:s10], [sflag:$0x1] =	stream.indirect_vreg.gather [hbm4b:s6+s3], $0x80, v3, vm0, $0xb8;
	[tilespmem:$0x18280] =	vst v63  }
0xf6: {  	v3 =	vld [tilespmem:$0xB0];
	_ =	sdelay $0x4  }
0xf7: {  	v35 =	vshrl.u32 v3, $0x3  }
0xf8: {  	v4 =	vmul.u32 $0x30, v35  }
0xf9: {  	v3 =	vand.u32 $0x7, v3  }
0xfa: {  	v3 =	vor.u32 v3, v4  }
0xfb: {  	v4 =	vperm.xlane v3, v0;
	_ =	sdelay $0x1  }
0xfc: {  	v4 =	vadd.s32 v1, v4;
	_ =	sdelay $0x3  }
0xfd: {  	s31 =	simm.s32 $0x9280;
	v3 =	vperm.xlane v3, v2  }
0xfe: {  	[tilespmem:s31], [sflag:$0x1] =	stream.indirect_vreg.gather [hbm4b:s2+s3], $0x80, v4, vm0, $0xb8;
	[tilespmem:$0x18280] =	vst v63  }
0xff: {  	v3 =	vadd.s32 v1, v3;
	s31 =	simm.s32 $0x9A80  }
0x100: {  	[tilespmem:s31], [sflag:$0x1] =	stream.indirect_vreg.gather [hbm4b:s5+s3], $0x80, v4, vm0, $0xb8;
	[tilespmem:$0x18280] =	vst v63  }
0x101: {  	s28 =	simm.s32 $0xA280  }
0x102: {  	[tilespmem:s28], [sflag:$0x1] =	stream.indirect_vreg.gather [hbm4b:s6+s3], $0x80, v4, vm0, $0xb8;
	[tilespmem:$0x18280] =	vst v63  }
0x103: {  	s7 =	simm.s32 $0xAA80  }
0x104: {  	[tilespmem:s7], [sflag:$0x1] =	stream.indirect_vreg.gather [hbm4b:s2+s3], $0x80, v3, vm0, $0xb8;
	[tilespmem:$0x18280] =	vst v63  }
0x105: {  	s7 =	simm.s32 $0xB280  }
0x106: {  	[tilespmem:s7], [sflag:$0x1] =	stream.indirect_vreg.gather [hbm4b:s5+s3], $0x80, v3, vm0, $0xb8;
	[tilespmem:$0x18280] =	vst v63  }
0x107: {  	s1 =	simm.s32 $0xBA80  }
0x108: {  	[tilespmem:s1], [sflag:$0x1] =	stream.indirect_vreg.gather [hbm4b:s6+s3], $0x80, v3, vm0, $0xb8;
	[tilespmem:$0x18280] =	vst v63  }
0x109: {  	s9 =	rddreg [dreg:$0x5];
	s10 =	simm.s32 $0xC280  }
0x10a: {  	[hbm4b:s9+s3] =	stream.linear.scatter [tilespmem:s10], [sflag:$0x3], $0xC000, $0x38;
	[tilespmem:$0x18280] =	vst v63  }
0x10b: {  	_ =	swait.ge [sflag:s8], $0xC000  }
0x10c: {  	[sflag:s8] =	ssyncset.done $0x0  }
0x10d: {  	[sflag:s8] =	ssyncadd.s32 $0xFFFF4000  }
0x10e: {  	_ =	swait.ge [sflag:s4], $0xC000  }
0x10f: {  	[sflag:s4] =	ssyncset.done $0x0  }
0x110: {  	[sflag:s4] =	ssyncadd.s32 $0xFFFF4000  }
0x111: {  	v3 =	vld [tilespmem:$0xC0];
	_ =	sdelay $0x4  }
0x112: {  	v36 =	vshrl.u32 v3, $0x3  }
0x113: {  	v4 =	vmul.u32 $0x30, v36  }
0x114: {  	v3 =	vand.u32 $0x7, v3  }
0x115: {  	v3 =	vor.u32 v3, v4  }
0x116: {  	v4 =	vperm.xlane v3, v0;
	_ =	sdelay $0x1  }
0x117: {  	v4 =	vadd.s32 v1, v4;
	_ =	sdelay $0x3  }
0x118: {  	v3 =	vperm.xlane v3, v2  }
0x119: {  	[tilespmem:s10], [sflag:$0x2] =	stream.indirect_vreg.gather [hbm4b:s2+s3], $0x80, v4, vm0, $0xb8;
	[tilespmem:$0x18280] =	vst v63  }
0x11a: {  	s11 =	simm.s32 $0xCA80;
	v3 =	vadd.s32 v1, v3  }
0x11b: {  	[tilespmem:s11], [sflag:$0x2] =	stream.indirect_vreg.gather [hbm4b:s5+s3], $0x80, v4, vm0, $0xb8;
	[tilespmem:$0x18280] =	vst v63  }
0x11c: {  	s1 =	simm.s32 $0xD280  }
0x11d: {  	[tilespmem:s1], [sflag:$0x2] =	stream.indirect_vreg.gather [hbm4b:s6+s3], $0x80, v4, vm0, $0xb8;
	[tilespmem:$0x18280] =	vst v63  }
0x11e: {  	s9 =	simm.s32 $0xDA80  }
0x11f: {  	[tilespmem:s9], [sflag:$0x2] =	stream.indirect_vreg.gather [hbm4b:s2+s3], $0x80, v3, vm0, $0xb8;
	[tilespmem:$0x18280] =	vst v63  }
0x120: {  	s14 =	simm.s32 $0xE280  }
0x121: {  	[tilespmem:s14], [sflag:$0x2] =	stream.indirect_vreg.gather [hbm4b:s5+s3], $0x80, v3, vm0, $0xb8;
	[tilespmem:$0x18280] =	vst v63  }
0x122: {  	s15 =	simm.s32 $0xEA80  }
0x123: {  	[tilespmem:s15], [sflag:$0x2] =	stream.indirect_vreg.gather [hbm4b:s6+s3], $0x80, v3, vm0, $0xb8;
	[tilespmem:$0x18280] =	vst v63  }
0x124: {  	v3 =	vld [tilespmem:$0xD0];
	_ =	sdelay $0x4  }
0x125: {  	v37 =	vshrl.u32 v3, $0x3  }
0x126: {  	v4 =	vmul.u32 $0x30, v37  }
0x127: {  	v3 =	vand.u32 $0x7, v3  }
0x128: {  	v3 =	vor.u32 v3, v4  }
0x129: {  	v4 =	vperm.xlane v3, v0;
	_ =	sdelay $0x1  }
0x12a: {  	v4 =	vadd.s32 v1, v4;
	_ =	sdelay $0x3  }
0x12b: {  	s16 =	simm.s32 $0xF280;
	v3 =	vperm.xlane v3, v2  }
0x12c: {  	[tilespmem:s16], [sflag:$0x2] =	stream.indirect_vreg.gather [hbm4b:s2+s3], $0x80, v4, vm0, $0xb8;
	[tilespmem:$0x18280] =	vst v63  }
0x12d: {  	s15 =	simm.s32 $0xFA80;
	v3 =	vadd.s32 v1, v3  }
0x12e: {  	[tilespmem:s15], [sflag:$0x2] =	stream.indirect_vreg.gather [hbm4b:s5+s3], $0x80, v4, vm0, $0xb8;
	[tilespmem:$0x18280] =	vst v63  }
0x12f: {  	s16 =	simm.s32 $0x10280  }
0x130: {  	[tilespmem:s16], [sflag:$0x2] =	stream.indirect_vreg.gather [hbm4b:s6+s3], $0x80, v4, vm0, $0xb8;
	[tilespmem:$0x18280] =	vst v63  }
0x131: {  	s17 =	simm.s32 $0x10A80  }
0x132: {  	[tilespmem:s17], [sflag:$0x2] =	stream.indirect_vreg.gather [hbm4b:s2+s3], $0x80, v3, vm0, $0xb8;
	[tilespmem:$0x18280] =	vst v63  }
0x133: {  	s18 =	simm.s32 $0x11280  }
0x134: {  	[tilespmem:s18], [sflag:$0x2] =	stream.indirect_vreg.gather [hbm4b:s5+s3], $0x80, v3, vm0, $0xb8;
	[tilespmem:$0x18280] =	vst v63  }
0x135: {  	s19 =	simm.s32 $0x11A80  }
0x136: {  	[tilespmem:s19], [sflag:$0x2] =	stream.indirect_vreg.gather [hbm4b:s6+s3], $0x80, v3, vm0, $0xb8;
	[tilespmem:$0x18280] =	vst v63  }
0x137: {  	v3 =	vld [tilespmem:$0xE0];
	_ =	sdelay $0x4  }
0x138: {  	v38 =	vshrl.u32 v3, $0x3  }
0x139: {  	v4 =	vmul.u32 $0x30, v38  }
0x13a: {  	v3 =	vand.u32 $0x7, v3  }
0x13b: {  	v3 =	vor.u32 v3, v4  }
0x13c: {  	v4 =	vperm.xlane v3, v0;
	_ =	sdelay $0x1  }
0x13d: {  	v4 =	vadd.s32 v1, v4;
	_ =	sdelay $0x3  }
0x13e: {  	s20 =	simm.s32 $0x12280;
	v3 =	vperm.xlane v3, v2  }
0x13f: {  	[tilespmem:s20], [sflag:$0x2] =	stream.indirect_vreg.gather [hbm4b:s2+s3], $0x80, v4, vm0, $0xb8;
	[tilespmem:$0x18280] =	vst v63  }
0x140: {  	s19 =	simm.s32 $0x12A80;
	v3 =	vadd.s32 v1, v3  }
0x141: {  	[tilespmem:s19], [sflag:$0x2] =	stream.indirect_vreg.gather [hbm4b:s5+s3], $0x80, v4, vm0, $0xb8;
	[tilespmem:$0x18280] =	vst v63  }
0x142: {  	s20 =	simm.s32 $0x13280  }
0x143: {  	[tilespmem:s20], [sflag:$0x2] =	stream.indirect_vreg.gather [hbm4b:s6+s3], $0x80, v4, vm0, $0xb8;
	[tilespmem:$0x18280] =	vst v63  }
0x144: {  	s21 =	simm.s32 $0x13A80  }
0x145: {  	[tilespmem:s21], [sflag:$0x2] =	stream.indirect_vreg.gather [hbm4b:s2+s3], $0x80, v3, vm0, $0xb8;
	[tilespmem:$0x18280] =	vst v63  }
0x146: {  	s22 =	simm.s32 $0x14280  }
0x147: {  	[tilespmem:s22], [sflag:$0x2] =	stream.indirect_vreg.gather [hbm4b:s5+s3], $0x80, v3, vm0, $0xb8;
	[tilespmem:$0x18280] =	vst v63  }
0x148: {  	s23 =	simm.s32 $0x14A80  }
0x149: {  	[tilespmem:s23], [sflag:$0x2] =	stream.indirect_vreg.gather [hbm4b:s6+s3], $0x80, v3, vm0, $0xb8;
	[tilespmem:$0x18280] =	vst v63  }
0x14a: {  	v3 =	vld [tilespmem:$0xF0];
	_ =	sdelay $0x4  }
0x14b: {  	v39 =	vshrl.u32 v3, $0x3  }
0x14c: {  	v4 =	vmul.u32 $0x30, v39  }
0x14d: {  	v3 =	vand.u32 $0x7, v3  }
0x14e: {  	v3 =	vor.u32 v3, v4  }
0x14f: {  	v4 =	vperm.xlane v3, v0;
	_ =	sdelay $0x1  }
0x150: {  	v4 =	vadd.s32 v1, v4;
	_ =	sdelay $0x3  }
0x151: {  	s24 =	simm.s32 $0x15280;
	v3 =	vperm.xlane v3, v2  }
0x152: {  	[tilespmem:s24], [sflag:$0x2] =	stream.indirect_vreg.gather [hbm4b:s2+s3], $0x80, v4, vm0, $0xb8;
	[tilespmem:$0x18280] =	vst v63  }
0x153: {  	s23 =	simm.s32 $0x15A80;
	v3 =	vadd.s32 v1, v3  }
0x154: {  	[tilespmem:s23], [sflag:$0x2] =	stream.indirect_vreg.gather [hbm4b:s5+s3], $0x80, v4, vm0, $0xb8;
	[tilespmem:$0x18280] =	vst v63  }
0x155: {  	s24 =	simm.s32 $0x16280  }
0x156: {  	[tilespmem:s24], [sflag:$0x2] =	stream.indirect_vreg.gather [hbm4b:s6+s3], $0x80, v4, vm0, $0xb8;
	[tilespmem:$0x18280] =	vst v63  }
0x157: {  	s25 =	simm.s32 $0x16A80  }
0x158: {  	[tilespmem:s25], [sflag:$0x2] =	stream.indirect_vreg.gather [hbm4b:s2+s3], $0x80, v3, vm0, $0xb8;
	[tilespmem:$0x18280] =	vst v63  }
0x159: {  	s13 =	simm.s32 $0x17280  }
0x15a: {  	[tilespmem:s13], [sflag:$0x2] =	stream.indirect_vreg.gather [hbm4b:s5+s3], $0x80, v3, vm0, $0xb8;
	[tilespmem:$0x18280] =	vst v63  }
0x15b: {  	s11 =	simm.s32 $0x17A80  }
0x15c: {  	[tilespmem:s11], [sflag:$0x2] =	stream.indirect_vreg.gather [hbm4b:s6+s3], $0x80, v3, vm0, $0xb8;
	[tilespmem:$0x18280] =	vst v63  }
0x15d: {  	s0 =	simm.s32 $0x280;
	s10 =	rddreg [dreg:$0x6]  }
0x15e: {  	[hbm4b:s10+s3] =	stream.linear.scatter [tilespmem:s0], [sflag:$0x3], $0xC000, $0x38;
	[tilespmem:$0x18280] =	vst v63  }
0x15f: {  	_ =	swait.ge [sflag:s8], $0xC000  }
0x160: {  	[sflag:s8] =	ssyncset.done $0x0  }
0x161: {  	[sflag:s8] =	ssyncadd.s32 $0xFFFF4000  }
0x162: {  	_ =	swait.ge [sflag:s12], $0xC000  }
0x163: {  	[sflag:s12] =	ssyncset.done $0x0  }
0x164: {  	[sflag:s12] =	ssyncadd.s32 $0xFFFF4000  }
0x165: {  	v3 =	vld [tilespmem:$0x100];
	_ =	sdelay $0x4  }
0x166: {  	v40 =	vshrl.u32 v3, $0x3  }
0x167: {  	v4 =	vmul.u32 $0x30, v40  }
0x168: {  	v3 =	vand.u32 $0x7, v3  }
0x169: {  	v3 =	vor.u32 v3, v4  }
0x16a: {  	v4 =	vperm.xlane v3, v0;
	_ =	sdelay $0x1  }
0x16b: {  	v4 =	vadd.s32 v1, v4;
	_ =	sdelay $0x3  }
0x16c: {  	v3 =	vperm.xlane v3, v2  }
0x16d: {  	[tilespmem:s0], [sflag:$0x1] =	stream.indirect_vreg.gather [hbm4b:s2+s3], $0x80, v4, vm0, $0xb8;
	[tilespmem:$0x18280] =	vst v63  }
0x16e: {  	s11 =	simm.s32 $0xA80;
	v3 =	vadd.s32 v1, v3  }
0x16f: {  	[tilespmem:s11], [sflag:$0x1] =	stream.indirect_vreg.gather [hbm4b:s5+s3], $0x80, v4, vm0, $0xb8;
	[tilespmem:$0x18280] =	vst v63  }
0x170: {  	s13 =	simm.s32 $0x1280  }
0x171: {  	[tilespmem:s13], [sflag:$0x1] =	stream.indirect_vreg.gather [hbm4b:s6+s3], $0x80, v4, vm0, $0xb8;
	[tilespmem:$0x18280] =	vst v63  }
0x172: {  	s11 =	simm.s32 $0x1A80  }
0x173: {  	[tilespmem:s11], [sflag:$0x1] =	stream.indirect_vreg.gather [hbm4b:s2+s3], $0x80, v3, vm0, $0xb8;
	[tilespmem:$0x18280] =	vst v63  }
0x174: {  	s13 =	simm.s32 $0x2280  }
0x175: {  	[tilespmem:s13], [sflag:$0x1] =	stream.indirect_vreg.gather [hbm4b:s5+s3], $0x80, v3, vm0, $0xb8;
	[tilespmem:$0x18280] =	vst v63  }
0x176: {  	s11 =	simm.s32 $0x2A80  }
0x177: {  	[tilespmem:s11], [sflag:$0x1] =	stream.indirect_vreg.gather [hbm4b:s6+s3], $0x80, v3, vm0, $0xb8;
	[tilespmem:$0x18280] =	vst v63  }
0x178: {  	v3 =	vld [tilespmem:$0x110];
	_ =	sdelay $0x4  }
0x179: {  	v41 =	vshrl.u32 v3, $0x3  }
0x17a: {  	v4 =	vmul.u32 $0x30, v41  }
0x17b: {  	v3 =	vand.u32 $0x7, v3  }
0x17c: {  	v3 =	vor.u32 v3, v4  }
0x17d: {  	v4 =	vperm.xlane v3, v0;
	_ =	sdelay $0x1  }
0x17e: {  	v4 =	vadd.s32 v1, v4;
	_ =	sdelay $0x3  }
0x17f: {  	s13 =	simm.s32 $0x3280;
	v3 =	vperm.xlane v3, v2  }
0x180: {  	[tilespmem:s13], [sflag:$0x1] =	stream.indirect_vreg.gather [hbm4b:s2+s3], $0x80, v4, vm0, $0xb8;
	[tilespmem:$0x18280] =	vst v63  }
0x181: {  	s11 =	simm.s32 $0x3A80;
	v3 =	vadd.s32 v1, v3  }
0x182: {  	[tilespmem:s11], [sflag:$0x1] =	stream.indirect_vreg.gather [hbm4b:s5+s3], $0x80, v4, vm0, $0xb8;
	[tilespmem:$0x18280] =	vst v63  }
0x183: {  	s13 =	simm.s32 $0x4280  }
0x184: {  	[tilespmem:s13], [sflag:$0x1] =	stream.indirect_vreg.gather [hbm4b:s6+s3], $0x80, v4, vm0, $0xb8;
	[tilespmem:$0x18280] =	vst v63  }
0x185: {  	s11 =	simm.s32 $0x4A80  }
0x186: {  	[tilespmem:s11], [sflag:$0x1] =	stream.indirect_vreg.gather [hbm4b:s2+s3], $0x80, v3, vm0, $0xb8;
	[tilespmem:$0x18280] =	vst v63  }
0x187: {  	_ = 	snop  }
0x188: {  	[tilespmem:s26], [sflag:$0x1] =	stream.indirect_vreg.gather [hbm4b:s5+s3], $0x80, v3, vm0, $0xb8;
	[tilespmem:$0x18280] =	vst v63  }
0x189: {  	s11 =	simm.s32 $0x5A80  }
0x18a: {  	[tilespmem:s11], [sflag:$0x1] =	stream.indirect_vreg.gather [hbm4b:s6+s3], $0x80, v3, vm0, $0xb8;
	[tilespmem:$0x18280] =	vst v63  }
0x18b: {  	v3 =	vld [tilespmem:$0x120];
	_ =	sdelay $0x4  }
0x18c: {  	v42 =	vshrl.u32 v3, $0x3  }
0x18d: {  	v4 =	vmul.u32 $0x30, v42  }
0x18e: {  	v3 =	vand.u32 $0x7, v3  }
0x18f: {  	v3 =	vor.u32 v3, v4  }
0x190: {  	v4 =	vperm.xlane v3, v0;
	_ =	sdelay $0x1  }
0x191: {  	v4 =	vadd.s32 v1, v4;
	_ =	sdelay $0x3  }
0x192: {  	s13 =	simm.s32 $0x6280;
	v3 =	vperm.xlane v3, v2  }
0x193: {  	[tilespmem:s13], [sflag:$0x1] =	stream.indirect_vreg.gather [hbm4b:s2+s3], $0x80, v4, vm0, $0xb8;
	[tilespmem:$0x18280] =	vst v63  }
0x194: {  	v3 =	vadd.s32 v1, v3  }
0x195: {  	[tilespmem:s29], [sflag:$0x1] =	stream.indirect_vreg.gather [hbm4b:s5+s3], $0x80, v4, vm0, $0xb8;
	[tilespmem:$0x18280] =	vst v63  }
0x196: {  	_ = 	snop  }
0x197: {  	[tilespmem:s30], [sflag:$0x1] =	stream.indirect_vreg.gather [hbm4b:s6+s3], $0x80, v4, vm0, $0xb8;
	[tilespmem:$0x18280] =	vst v63  }
0x198: {  	s10 =	simm.s32 $0x7A80  }
0x199: {  	[tilespmem:s10], [sflag:$0x1] =	stream.indirect_vreg.gather [hbm4b:s2+s3], $0x80, v3, vm0, $0xb8;
	[tilespmem:$0x18280] =	vst v63  }
0x19a: {  	s30 =	simm.s32 $0x8280  }
0x19b: {  	[tilespmem:s30], [sflag:$0x1] =	stream.indirect_vreg.gather [hbm4b:s5+s3], $0x80, v3, vm0, $0xb8;
	[tilespmem:$0x18280] =	vst v63  }
0x19c: {  	s29 =	simm.s32 $0x8A80  }
0x19d: {  	[tilespmem:s29], [sflag:$0x1] =	stream.indirect_vreg.gather [hbm4b:s6+s3], $0x80, v3, vm0, $0xb8;
	[tilespmem:$0x18280] =	vst v63  }
0x19e: {  	v3 =	vld [tilespmem:$0x130];
	_ =	sdelay $0x4  }
0x19f: {  	v43 =	vshrl.u32 v3, $0x3  }
0x1a0: {  	v4 =	vmul.u32 $0x30, v43  }
0x1a1: {  	v3 =	vand.u32 $0x7, v3  }
0x1a2: {  	v3 =	vor.u32 v3, v4  }
0x1a3: {  	v4 =	vperm.xlane v3, v0;
	_ =	sdelay $0x1  }
0x1a4: {  	v4 =	vadd.s32 v1, v4;
	_ =	sdelay $0x3  }
0x1a5: {  	s26 =	simm.s32 $0x9280;
	v3 =	vperm.xlane v3, v2  }
0x1a6: {  	[tilespmem:s26], [sflag:$0x1] =	stream.indirect_vreg.gather [hbm4b:s2+s3], $0x80, v4, vm0, $0xb8;
	[tilespmem:$0x18280] =	vst v63  }
0x1a7: {  	v3 =	vadd.s32 v1, v3  }
0x1a8: {  	[tilespmem:s31], [sflag:$0x1] =	stream.indirect_vreg.gather [hbm4b:s5+s3], $0x80, v4, vm0, $0xb8;
	[tilespmem:$0x18280] =	vst v63  }
0x1a9: {  	_ = 	snop  }
0x1aa: {  	[tilespmem:s28], [sflag:$0x1] =	stream.indirect_vreg.gather [hbm4b:s6+s3], $0x80, v4, vm0, $0xb8;
	[tilespmem:$0x18280] =	vst v63  }
0x1ab: {  	s26 =	simm.s32 $0xAA80  }
0x1ac: {  	[tilespmem:s26], [sflag:$0x1] =	stream.indirect_vreg.gather [hbm4b:s2+s3], $0x80, v3, vm0, $0xb8;
	[tilespmem:$0x18280] =	vst v63  }
0x1ad: {  	_ = 	snop  }
0x1ae: {  	[tilespmem:s7], [sflag:$0x1] =	stream.indirect_vreg.gather [hbm4b:s5+s3], $0x80, v3, vm0, $0xb8;
	[tilespmem:$0x18280] =	vst v63  }
0x1af: {  	s26 =	simm.s32 $0xBA80  }
0x1b0: {  	[tilespmem:s26], [sflag:$0x1] =	stream.indirect_vreg.gather [hbm4b:s6+s3], $0x80, v3, vm0, $0xb8;
	[tilespmem:$0x18280] =	vst v63  }
0x1b1: {  	s31 =	simm.s32 $0xC280;
	s28 =	rddreg [dreg:$0x7]  }
0x1b2: {  	[hbm4b:s28+s3] =	stream.linear.scatter [tilespmem:s31], [sflag:$0x3], $0xC000, $0x38;
	[tilespmem:$0x18280] =	vst v63  }
0x1b3: {  	_ =	swait.ge [sflag:s8], $0xC000  }
0x1b4: {  	[sflag:s8] =	ssyncset.done $0x0  }
0x1b5: {  	[sflag:s8] =	ssyncadd.s32 $0xFFFF4000  }
0x1b6: {  	_ =	swait.ge [sflag:s4], $0xC000  }
0x1b7: {  	[sflag:s4] =	ssyncset.done $0x0  }
0x1b8: {  	[sflag:s4] =	ssyncadd.s32 $0xFFFF4000  }
0x1b9: {  	v3 =	vld [tilespmem:$0x140];
	_ =	sdelay $0x4  }
0x1ba: {  	v44 =	vshrl.u32 v3, $0x3  }
0x1bb: {  	v4 =	vmul.u32 $0x30, v44  }
0x1bc: {  	v3 =	vand.u32 $0x7, v3  }
0x1bd: {  	v3 =	vor.u32 v3, v4  }
0x1be: {  	v4 =	vperm.xlane v3, v0;
	_ =	sdelay $0x1  }
0x1bf: {  	v4 =	vadd.s32 v1, v4;
	_ =	sdelay $0x3  }
0x1c0: {  	v3 =	vperm.xlane v3, v2  }
0x1c1: {  	[tilespmem:s31], [sflag:$0x2] =	stream.indirect_vreg.gather [hbm4b:s2+s3], $0x80, v4, vm0, $0xb8;
	[tilespmem:$0x18280] =	vst v63  }
0x1c2: {  	s13 =	simm.s32 $0xCA80;
	v3 =	vadd.s32 v1, v3  }
0x1c3: {  	[tilespmem:s13], [sflag:$0x2] =	stream.indirect_vreg.gather [hbm4b:s5+s3], $0x80, v4, vm0, $0xb8;
	[tilespmem:$0x18280] =	vst v63  }
0x1c4: {  	_ = 	snop  }
0x1c5: {  	[tilespmem:s1], [sflag:$0x2] =	stream.indirect_vreg.gather [hbm4b:s6+s3], $0x80, v4, vm0, $0xb8;
	[tilespmem:$0x18280] =	vst v63  }
0x1c6: {  	_ = 	snop  }
0x1c7: {  	[tilespmem:s9], [sflag:$0x2] =	stream.indirect_vreg.gather [hbm4b:s2+s3], $0x80, v3, vm0, $0xb8;
	[tilespmem:$0x18280] =	vst v63  }
0x1c8: {  	_ = 	snop  }
0x1c9: {  	[tilespmem:s14], [sflag:$0x2] =	stream.indirect_vreg.gather [hbm4b:s5+s3], $0x80, v3, vm0, $0xb8;
	[tilespmem:$0x18280] =	vst v63  }
0x1ca: {  	s1 =	simm.s32 $0xEA80  }
0x1cb: {  	[tilespmem:s1], [sflag:$0x2] =	stream.indirect_vreg.gather [hbm4b:s6+s3], $0x80, v3, vm0, $0xb8;
	[tilespmem:$0x18280] =	vst v63  }
0x1cc: {  	v3 =	vld [tilespmem:$0x150];
	_ =	sdelay $0x4  }
0x1cd: {  	v45 =	vshrl.u32 v3, $0x3  }
0x1ce: {  	v4 =	vmul.u32 $0x30, v45  }
0x1cf: {  	v3 =	vand.u32 $0x7, v3  }
0x1d0: {  	v3 =	vor.u32 v3, v4  }
0x1d1: {  	v4 =	vperm.xlane v3, v0;
	_ =	sdelay $0x1  }
0x1d2: {  	v4 =	vadd.s32 v1, v4;
	_ =	sdelay $0x3  }
0x1d3: {  	s14 =	simm.s32 $0xF280;
	v3 =	vperm.xlane v3, v2  }
0x1d4: {  	[tilespmem:s14], [sflag:$0x2] =	stream.indirect_vreg.gather [hbm4b:s2+s3], $0x80, v4, vm0, $0xb8;
	[tilespmem:$0x18280] =	vst v63  }
0x1d5: {  	v3 =	vadd.s32 v1, v3  }
0x1d6: {  	[tilespmem:s15], [sflag:$0x2] =	stream.indirect_vreg.gather [hbm4b:s5+s3], $0x80, v4, vm0, $0xb8;
	[tilespmem:$0x18280] =	vst v63  }
0x1d7: {  	_ = 	snop  }
0x1d8: {  	[tilespmem:s16], [sflag:$0x2] =	stream.indirect_vreg.gather [hbm4b:s6+s3], $0x80, v4, vm0, $0xb8;
	[tilespmem:$0x18280] =	vst v63  }
0x1d9: {  	_ = 	snop  }
0x1da: {  	[tilespmem:s17], [sflag:$0x2] =	stream.indirect_vreg.gather [hbm4b:s2+s3], $0x80, v3, vm0, $0xb8;
	[tilespmem:$0x18280] =	vst v63  }
0x1db: {  	_ = 	snop  }
0x1dc: {  	[tilespmem:s18], [sflag:$0x2] =	stream.indirect_vreg.gather [hbm4b:s5+s3], $0x80, v3, vm0, $0xb8;
	[tilespmem:$0x18280] =	vst v63  }
0x1dd: {  	s7 =	simm.s32 $0x11A80  }
0x1de: {  	[tilespmem:s7], [sflag:$0x2] =	stream.indirect_vreg.gather [hbm4b:s6+s3], $0x80, v3, vm0, $0xb8;
	[tilespmem:$0x18280] =	vst v63  }
0x1df: {  	v3 =	vld [tilespmem:$0x160];
	_ =	sdelay $0x4  }
0x1e0: {  	v46 =	vshrl.u32 v3, $0x3  }
0x1e1: {  	v4 =	vmul.u32 $0x30, v46  }
0x1e2: {  	v3 =	vand.u32 $0x7, v3  }
0x1e3: {  	v3 =	vor.u32 v3, v4  }
0x1e4: {  	v4 =	vperm.xlane v3, v0;
	_ =	sdelay $0x1  }
0x1e5: {  	v4 =	vadd.s32 v1, v4;
	_ =	sdelay $0x3  }
0x1e6: {  	s16 =	simm.s32 $0x12280;
	v3 =	vperm.xlane v3, v2  }
0x1e7: {  	[tilespmem:s16], [sflag:$0x2] =	stream.indirect_vreg.gather [hbm4b:s2+s3], $0x80, v4, vm0, $0xb8;
	[tilespmem:$0x18280] =	vst v63  }
0x1e8: {  	v3 =	vadd.s32 v1, v3  }
0x1e9: {  	[tilespmem:s19], [sflag:$0x2] =	stream.indirect_vreg.gather [hbm4b:s5+s3], $0x80, v4, vm0, $0xb8;
	[tilespmem:$0x18280] =	vst v63  }
0x1ea: {  	_ = 	snop  }
0x1eb: {  	[tilespmem:s20], [sflag:$0x2] =	stream.indirect_vreg.gather [hbm4b:s6+s3], $0x80, v4, vm0, $0xb8;
	[tilespmem:$0x18280] =	vst v63  }
0x1ec: {  	_ = 	snop  }
0x1ed: {  	[tilespmem:s21], [sflag:$0x2] =	stream.indirect_vreg.gather [hbm4b:s2+s3], $0x80, v3, vm0, $0xb8;
	[tilespmem:$0x18280] =	vst v63  }
0x1ee: {  	_ = 	snop  }
0x1ef: {  	[tilespmem:s22], [sflag:$0x2] =	stream.indirect_vreg.gather [hbm4b:s5+s3], $0x80, v3, vm0, $0xb8;
	[tilespmem:$0x18280] =	vst v63  }
0x1f0: {  	s9 =	simm.s32 $0x14A80  }
0x1f1: {  	[tilespmem:s9], [sflag:$0x2] =	stream.indirect_vreg.gather [hbm4b:s6+s3], $0x80, v3, vm0, $0xb8;
	[tilespmem:$0x18280] =	vst v63  }
0x1f2: {  	v3 =	vld [tilespmem:$0x170];
	_ =	sdelay $0x4  }
0x1f3: {  	v47 =	vshrl.u32 v3, $0x3  }
0x1f4: {  	v4 =	vmul.u32 $0x30, v47  }
0x1f5: {  	v3 =	vand.u32 $0x7, v3  }
0x1f6: {  	v3 =	vor.u32 v3, v4  }
0x1f7: {  	v4 =	vperm.xlane v3, v0;
	_ =	sdelay $0x1  }
0x1f8: {  	v4 =	vadd.s32 v1, v4;
	_ =	sdelay $0x3  }
0x1f9: {  	s15 =	simm.s32 $0x15280;
	v3 =	vperm.xlane v3, v2  }
0x1fa: {  	[tilespmem:s15], [sflag:$0x2] =	stream.indirect_vreg.gather [hbm4b:s2+s3], $0x80, v4, vm0, $0xb8;
	[tilespmem:$0x18280] =	vst v63  }
0x1fb: {  	v3 =	vadd.s32 v1, v3  }
0x1fc: {  	[tilespmem:s23], [sflag:$0x2] =	stream.indirect_vreg.gather [hbm4b:s5+s3], $0x80, v4, vm0, $0xb8;
	[tilespmem:$0x18280] =	vst v63  }
0x1fd: {  	_ = 	snop  }
0x1fe: {  	[tilespmem:s24], [sflag:$0x2] =	stream.indirect_vreg.gather [hbm4b:s6+s3], $0x80, v4, vm0, $0xb8;
	[tilespmem:$0x18280] =	vst v63  }
0x1ff: {  	_ = 	snop  }
0x200: {  	[tilespmem:s25], [sflag:$0x2] =	stream.indirect_vreg.gather [hbm4b:s2+s3], $0x80, v3, vm0, $0xb8;
	[tilespmem:$0x18280] =	vst v63  }
0x201: {  	s17 =	simm.s32 $0x17280  }
0x202: {  	[tilespmem:s17], [sflag:$0x2] =	stream.indirect_vreg.gather [hbm4b:s5+s3], $0x80, v3, vm0, $0xb8;
	[tilespmem:$0x18280] =	vst v63  }
0x203: {  	s25 =	simm.s32 $0x17A80  }
0x204: {  	[tilespmem:s25], [sflag:$0x2] =	stream.indirect_vreg.gather [hbm4b:s6+s3], $0x80, v3, vm0, $0xb8;
	[tilespmem:$0x18280] =	vst v63  }
0x205: {  	s0 =	simm.s32 $0x280;
	s18 =	rddreg [dreg:$0x8]  }
0x206: {  	[hbm4b:s18+s3] =	stream.linear.scatter [tilespmem:s0], [sflag:$0x3], $0xC000, $0x38;
	[tilespmem:$0x18280] =	vst v63  }
0x207: {  	_ =	swait.ge [sflag:s8], $0xC000  }
0x208: {  	[sflag:s8] =	ssyncset.done $0x0  }
0x209: {  	[sflag:s8] =	ssyncadd.s32 $0xFFFF4000  }
0x20a: {  	_ =	swait.ge [sflag:s12], $0xC000  }
0x20b: {  	[sflag:s12] =	ssyncset.done $0x0  }
0x20c: {  	[sflag:s12] =	ssyncadd.s32 $0xFFFF4000  }
0x20d: {  	v3 =	vld [tilespmem:$0x180];
	_ =	sdelay $0x4  }
0x20e: {  	v48 =	vshrl.u32 v3, $0x3  }
0x20f: {  	v4 =	vmul.u32 $0x30, v48  }
0x210: {  	v3 =	vand.u32 $0x7, v3  }
0x211: {  	v3 =	vor.u32 v3, v4  }
0x212: {  	v4 =	vperm.xlane v3, v0;
	_ =	sdelay $0x1  }
0x213: {  	v4 =	vadd.s32 v1, v4;
	_ =	sdelay $0x3  }
0x214: {  	v3 =	vperm.xlane v3, v2  }
0x215: {  	[tilespmem:s0], [sflag:$0x1] =	stream.indirect_vreg.gather [hbm4b:s2+s3], $0x80, v4, vm0, $0xb8;
	[tilespmem:$0x18280] =	vst v63  }
0x216: {  	s19 =	simm.s32 $0xA80;
	v3 =	vadd.s32 v1, v3  }
0x217: {  	[tilespmem:s19], [sflag:$0x1] =	stream.indirect_vreg.gather [hbm4b:s5+s3], $0x80, v4, vm0, $0xb8;
	[tilespmem:$0x18280] =	vst v63  }
0x218: {  	s20 =	simm.s32 $0x1280  }
0x219: {  	[tilespmem:s20], [sflag:$0x1] =	stream.indirect_vreg.gather [hbm4b:s6+s3], $0x80, v4, vm0, $0xb8;
	[tilespmem:$0x18280] =	vst v63  }
0x21a: {  	s21 =	simm.s32 $0x1A80  }
0x21b: {  	[tilespmem:s21], [sflag:$0x1] =	stream.indirect_vreg.gather [hbm4b:s2+s3], $0x80, v3, vm0, $0xb8;
	[tilespmem:$0x18280] =	vst v63  }
0x21c: {  	s22 =	simm.s32 $0x2280  }
0x21d: {  	[tilespmem:s22], [sflag:$0x1] =	stream.indirect_vreg.gather [hbm4b:s5+s3], $0x80, v3, vm0, $0xb8;
	[tilespmem:$0x18280] =	vst v63  }
0x21e: {  	s23 =	simm.s32 $0x2A80  }
0x21f: {  	[tilespmem:s23], [sflag:$0x1] =	stream.indirect_vreg.gather [hbm4b:s6+s3], $0x80, v3, vm0, $0xb8;
	[tilespmem:$0x18280] =	vst v63  }
0x220: {  	v3 =	vld [tilespmem:$0x190];
	_ =	sdelay $0x4  }
0x221: {  	v49 =	vshrl.u32 v3, $0x3  }
0x222: {  	v4 =	vmul.u32 $0x30, v49  }
0x223: {  	v3 =	vand.u32 $0x7, v3  }
0x224: {  	v3 =	vor.u32 v3, v4  }
0x225: {  	v4 =	vperm.xlane v3, v0;
	_ =	sdelay $0x1  }
0x226: {  	v4 =	vadd.s32 v1, v4;
	_ =	sdelay $0x3  }
0x227: {  	s24 =	simm.s32 $0x3280;
	v3 =	vperm.xlane v3, v2  }
0x228: {  	[tilespmem:s24], [sflag:$0x1] =	stream.indirect_vreg.gather [hbm4b:s2+s3], $0x80, v4, vm0, $0xb8;
	[tilespmem:$0x18280] =	vst v63  }
0x229: {  	s21 =	simm.s32 $0x3A80;
	v3 =	vadd.s32 v1, v3  }
0x22a: {  	[tilespmem:s21], [sflag:$0x1] =	stream.indirect_vreg.gather [hbm4b:s5+s3], $0x80, v4, vm0, $0xb8;
	[tilespmem:$0x18280] =	vst v63  }
0x22b: {  	s22 =	simm.s32 $0x4280  }
0x22c: {  	[tilespmem:s22], [sflag:$0x1] =	stream.indirect_vreg.gather [hbm4b:s6+s3], $0x80, v4, vm0, $0xb8;
	[tilespmem:$0x18280] =	vst v63  }
0x22d: {  	s23 =	simm.s32 $0x4A80  }
0x22e: {  	[tilespmem:s23], [sflag:$0x1] =	stream.indirect_vreg.gather [hbm4b:s2+s3], $0x80, v3, vm0, $0xb8;
	[tilespmem:$0x18280] =	vst v63  }
0x22f: {  	s24 =	simm.s32 $0x5280  }
0x230: {  	[tilespmem:s24], [sflag:$0x1] =	stream.indirect_vreg.gather [hbm4b:s5+s3], $0x80, v3, vm0, $0xb8;
	[tilespmem:$0x18280] =	vst v63  }
0x231: {  	_ = 	snop  }
0x232: {  	[tilespmem:s11], [sflag:$0x1] =	stream.indirect_vreg.gather [hbm4b:s6+s3], $0x80, v3, vm0, $0xb8;
	[tilespmem:$0x18280] =	vst v63  }
0x233: {  	v3 =	vld [tilespmem:$0x1A0];
	_ =	sdelay $0x4  }
0x234: {  	v50 =	vshrl.u32 v3, $0x3  }
0x235: {  	v4 =	vmul.u32 $0x30, v50  }
0x236: {  	v3 =	vand.u32 $0x7, v3  }
0x237: {  	v3 =	vor.u32 v3, v4  }
0x238: {  	v4 =	vperm.xlane v3, v0;
	_ =	sdelay $0x1  }
0x239: {  	v4 =	vadd.s32 v1, v4;
	_ =	sdelay $0x3  }
0x23a: {  	s24 =	simm.s32 $0x6280;
	v3 =	vperm.xlane v3, v2  }
0x23b: {  	[tilespmem:s24], [sflag:$0x1] =	stream.indirect_vreg.gather [hbm4b:s2+s3], $0x80, v4, vm0, $0xb8;
	[tilespmem:$0x18280] =	vst v63  }
0x23c: {  	s13 =	simm.s32 $0x6A80;
	v3 =	vadd.s32 v1, v3  }
0x23d: {  	[tilespmem:s13], [sflag:$0x1] =	stream.indirect_vreg.gather [hbm4b:s5+s3], $0x80, v4, vm0, $0xb8;
	[tilespmem:$0x18280] =	vst v63  }
0x23e: {  	s24 =	simm.s32 $0x7280  }
0x23f: {  	[tilespmem:s24], [sflag:$0x1] =	stream.indirect_vreg.gather [hbm4b:s6+s3], $0x80, v4, vm0, $0xb8;
	[tilespmem:$0x18280] =	vst v63  }
0x240: {  	_ = 	snop  }
0x241: {  	[tilespmem:s10], [sflag:$0x1] =	stream.indirect_vreg.gather [hbm4b:s2+s3], $0x80, v3, vm0, $0xb8;
	[tilespmem:$0x18280] =	vst v63  }
0x242: {  	_ = 	snop  }
0x243: {  	[tilespmem:s30], [sflag:$0x1] =	stream.indirect_vreg.gather [hbm4b:s5+s3], $0x80, v3, vm0, $0xb8;
	[tilespmem:$0x18280] =	vst v63  }
0x244: {  	_ = 	snop  }
0x245: {  	[tilespmem:s29], [sflag:$0x1] =	stream.indirect_vreg.gather [hbm4b:s6+s3], $0x80, v3, vm0, $0xb8;
	[tilespmem:$0x18280] =	vst v63  }
0x246: {  	v3 =	vld [tilespmem:$0x1B0];
	_ =	sdelay $0x4  }
0x247: {  	v51 =	vshrl.u32 v3, $0x3  }
0x248: {  	v4 =	vmul.u32 $0x30, v51  }
0x249: {  	v3 =	vand.u32 $0x7, v3  }
0x24a: {  	v3 =	vor.u32 v3, v4  }
0x24b: {  	v4 =	vperm.xlane v3, v0;
	_ =	sdelay $0x1  }
0x24c: {  	v4 =	vadd.s32 v1, v4;
	_ =	sdelay $0x3  }
0x24d: {  	s29 =	simm.s32 $0x9280;
	v3 =	vperm.xlane v3, v2  }
0x24e: {  	[tilespmem:s29], [sflag:$0x1] =	stream.indirect_vreg.gather [hbm4b:s2+s3], $0x80, v4, vm0, $0xb8;
	[tilespmem:$0x18280] =	vst v63  }
0x24f: {  	s13 =	simm.s32 $0x9A80;
	v3 =	vadd.s32 v1, v3  }
0x250: {  	[tilespmem:s13], [sflag:$0x1] =	stream.indirect_vreg.gather [hbm4b:s5+s3], $0x80, v4, vm0, $0xb8;
	[tilespmem:$0x18280] =	vst v63  }
0x251: {  	s29 =	simm.s32 $0xA280  }
0x252: {  	[tilespmem:s29], [sflag:$0x1] =	stream.indirect_vreg.gather [hbm4b:s6+s3], $0x80, v4, vm0, $0xb8;
	[tilespmem:$0x18280] =	vst v63  }
0x253: {  	s13 =	simm.s32 $0xAA80  }
0x254: {  	[tilespmem:s13], [sflag:$0x1] =	stream.indirect_vreg.gather [hbm4b:s2+s3], $0x80, v3, vm0, $0xb8;
	[tilespmem:$0x18280] =	vst v63  }
0x255: {  	s29 =	simm.s32 $0xB280  }
0x256: {  	[tilespmem:s29], [sflag:$0x1] =	stream.indirect_vreg.gather [hbm4b:s5+s3], $0x80, v3, vm0, $0xb8;
	[tilespmem:$0x18280] =	vst v63  }
0x257: {  	_ = 	snop  }
0x258: {  	[tilespmem:s26], [sflag:$0x1] =	stream.indirect_vreg.gather [hbm4b:s6+s3], $0x80, v3, vm0, $0xb8;
	[tilespmem:$0x18280] =	vst v63  }
0x259: {  	s28 =	simm.s32 $0xC280;
	s11 =	rddreg [dreg:$0x9]  }
0x25a: {  	[hbm4b:s11+s3] =	stream.linear.scatter [tilespmem:s28], [sflag:$0x3], $0xC000, $0x38;
	[tilespmem:$0x18280] =	vst v63  }
0x25b: {  	_ =	swait.ge [sflag:s8], $0xC000  }
0x25c: {  	[sflag:s8] =	ssyncset.done $0x0  }
0x25d: {  	[sflag:s8] =	ssyncadd.s32 $0xFFFF4000  }
0x25e: {  	_ =	swait.ge [sflag:s4], $0xC000  }
0x25f: {  	[sflag:s4] =	ssyncset.done $0x0  }
0x260: {  	[sflag:s4] =	ssyncadd.s32 $0xFFFF4000  }
0x261: {  	v3 =	vld [tilespmem:$0x1C0];
	_ =	sdelay $0x4  }
0x262: {  	v52 =	vshrl.u32 v3, $0x3  }
0x263: {  	v4 =	vmul.u32 $0x30, v52  }
0x264: {  	v3 =	vand.u32 $0x7, v3  }
0x265: {  	v3 =	vor.u32 v3, v4  }
0x266: {  	v4 =	vperm.xlane v3, v0;
	_ =	sdelay $0x1  }
0x267: {  	v4 =	vadd.s32 v1, v4;
	_ =	sdelay $0x3  }
0x268: {  	v3 =	vperm.xlane v3, v2  }
0x269: {  	[tilespmem:s28], [sflag:$0x2] =	stream.indirect_vreg.gather [hbm4b:s2+s3], $0x80, v4, vm0, $0xb8;
	[tilespmem:$0x18280] =	vst v63  }
0x26a: {  	s13 =	simm.s32 $0xCA80;
	v3 =	vadd.s32 v1, v3  }
0x26b: {  	[tilespmem:s13], [sflag:$0x2] =	stream.indirect_vreg.gather [hbm4b:s5+s3], $0x80, v4, vm0, $0xb8;
	[tilespmem:$0x18280] =	vst v63  }
0x26c: {  	s29 =	simm.s32 $0xD280  }
0x26d: {  	[tilespmem:s29], [sflag:$0x2] =	stream.indirect_vreg.gather [hbm4b:s6+s3], $0x80, v4, vm0, $0xb8;
	[tilespmem:$0x18280] =	vst v63  }
0x26e: {  	s13 =	simm.s32 $0xDA80  }
0x26f: {  	[tilespmem:s13], [sflag:$0x2] =	stream.indirect_vreg.gather [hbm4b:s2+s3], $0x80, v3, vm0, $0xb8;
	[tilespmem:$0x18280] =	vst v63  }
0x270: {  	s29 =	simm.s32 $0xE280  }
0x271: {  	[tilespmem:s29], [sflag:$0x2] =	stream.indirect_vreg.gather [hbm4b:s5+s3], $0x80, v3, vm0, $0xb8;
	[tilespmem:$0x18280] =	vst v63  }
0x272: {  	_ = 	snop  }
0x273: {  	[tilespmem:s1], [sflag:$0x2] =	stream.indirect_vreg.gather [hbm4b:s6+s3], $0x80, v3, vm0, $0xb8;
	[tilespmem:$0x18280] =	vst v63  }
0x274: {  	v3 =	vld [tilespmem:$0x1D0];
	_ =	sdelay $0x4  }
0x275: {  	v53 =	vshrl.u32 v3, $0x3  }
0x276: {  	v4 =	vmul.u32 $0x30, v53  }
0x277: {  	v3 =	vand.u32 $0x7, v3  }
0x278: {  	v3 =	vor.u32 v3, v4  }
0x279: {  	v4 =	vperm.xlane v3, v0;
	_ =	sdelay $0x1  }
0x27a: {  	v4 =	vadd.s32 v1, v4;
	_ =	sdelay $0x3  }
0x27b: {  	v3 =	vperm.xlane v3, v2  }
0x27c: {  	[tilespmem:s14], [sflag:$0x2] =	stream.indirect_vreg.gather [hbm4b:s2+s3], $0x80, v4, vm0, $0xb8;
	[tilespmem:$0x18280] =	vst v63  }
0x27d: {  	s13 =	simm.s32 $0xFA80;
	v3 =	vadd.s32 v1, v3  }
0x27e: {  	[tilespmem:s13], [sflag:$0x2] =	stream.indirect_vreg.gather [hbm4b:s5+s3], $0x80, v4, vm0, $0xb8;
	[tilespmem:$0x18280] =	vst v63  }
0x27f: {  	s11 =	simm.s32 $0x10280  }
0x280: {  	[tilespmem:s11], [sflag:$0x2] =	stream.indirect_vreg.gather [hbm4b:s6+s3], $0x80, v4, vm0, $0xb8;
	[tilespmem:$0x18280] =	vst v63  }
0x281: {  	s13 =	simm.s32 $0x10A80  }
0x282: {  	[tilespmem:s13], [sflag:$0x2] =	stream.indirect_vreg.gather [hbm4b:s2+s3], $0x80, v3, vm0, $0xb8;
	[tilespmem:$0x18280] =	vst v63  }
0x283: {  	s11 =	simm.s32 $0x11280  }
0x284: {  	[tilespmem:s11], [sflag:$0x2] =	stream.indirect_vreg.gather [hbm4b:s5+s3], $0x80, v3, vm0, $0xb8;
	[tilespmem:$0x18280] =	vst v63  }
0x285: {  	_ = 	snop  }
0x286: {  	[tilespmem:s7], [sflag:$0x2] =	stream.indirect_vreg.gather [hbm4b:s6+s3], $0x80, v3, vm0, $0xb8;
	[tilespmem:$0x18280] =	vst v63  }
0x287: {  	v3 =	vld [tilespmem:$0x1E0];
	_ =	sdelay $0x4  }
0x288: {  	v54 =	vshrl.u32 v3, $0x3  }
0x289: {  	v4 =	vmul.u32 $0x30, v54  }
0x28a: {  	v3 =	vand.u32 $0x7, v3  }
0x28b: {  	v3 =	vor.u32 v3, v4  }
0x28c: {  	v4 =	vperm.xlane v3, v0;
	_ =	sdelay $0x1  }
0x28d: {  	v4 =	vadd.s32 v1, v4;
	_ =	sdelay $0x3  }
0x28e: {  	v3 =	vperm.xlane v3, v2  }
0x28f: {  	[tilespmem:s16], [sflag:$0x2] =	stream.indirect_vreg.gather [hbm4b:s2+s3], $0x80, v4, vm0, $0xb8;
	[tilespmem:$0x18280] =	vst v63  }
0x290: {  	s13 =	simm.s32 $0x12A80;
	v3 =	vadd.s32 v1, v3  }
0x291: {  	[tilespmem:s13], [sflag:$0x2] =	stream.indirect_vreg.gather [hbm4b:s5+s3], $0x80, v4, vm0, $0xb8;
	[tilespmem:$0x18280] =	vst v63  }
0x292: {  	s16 =	simm.s32 $0x13280  }
0x293: {  	[tilespmem:s16], [sflag:$0x2] =	stream.indirect_vreg.gather [hbm4b:s6+s3], $0x80, v4, vm0, $0xb8;
	[tilespmem:$0x18280] =	vst v63  }
0x294: {  	s13 =	simm.s32 $0x13A80  }
0x295: {  	[tilespmem:s13], [sflag:$0x2] =	stream.indirect_vreg.gather [hbm4b:s2+s3], $0x80, v3, vm0, $0xb8;
	[tilespmem:$0x18280] =	vst v63  }
0x296: {  	s16 =	simm.s32 $0x14280  }
0x297: {  	[tilespmem:s16], [sflag:$0x2] =	stream.indirect_vreg.gather [hbm4b:s5+s3], $0x80, v3, vm0, $0xb8;
	[tilespmem:$0x18280] =	vst v63  }
0x298: {  	_ = 	snop  }
0x299: {  	[tilespmem:s9], [sflag:$0x2] =	stream.indirect_vreg.gather [hbm4b:s6+s3], $0x80, v3, vm0, $0xb8;
	[tilespmem:$0x18280] =	vst v63  }
0x29a: {  	v3 =	vld [tilespmem:$0x1F0];
	_ =	sdelay $0x4  }
0x29b: {  	v55 =	vshrl.u32 v3, $0x3  }
0x29c: {  	v4 =	vmul.u32 $0x30, v55  }
0x29d: {  	v3 =	vand.u32 $0x7, v3  }
0x29e: {  	v3 =	vor.u32 v3, v4  }
0x29f: {  	v4 =	vperm.xlane v3, v0;
	_ =	sdelay $0x1  }
0x2a0: {  	v4 =	vadd.s32 v1, v4;
	_ =	sdelay $0x3  }
0x2a1: {  	v3 =	vperm.xlane v3, v2  }
0x2a2: {  	[tilespmem:s15], [sflag:$0x2] =	stream.indirect_vreg.gather [hbm4b:s2+s3], $0x80, v4, vm0, $0xb8;
	[tilespmem:$0x18280] =	vst v63  }
0x2a3: {  	s13 =	simm.s32 $0x15A80;
	v3 =	vadd.s32 v1, v3  }
0x2a4: {  	[tilespmem:s13], [sflag:$0x2] =	stream.indirect_vreg.gather [hbm4b:s5+s3], $0x80, v4, vm0, $0xb8;
	[tilespmem:$0x18280] =	vst v63  }
0x2a5: {  	s16 =	simm.s32 $0x16280  }
0x2a6: {  	[tilespmem:s16], [sflag:$0x2] =	stream.indirect_vreg.gather [hbm4b:s6+s3], $0x80, v4, vm0, $0xb8;
	[tilespmem:$0x18280] =	vst v63  }
0x2a7: {  	s13 =	simm.s32 $0x16A80  }
0x2a8: {  	[tilespmem:s13], [sflag:$0x2] =	stream.indirect_vreg.gather [hbm4b:s2+s3], $0x80, v3, vm0, $0xb8;
	[tilespmem:$0x18280] =	vst v63  }
0x2a9: {  	_ = 	snop  }
0x2aa: {  	[tilespmem:s17], [sflag:$0x2] =	stream.indirect_vreg.gather [hbm4b:s5+s3], $0x80, v3, vm0, $0xb8;
	[tilespmem:$0x18280] =	vst v63  }
0x2ab: {  	_ = 	snop  }
0x2ac: {  	[tilespmem:s25], [sflag:$0x2] =	stream.indirect_vreg.gather [hbm4b:s6+s3], $0x80, v3, vm0, $0xb8;
	[tilespmem:$0x18280] =	vst v63  }
0x2ad: {  	s16 =	rddreg [dreg:$0xa];
	s17 =	simm.s32 $0x280  }
0x2ae: {  	[hbm4b:s16+s3] =	stream.linear.scatter [tilespmem:s17], [sflag:$0x3], $0xC000, $0x38;
	[tilespmem:$0x18280] =	vst v63  }
0x2af: {  	_ =	swait.ge [sflag:s8], $0xC000  }
0x2b0: {  	[sflag:s8] =	ssyncset.done $0x0  }
0x2b1: {  	[sflag:s8] =	ssyncadd.s32 $0xFFFF4000  }
0x2b2: {  	_ =	swait.ge [sflag:s12], $0xC000  }
0x2b3: {  	[sflag:s12] =	ssyncset.done $0x0  }
0x2b4: {  	[sflag:s12] =	ssyncadd.s32 $0xFFFF4000  }
0x2b5: {  	v3 =	vld [tilespmem:$0x200];
	_ =	sdelay $0x4  }
0x2b6: {  	v56 =	vshrl.u32 v3, $0x3  }
0x2b7: {  	v4 =	vmul.u32 $0x30, v56  }
0x2b8: {  	v3 =	vand.u32 $0x7, v3  }
0x2b9: {  	v3 =	vor.u32 v3, v4  }
0x2ba: {  	v4 =	vperm.xlane v3, v0;
	_ =	sdelay $0x1  }
0x2bb: {  	v4 =	vadd.s32 v1, v4;
	_ =	sdelay $0x3  }
0x2bc: {  	v3 =	vperm.xlane v3, v2  }
0x2bd: {  	[tilespmem:s17], [sflag:$0x1] =	stream.indirect_vreg.gather [hbm4b:s2+s3], $0x80, v4, vm0, $0xb8;
	[tilespmem:$0x18280] =	vst v63  }
0x2be: {  	s0 =	simm.s32 $0xA80;
	v3 =	vadd.s32 v1, v3  }
0x2bf: {  	[tilespmem:s0], [sflag:$0x1] =	stream.indirect_vreg.gather [hbm4b:s5+s3], $0x80, v4, vm0, $0xb8;
	[tilespmem:$0x18280] =	vst v63  }
0x2c0: {  	s18 =	simm.s32 $0x1280  }
0x2c1: {  	[tilespmem:s18], [sflag:$0x1] =	stream.indirect_vreg.gather [hbm4b:s6+s3], $0x80, v4, vm0, $0xb8;
	[tilespmem:$0x18280] =	vst v63  }
0x2c2: {  	s19 =	simm.s32 $0x1A80  }
0x2c3: {  	[tilespmem:s19], [sflag:$0x1] =	stream.indirect_vreg.gather [hbm4b:s2+s3], $0x80, v3, vm0, $0xb8;
	[tilespmem:$0x18280] =	vst v63  }
0x2c4: {  	s20 =	simm.s32 $0x2280  }
0x2c5: {  	[tilespmem:s20], [sflag:$0x1] =	stream.indirect_vreg.gather [hbm4b:s5+s3], $0x80, v3, vm0, $0xb8;
	[tilespmem:$0x18280] =	vst v63  }
0x2c6: {  	s31 =	simm.s32 $0x2A80  }
0x2c7: {  	[tilespmem:s31], [sflag:$0x1] =	stream.indirect_vreg.gather [hbm4b:s6+s3], $0x80, v3, vm0, $0xb8;
	[tilespmem:$0x18280] =	vst v63  }
0x2c8: {  	v3 =	vld [tilespmem:$0x210];
	_ =	sdelay $0x4  }
0x2c9: {  	v57 =	vshrl.u32 v3, $0x3  }
0x2ca: {  	v4 =	vmul.u32 $0x30, v57  }
0x2cb: {  	v3 =	vand.u32 $0x7, v3  }
0x2cc: {  	v3 =	vor.u32 v3, v4  }
0x2cd: {  	v4 =	vperm.xlane v3, v0;
	_ =	sdelay $0x1  }
0x2ce: {  	v4 =	vadd.s32 v1, v4;
	_ =	sdelay $0x3  }
0x2cf: {  	s20 =	simm.s32 $0x3280;
	v3 =	vperm.xlane v3, v2  }
0x2d0: {  	[tilespmem:s20], [sflag:$0x1] =	stream.indirect_vreg.gather [hbm4b:s2+s3], $0x80, v4, vm0, $0xb8;
	[tilespmem:$0x18280] =	vst v63  }
0x2d1: {  	s21 =	simm.s32 $0x3A80;
	v3 =	vadd.s32 v1, v3  }
0x2d2: {  	[tilespmem:s21], [sflag:$0x1] =	stream.indirect_vreg.gather [hbm4b:s5+s3], $0x80, v4, vm0, $0xb8;
	[tilespmem:$0x18280] =	vst v63  }
0x2d3: {  	s22 =	simm.s32 $0x4280  }
0x2d4: {  	[tilespmem:s22], [sflag:$0x1] =	stream.indirect_vreg.gather [hbm4b:s6+s3], $0x80, v4, vm0, $0xb8;
	[tilespmem:$0x18280] =	vst v63  }
0x2d5: {  	s23 =	simm.s32 $0x4A80  }
0x2d6: {  	[tilespmem:s23], [sflag:$0x1] =	stream.indirect_vreg.gather [hbm4b:s2+s3], $0x80, v3, vm0, $0xb8;
	[tilespmem:$0x18280] =	vst v63  }
0x2d7: {  	s23 =	simm.s32 $0x5280  }
0x2d8: {  	[tilespmem:s23], [sflag:$0x1] =	stream.indirect_vreg.gather [hbm4b:s5+s3], $0x80, v3, vm0, $0xb8;
	[tilespmem:$0x18280] =	vst v63  }
0x2d9: {  	s31 =	simm.s32 $0x5A80  }
0x2da: {  	[tilespmem:s31], [sflag:$0x1] =	stream.indirect_vreg.gather [hbm4b:s6+s3], $0x80, v3, vm0, $0xb8;
	[tilespmem:$0x18280] =	vst v63  }
0x2db: {  	v3 =	vld [tilespmem:$0x220];
	_ =	sdelay $0x4  }
0x2dc: {  	v58 =	vshrl.u32 v3, $0x3  }
0x2dd: {  	v4 =	vmul.u32 $0x30, v58  }
0x2de: {  	v3 =	vand.u32 $0x7, v3  }
0x2df: {  	v3 =	vor.u32 v3, v4  }
0x2e0: {  	v4 =	vperm.xlane v3, v0;
	_ =	sdelay $0x1  }
0x2e1: {  	v4 =	vadd.s32 v1, v4;
	_ =	sdelay $0x3  }
0x2e2: {  	s13 =	simm.s32 $0x6280;
	v3 =	vperm.xlane v3, v2  }
0x2e3: {  	[tilespmem:s13], [sflag:$0x1] =	stream.indirect_vreg.gather [hbm4b:s2+s3], $0x80, v4, vm0, $0xb8;
	[tilespmem:$0x18280] =	vst v63  }
0x2e4: {  	s17 =	simm.s32 $0x6A80;
	v3 =	vadd.s32 v1, v3  }
0x2e5: {  	[tilespmem:s17], [sflag:$0x1] =	stream.indirect_vreg.gather [hbm4b:s5+s3], $0x80, v4, vm0, $0xb8;
	[tilespmem:$0x18280] =	vst v63  }
0x2e6: {  	s18 =	simm.s32 $0x7280  }
0x2e7: {  	[tilespmem:s18], [sflag:$0x1] =	stream.indirect_vreg.gather [hbm4b:s6+s3], $0x80, v4, vm0, $0xb8;
	[tilespmem:$0x18280] =	vst v63  }
0x2e8: {  	s24 =	simm.s32 $0x7A80  }
0x2e9: {  	[tilespmem:s24], [sflag:$0x1] =	stream.indirect_vreg.gather [hbm4b:s2+s3], $0x80, v3, vm0, $0xb8;
	[tilespmem:$0x18280] =	vst v63  }
0x2ea: {  	s30 =	simm.s32 $0x8280  }
0x2eb: {  	[tilespmem:s30], [sflag:$0x1] =	stream.indirect_vreg.gather [hbm4b:s5+s3], $0x80, v3, vm0, $0xb8;
	[tilespmem:$0x18280] =	vst v63  }
0x2ec: {  	s10 =	simm.s32 $0x8A80  }
0x2ed: {  	[tilespmem:s10], [sflag:$0x1] =	stream.indirect_vreg.gather [hbm4b:s6+s3], $0x80, v3, vm0, $0xb8;
	[tilespmem:$0x18280] =	vst v63  }
0x2ee: {  	v3 =	vld [tilespmem:$0x230];
	_ =	sdelay $0x4  }
0x2ef: {  	v59 =	vshrl.u32 v3, $0x3  }
0x2f0: {  	v4 =	vmul.u32 $0x30, v59  }
0x2f1: {  	v3 =	vand.u32 $0x7, v3  }
0x2f2: {  	v3 =	vor.u32 v3, v4  }
0x2f3: {  	v4 =	vperm.xlane v3, v0;
	_ =	sdelay $0x1  }
0x2f4: {  	v4 =	vadd.s32 v1, v4;
	_ =	sdelay $0x3  }
0x2f5: {  	s19 =	simm.s32 $0x9280;
	v3 =	vperm.xlane v3, v2  }
0x2f6: {  	[tilespmem:s19], [sflag:$0x1] =	stream.indirect_vreg.gather [hbm4b:s2+s3], $0x80, v4, vm0, $0xb8;
	[tilespmem:$0x18280] =	vst v63  }
0x2f7: {  	s20 =	simm.s32 $0x9A80;
	v3 =	vadd.s32 v1, v3  }
0x2f8: {  	[tilespmem:s20], [sflag:$0x1] =	stream.indirect_vreg.gather [hbm4b:s5+s3], $0x80, v4, vm0, $0xb8;
	[tilespmem:$0x18280] =	vst v63  }
0x2f9: {  	s21 =	simm.s32 $0xA280  }
0x2fa: {  	[tilespmem:s21], [sflag:$0x1] =	stream.indirect_vreg.gather [hbm4b:s6+s3], $0x80, v4, vm0, $0xb8;
	[tilespmem:$0x18280] =	vst v63  }
0x2fb: {  	s22 =	simm.s32 $0xAA80  }
0x2fc: {  	[tilespmem:s22], [sflag:$0x1] =	stream.indirect_vreg.gather [hbm4b:s2+s3], $0x80, v3, vm0, $0xb8;
	[tilespmem:$0x18280] =	vst v63  }
0x2fd: {  	s23 =	simm.s32 $0xB280  }
0x2fe: {  	[tilespmem:s23], [sflag:$0x1] =	stream.indirect_vreg.gather [hbm4b:s5+s3], $0x80, v3, vm0, $0xb8;
	[tilespmem:$0x18280] =	vst v63  }
0x2ff: {  	s26 =	simm.s32 $0xBA80  }
0x300: {  	[tilespmem:s26], [sflag:$0x1] =	stream.indirect_vreg.gather [hbm4b:s6+s3], $0x80, v3, vm0, $0xb8;
	[tilespmem:$0x18280] =	vst v63  }
0x301: {  	s24 =	rddreg [dreg:$0xb]  }
0x302: {  	[hbm4b:s24+s3] =	stream.linear.scatter [tilespmem:s28], [sflag:$0x3], $0xC000, $0x38;
	[tilespmem:$0x18280] =	vst v63  }
0x303: {  	_ =	swait.ge [sflag:s8], $0xC000  }
0x304: {  	[sflag:s8] =	ssyncset.done $0x0  }
0x305: {  	[sflag:s8] =	ssyncadd.s32 $0xFFFF4000  }
0x306: {  	_ =	swait.ge [sflag:s4], $0xC000  }
0x307: {  	[sflag:s4] =	ssyncset.done $0x0  }
0x308: {  	[sflag:s4] =	ssyncadd.s32 $0xFFFF4000  }
0x309: {  	v3 =	vld [tilespmem:$0x240];
	_ =	sdelay $0x4  }
0x30a: {  	v60 =	vshrl.u32 v3, $0x3  }
0x30b: {  	v4 =	vmul.u32 $0x30, v60  }
0x30c: {  	v3 =	vand.u32 $0x7, v3  }
0x30d: {  	v3 =	vor.u32 v3, v4  }
0x30e: {  	v4 =	vperm.xlane v3, v0;
	_ =	sdelay $0x1  }
0x30f: {  	v4 =	vadd.s32 v1, v4;
	_ =	sdelay $0x3  }
0x310: {  	v3 =	vperm.xlane v3, v2  }
0x311: {  	[tilespmem:s28], [sflag:$0x2] =	stream.indirect_vreg.gather [hbm4b:s2+s3], $0x80, v4, vm0, $0xb8;
	[tilespmem:$0x18280] =	vst v63  }
0x312: {  	s26 =	simm.s32 $0xCA80;
	v3 =	vadd.s32 v1, v3  }
0x313: {  	[tilespmem:s26], [sflag:$0x2] =	stream.indirect_vreg.gather [hbm4b:s5+s3], $0x80, v4, vm0, $0xb8;
	[tilespmem:$0x18280] =	vst v63  }
0x314: {  	s30 =	simm.s32 $0xD280  }
0x315: {  	[tilespmem:s30], [sflag:$0x2] =	stream.indirect_vreg.gather [hbm4b:s6+s3], $0x80, v4, vm0, $0xb8;
	[tilespmem:$0x18280] =	vst v63  }
0x316: {  	s31 =	simm.s32 $0xDA80  }
0x317: {  	[tilespmem:s31], [sflag:$0x2] =	stream.indirect_vreg.gather [hbm4b:s2+s3], $0x80, v3, vm0, $0xb8;
	[tilespmem:$0x18280] =	vst v63  }
0x318: {  	s13 =	simm.s32 $0xE280  }
0x319: {  	[tilespmem:s13], [sflag:$0x2] =	stream.indirect_vreg.gather [hbm4b:s5+s3], $0x80, v3, vm0, $0xb8;
	[tilespmem:$0x18280] =	vst v63  }
0x31a: {  	s29 =	simm.s32 $0xEA80  }
0x31b: {  	[tilespmem:s29], [sflag:$0x2] =	stream.indirect_vreg.gather [hbm4b:s6+s3], $0x80, v3, vm0, $0xb8;
	[tilespmem:$0x18280] =	vst v63  }
0x31c: {  	v3 =	vld [tilespmem:$0x250];
	_ =	sdelay $0x4  }
0x31d: {  	v61 =	vshrl.u32 v3, $0x3  }
0x31e: {  	v4 =	vmul.u32 $0x30, v61  }
0x31f: {  	v3 =	vand.u32 $0x7, v3  }
0x320: {  	v3 =	vor.u32 v3, v4  }
0x321: {  	v4 =	vperm.xlane v3, v0;
	_ =	sdelay $0x1  }
0x322: {  	v4 =	vadd.s32 v1, v4;
	_ =	sdelay $0x3  }
0x323: {  	s14 =	simm.s32 $0xF280;
	v3 =	vperm.xlane v3, v2  }
0x324: {  	[tilespmem:s14], [sflag:$0x2] =	stream.indirect_vreg.gather [hbm4b:s2+s3], $0x80, v4, vm0, $0xb8;
	[tilespmem:$0x18280] =	vst v63  }
0x325: {  	v3 =	vadd.s32 v1, v3;
	s14 =	simm.s32 $0xFA80  }
0x326: {  	[tilespmem:s14], [sflag:$0x2] =	stream.indirect_vreg.gather [hbm4b:s5+s3], $0x80, v4, vm0, $0xb8;
	[tilespmem:$0x18280] =	vst v63  }
0x327: {  	s17 =	simm.s32 $0x10280  }
0x328: {  	[tilespmem:s17], [sflag:$0x2] =	stream.indirect_vreg.gather [hbm4b:s6+s3], $0x80, v4, vm0, $0xb8;
	[tilespmem:$0x18280] =	vst v63  }
0x329: {  	s18 =	simm.s32 $0x10A80  }
0x32a: {  	[tilespmem:s18], [sflag:$0x2] =	stream.indirect_vreg.gather [hbm4b:s2+s3], $0x80, v3, vm0, $0xb8;
	[tilespmem:$0x18280] =	vst v63  }
0x32b: {  	s19 =	simm.s32 $0x11280  }
0x32c: {  	[tilespmem:s19], [sflag:$0x2] =	stream.indirect_vreg.gather [hbm4b:s5+s3], $0x80, v3, vm0, $0xb8;
	[tilespmem:$0x18280] =	vst v63  }
0x32d: {  	s7 =	simm.s32 $0x11A80  }
0x32e: {  	[tilespmem:s7], [sflag:$0x2] =	stream.indirect_vreg.gather [hbm4b:s6+s3], $0x80, v3, vm0, $0xb8;
	[tilespmem:$0x18280] =	vst v63  }
0x32f: {  	v3 =	vld [tilespmem:$0x260];
	_ =	sdelay $0x4  }
0x330: {  	v62 =	vshrl.u32 v3, $0x3  }
0x331: {  	v4 =	vmul.u32 $0x30, v62  }
0x332: {  	v3 =	vand.u32 $0x7, v3  }
0x333: {  	v3 =	vor.u32 v3, v4  }
0x334: {  	v4 =	vperm.xlane v3, v0;
	_ =	sdelay $0x1  }
0x335: {  	v4 =	vadd.s32 v1, v4;
	_ =	sdelay $0x3  }
0x336: {  	s11 =	simm.s32 $0x12280;
	v3 =	vperm.xlane v3, v2  }
0x337: {  	[tilespmem:s11], [sflag:$0x2] =	stream.indirect_vreg.gather [hbm4b:s2+s3], $0x80, v4, vm0, $0xb8;
	[tilespmem:$0x18280] =	vst v63  }
0x338: {  	s20 =	simm.s32 $0x12A80;
	v3 =	vadd.s32 v1, v3  }
0x339: {  	[tilespmem:s20], [sflag:$0x2] =	stream.indirect_vreg.gather [hbm4b:s5+s3], $0x80, v4, vm0, $0xb8;
	[tilespmem:$0x18280] =	vst v63  }
0x33a: {  	s21 =	simm.s32 $0x13280  }
0x33b: {  	[tilespmem:s21], [sflag:$0x2] =	stream.indirect_vreg.gather [hbm4b:s6+s3], $0x80, v4, vm0, $0xb8;
	[tilespmem:$0x18280] =	vst v63  }
0x33c: {  	s22 =	simm.s32 $0x13A80  }
0x33d: {  	[tilespmem:s22], [sflag:$0x2] =	stream.indirect_vreg.gather [hbm4b:s2+s3], $0x80, v3, vm0, $0xb8;
	[tilespmem:$0x18280] =	vst v63  }
0x33e: {  	s23 =	simm.s32 $0x14280  }
0x33f: {  	[tilespmem:s23], [sflag:$0x2] =	stream.indirect_vreg.gather [hbm4b:s5+s3], $0x80, v3, vm0, $0xb8;
	[tilespmem:$0x18280] =	vst v63  }
0x340: {  	s9 =	simm.s32 $0x14A80  }
0x341: {  	[tilespmem:s9], [sflag:$0x2] =	stream.indirect_vreg.gather [hbm4b:s6+s3], $0x80, v3, vm0, $0xb8;
	[tilespmem:$0x18280] =	vst v63  }
0x342: {  	v3 =	vld [tilespmem:$0x270];
	_ =	sdelay $0x4  }
0x343: {  	v63 =	vshrl.u32 v3, $0x3  }
0x344: {  	v4 =	vmul.u32 $0x30, v63  }
0x345: {  	v3 =	vand.u32 $0x7, v3  }
0x346: {  	v3 =	vor.u32 v3, v4  }
0x347: {  	v4 =	vperm.xlane v3, v0;
	_ =	sdelay $0x1  }
0x348: {  	v4 =	vadd.s32 v1, v4;
	_ =	sdelay $0x3  }
0x349: {  	s15 =	simm.s32 $0x15280;
	v3 =	vperm.xlane v3, v2  }
0x34a: {  	[tilespmem:s15], [sflag:$0x2] =	stream.indirect_vreg.gather [hbm4b:s2+s3], $0x80, v4, vm0, $0xb8;
	[tilespmem:$0x18280] =	vst v63  }
0x34b: {  	s24 =	simm.s32 $0x15A80;
	v3 =	vadd.s32 v1, v3  }
0x34c: {  	[tilespmem:s24], [sflag:$0x2] =	stream.indirect_vreg.gather [hbm4b:s5+s3], $0x80, v4, vm0, $0xb8;
	[tilespmem:$0x18280] =	vst v63  }
0x34d: {  	s26 =	simm.s32 $0x16280  }
0x34e: {  	[tilespmem:s26], [sflag:$0x2] =	stream.indirect_vreg.gather [hbm4b:s6+s3], $0x80, v4, vm0, $0xb8;
	[tilespmem:$0x18280] =	vst v63  }
0x34f: {  	s29 =	simm.s32 $0x16A80  }
0x350: {  	[tilespmem:s29], [sflag:$0x2] =	stream.indirect_vreg.gather [hbm4b:s2+s3], $0x80, v3, vm0, $0xb8;
	[tilespmem:$0x18280] =	vst v63  }
0x351: {  	s1 =	simm.s32 $0x17280  }
0x352: {  	[tilespmem:s1], [sflag:$0x2] =	stream.indirect_vreg.gather [hbm4b:s5+s3], $0x80, v3, vm0, $0xb8;
	[tilespmem:$0x18280] =	vst v63  }
0x353: {  	s25 =	simm.s32 $0x17A80  }
0x354: {  	[tilespmem:s25], [sflag:$0x2] =	stream.indirect_vreg.gather [hbm4b:s6+s3], $0x80, v3, vm0, $0xb8;
	[tilespmem:$0x18280] =	vst v63  }
0x355: {  	s16 =	simm.s32 $0x280;
	s30 =	rddreg [dreg:$0xc]  }
0x356: {  	[hbm4b:s30+s3] =	stream.linear.scatter [tilespmem:s16], [sflag:$0x3], $0xC000, $0x38;
	[tilespmem:$0x18280] =	vst v63  }
0x357: {  	s0 =	rddreg [dreg:$0xf];
	_ =	swait.ge [sflag:s8], $0xC000  }
0x358: {  	[sflag:s8] =	ssyncset.done $0x0  }
0x359: {  	[sflag:s8] =	ssyncadd.s32 $0xFFFF4000  }
0x35a: {  	_ =	swait.ge [sflag:s12], $0xC000  }
0x35b: {  	p0 =	sne.s32 s0, $0x1;
	[sflag:s12] =	ssyncset.done $0x0  }
.Ltmp0:
0x35c: {  	s31 =	rddreg [dreg:$0xd];
	[sflag:s12] =	ssyncadd.s32 $0xFFFF4000;
	(pc) =	sbr.rel @p0 .LBB2_1-.Ltmp0, $4  }
0x35d: {  	[hbm4b:s31+s3] =	stream.linear.scatter [tilespmem:s28], [sflag:$0x3], $0xC000, $0x38;
	[tilespmem:$0x18280] =	vst v63  }
0x35e: {  	_ =	swait.ge [sflag:s8], $0xC000  }
0x35f: {  	[sflag:s8] =	ssyncset.done $0x0  }
0x360: {  	s0 =	sadd.s32 $0xFFFFFFFF, s0;
	[sflag:s8] =	ssyncadd.s32 $0xFFFF4000  }
0x361: {  	_ =	sfence.sel $0x180000  }
0x362: {  	[bflag:$0x0] =	sbarrier.arrive $0xFFFF  }
0x363: {  	_ =	strace $0x90000047  }
0x364: {  	s0 =	stileid.u32;
	[bflag:$0x2] =	sbarrier.arrive $0xFFFF  }
0x365: {  	p0 =	sne.s32 s0, $0x0;
	s0 =	rddreg [dreg:$0x3]  }
0x366: {  	s0 =	sadd.s32 @!p0 $0x100000, s0  }
0x367: {  	[sflag:s0] =	ssyncadd.tile.s32 @!p0 $0x1;
	_ =	shalt  }
.Lfunc_end2:
_tile_overlayer_lowered:
.L_overlay_start_2:
0x368: {  	(tag) =	ssettag $0x2  }
0x369: {  	s0 =	rddreg [dreg:$0x0];
	s2 =	stileid.u32  }
0x36a: {  	s1 =	rddreg [dreg:$0x1];
	p0 =	sne.s32 s2, $0x0  }
0x36b: {  	s3 =	rddreg [dreg:$0x2];
	[bflag:$0x3] =	sbarrier.arrive $0xFFFF;
	s2 =	simm.s32 @!p0 $0x1C03  }
0x36c: {  	[timem:s3], [sflag:s2] =	dma.local @!p0 [hbm:s0], s1  }
0x36d: {  	s0 =	simm.s32 @!p0 $0x3  }
0x36e: {  	_ =	swait.ge @!p0 [sflag:s0], s1  }
0x36f: {  	s1 =	ssub.s32 @!p0 $0x0, s1;
	[sflag:s0] =	ssyncset.done @!p0 $0x0  }
0x370: {  	[sflag:s0] =	ssyncadd.s32 @!p0 s1  }
0x371: {  	[bflag:$0x3] =	sbarrier.arrive $0xFFFF  }
0x372: {  	_ =	shalt  }

</sc_bundles>
